<compile_context>
chip_gen: v7x
topology: tpu7x:2x2x1
jax: 0.10.2.dev20260603
libtpu: 0.0.44.dev20260713+nightly
codegen_flags: <defaults>
</compile_context>

<pallas_src>
import functools

import jax
import jax.numpy as jnp
from jax import lax
from jax.experimental import pallas as pl
from jax.experimental.pallas import tpu as pltpu
from jax.experimental.pallas import tpu_sc as plsc

GAMMA = 0.1
EPS = 0.1
NUM_LAYERS = 4

_NC = 2
_NS = 16
_NW = _NC * _NS
_CHUNK = 128


def _dotT(a, b):
  return lax.dot_general(a, b, (((1,), (1,)), ((), ())),
                         preferred_element_type=jnp.float32)


def _dot(a, b):
  return lax.dot_general(a, b, (((1,), (0,)), ((), ())),
                         preferred_element_type=jnp.float32)


_GC = 128
_ZR = 64


@functools.lru_cache(maxsize=None)
def _make_agg(NP, EP0, EP1, H):
  ept0 = EP0 // _NS
  ept1 = EP1 // _NS
  rpt = NP // _NS
  mesh = plsc.VectorSubcoreMesh(core_axis_name="c", subcore_axis_name="s",
                                num_cores=_NC, num_subcores=_NS)

  @functools.partial(
      pl.kernel,
      out_type=jax.ShapeDtypeStruct((_NC * NP, H), jnp.float32),
      mesh=mesh,
      scratch_types=[
          pltpu.VMEM((_GC,), jnp.int32),
          pltpu.VMEM((_GC // _CHUNK, _CHUNK), jnp.int32),
          pltpu.VMEM((_GC, H), jnp.float32),
          pltpu.VMEM((_ZR, H), jnp.float32),
          pltpu.VMEM_SHARED((NP, H), jnp.float32),
          pltpu.SemaphoreType.DMA,
      ],
  )
  def agg(hdup_hbm, src_hbm, dst2_hbm, out_hbm, src_v, dst_v, rows_v, zero_v,
          acc_sh, sem):
    c = lax.axis_index("c")
    s = lax.axis_index("s")
    estart = jnp.where(c == 0, s * ept0, EP0 + s * ept1)
    ng_c = jnp.where(c == 0, ept0, ept1) // _GC

    def zr(r, carry):
      for j in range(H // 16):
        zero_v[r, pl.ds(j * 16, 16)] = jnp.zeros((16,), jnp.float32)
      return carry
    lax.fori_loop(0, _ZR, zr, 0)
    for j in range(rpt // _ZR):
      pltpu.sync_copy(zero_v, acc_sh.at[pl.ds(s * rpt + j * _ZR, _ZR)])
    plsc.subcore_barrier()

    def chunk(i, carry):
      base = pl.multiple_of(estart + i * _GC, _GC)
      pltpu.sync_copy(src_hbm.at[pl.ds(base, _GC)], src_v)
      pltpu.sync_copy(
          dst2_hbm.at[pl.ds(pl.multiple_of(base // _CHUNK, _GC // _CHUNK),
                            _GC // _CHUNK)], dst_v)
      pltpu.async_copy(hdup_hbm.at[src_v], rows_v, sem).wait()
      for j in range(_GC // _CHUNK):
        pltpu.sync_copy(rows_v.at[pl.ds(j * _CHUNK, _CHUNK)],
                        acc_sh.at[dst_v.at[j]], add=True)
      return carry
    lax.fori_loop(0, ng_c, chunk, 0)

    plsc.subcore_barrier()
    pltpu.sync_copy(acc_sh.at[pl.ds(s * rpt, rpt)],
                    out_hbm.at[pl.ds(c * NP + s * rpt, rpt)])

  return agg


def _emb_body(x_ref, w_ref, b_ref, o_ref, o2_ref):
  h = _dotT(x_ref[...], w_ref[...]) + b_ref[...]
  o_ref[...] = h
  o2_ref[...] = jnp.concatenate([h, h], axis=0)


def _layer_body(h_ref, agg_ref, wa_ref, wlin_ref, b_ref, o_ref, o2_ref):
  h = h_ref[...]
  np_ = h.shape[0]
  a = agg_ref[...]
  aggf = a[:np_] + a[np_:]
  hA = _dotT(h, wa_ref[...]) - _dot(h, wa_ref[...]) - GAMMA * h
  neigh = _dotT(aggf, wlin_ref[...])
  conv = hA + neigh + b_ref[...]
  hn = h + EPS * jnp.tanh(conv)
  o_ref[...] = hn
  o2_ref[...] = jnp.concatenate([hn, hn], axis=0)


def _readout_body(h_ref, w1_ref, b1_ref, w2_ref, b2_ref, o_ref):
  t = _dotT(h_ref[...], w1_ref[...]) + b1_ref[...]
  t = jnp.where(t > 0, t, 0.01 * t)
  t = _dotT(t, w2_ref[...]) + b2_ref[...]
  o_ref[...] = jnp.where(t > 0, t, 0.01 * t)


def kernel(x, edge_index, batch, W_emb, b_emb, W_A, bias_conv, W_lin,
           W_r1, b_r1, W_r2, b_r2):
  N, D = x.shape
  H = W_emb.shape[0]
  OUT = W_r2.shape[0]
  E = edge_index.shape[1]

  NP = (N // (_NS * _CHUNK) + 1) * (_NS * _CHUNK)
  grain = _NS * _GC
  EP = -(-E // (_NC * grain)) * (_NC * grain)
  EP0 = min(max(grain, round(0.6 * EP / grain) * grain), EP - grain)
  EP1 = EP - EP0

  src = edge_index[0]
  dst = edge_index[1]
  if EP > E:
    pad_dst = N + jnp.arange(EP - E, dtype=jnp.int32) % (NP - N)
    src = jnp.concatenate([src, jnp.zeros((EP - E,), jnp.int32)])
    dst = jnp.concatenate([dst, pad_dst])
  src = jnp.where(jnp.arange(EP) < EP0, src, src + NP)
  dst2 = dst.reshape(EP // _CHUNK, _CHUNK)
  x_p = jnp.pad(x, ((0, NP - N), (0, 0))) if NP > N else x

  agg_call = _make_agg(NP, EP0, EP1, H)

  emb = pl.pallas_call(
      _emb_body,
      out_shape=[jax.ShapeDtypeStruct((NP, H), jnp.float32),
                 jax.ShapeDtypeStruct((2 * NP, H), jnp.float32)])
  layer = pl.pallas_call(
      _layer_body,
      out_shape=[jax.ShapeDtypeStruct((NP, H), jnp.float32),
                 jax.ShapeDtypeStruct((2 * NP, H), jnp.float32)])
  readout = pl.pallas_call(
      _readout_body, out_shape=jax.ShapeDtypeStruct((NP, OUT), jnp.float32))

  h, hdup = emb(x_p, W_emb, b_emb.reshape(1, H))
  for _ in range(NUM_LAYERS):
    parts = agg_call(hdup, src, dst2)
    h, hdup = layer(h, parts, W_A, W_lin, bias_conv.reshape(1, H))
  out = readout(h, W_r1, b_r1.reshape(1, -1), W_r2, b_r2.reshape(1, OUT))
  return out[:N]

# --- scband reference (transcript-rebuilt; emitter-appended) ---
"""Pipeline reference for scband-adgn-6253472383693 (READ-ONLY COPY).

The authoritative reference and input builder live on the scoring server;
editing this copy changes nothing except your own understanding.
"""

import jax, jax.numpy as jnp
import numpy as np

N = 10000
E = 320000
D = 128
H = 128
OUT = 128
NUM_LAYERS = 4
GAMMA = 0.1
EPS = 0.1


def setup_inputs(seed: int = 0) -> dict:
    key = jax.random.key(seed)
    ks = jax.random.split(key, 12)
    x = jax.random.normal(ks[0], (N, D), dtype=jnp.float32)
    edge_index = jax.random.randint(ks[1], (2, E), 0, N, dtype=jnp.int32)
    batch = jnp.zeros((N,), dtype=jnp.int32)
    # emb: Linear(D, H)
    W_emb = jax.random.normal(ks[2], (H, D), dtype=jnp.float32) * 0.05
    b_emb = jax.random.normal(ks[3], (H,), dtype=jnp.float32) * 0.05
    # AntiSymmetricConv antisymmetric weight param W [H,H]
    W_A = jax.random.normal(ks[4], (H, H), dtype=jnp.float32) * 0.05
    bias_conv = jax.random.normal(ks[5], (H,), dtype=jnp.float32) * 0.05
    # NaiveAggr lin: Linear(H, H, bias=False)
    W_lin = jax.random.normal(ks[6], (H, H), dtype=jnp.float32) * 0.05
    # node-level readout: Linear(H, H//2) -> LeakyReLU -> Linear(H//2, OUT) -> LeakyReLU
    W_r1 = jax.random.normal(ks[7], (H // 2, H), dtype=jnp.float32) * 0.05
    b_r1 = jax.random.normal(ks[8], (H // 2,), dtype=jnp.float32) * 0.05
    W_r2 = jax.random.normal(ks[9], (OUT, H // 2), dtype=jnp.float32) * 0.05
    b_r2 = jax.random.normal(ks[10], (OUT,), dtype=jnp.float32) * 0.05
    return {"x": x, "edge_index": edge_index, "batch": batch,
            "W_emb": W_emb, "b_emb": b_emb, "W_A": W_A, "bias_conv": bias_conv,
            "W_lin": W_lin, "W_r1": W_r1, "b_r1": b_r1, "W_r2": W_r2, "b_r2": b_r2}


def reference(x, edge_index, batch, W_emb, b_emb, W_A, bias_conv, W_lin, W_r1, b_r1, W_r2, b_r2):
    # ADGN forward, node_level_task=True, weight_sharing=True (single conv, num_iters=NUM_LAYERS)
    h = x @ W_emb.T + b_emb
    A = W_A - W_A.T - GAMMA * jnp.eye(H, dtype=W_A.dtype)
    src = edge_index[0]
    dst = edge_index[1]
    for _ in range(NUM_LAYERS):
        # NaiveAggr: sum_{j in N(i)} (W_lin x_j), message gathered at src, scatter-add at dst
        hx = h @ W_lin.T
        msg = jnp.take(hx, src, axis=0)
        neigh = jax.ops.segment_sum(msg, dst, num_segments=N)
        conv = h @ A.T + neigh + bias_conv
        h = h + EPS * jnp.tanh(conv)
    h = jax.nn.leaky_relu(h @ W_r1.T + b_r1, negative_slope=0.01)
    h = jax.nn.leaky_relu(h @ W_r2.T + b_r2, negative_slope=0.01)
    return h

if __name__ == "__main__":
    import jax
    _d = setup_inputs()
    print(jax.jit(kernel)(*tuple(_d.values())))

</pallas_src>

<mosaic_0001>
#map = affine_map<(d0, d1) -> (0, 0)>
#map1 = affine_map<(d0, d1) -> (0)>
module attributes {stable_mosaic.version = 14 : i64} {
  func.func @agg(%arg0: i32, %arg1: i32, %arg2: memref<20480x128xf32, #tpu.memory_space<hbm>>, %arg3: memref<323584xi32, #tpu.memory_space<hbm>>, %arg4: memref<2528x128xi32, #tpu.memory_space<hbm>>, %arg5: memref<20480x128xf32, #tpu.memory_space<hbm>>, %arg6: memref<128xi32, #tpu.memory_space<vmem>>, %arg7: memref<1x128xi32, #tpu.memory_space<vmem>>, %arg8: memref<128x128xf32, #tpu.memory_space<vmem>>, %arg9: memref<64x128xf32, #tpu.memory_space<vmem>>, %arg10: memref<10240x128xf32, #tpu.memory_space<vmem_shared>>, %arg11: memref<!tpu.dma_semaphore, #tpu.memory_space<semaphore_mem>>) attributes {dimension_semantics = [#tpu.dimension_semantics<core_parallel>, #tpu.dimension_semantics<subcore_parallel>], iteration_bounds = array<i64: 2, 16>, scalar_prefetch = 0 : i64, scratch_operands = 6 : i64, tpu.core_type = #tpu.core_type<sc_vector_subcore>, window_params = [{transform_indices = #map}, {transform_indices = #map1}, {transform_indices = #map}, {transform_indices = #map}]} {
    %eq3A = arith.constant 0 : i32
    %eq3A_0 = arith.cmpi eq, %arg0, %eq3A : i32
    %mul3A = arith.constant 12160 : i32
    %mul3A_1 = arith.muli %arg1, %mul3A : i32
    %mul3A_2 = arith.constant 8064 : i32
    %mul3A_3 = arith.muli %arg1, %mul3A_2 : i32
    %add3A = arith.constant 194560 : i32
    %add3A_4 = arith.addi %add3A, %mul3A_3 : i32
    %select_n3A = arith.select %eq3A_0, %mul3A_1, %add3A_4 : i32
    %eq3A_5 = arith.constant 0 : i32
    %eq3A_6 = arith.cmpi eq, %arg0, %eq3A_5 : i32
    %jit3A = arith.constant 12160 : i32
    %jit3A_7 = arith.constant 8064 : i32
    %select_n3A_8 = arith.select %eq3A_6, %jit3A, %jit3A_7 : i32
    %jit3A_9 = arith.constant 128 : i32
    %div3A = arith.divsi %select_n3A_8, %jit3A_9 : i32
    %sign3A = arith.constant 0 : i32
    %sign3A_10 = arith.cmpi sgt, %select_n3A_8, %sign3A : i32
    %sign3A_11 = arith.extui %sign3A_10 : i1 to i32
    %sign3A_12 = arith.constant 0 : i32
    %sign3A_13 = arith.cmpi slt, %select_n3A_8, %sign3A_12 : i32
    %sign3A_14 = arith.extui %sign3A_13 : i1 to i32
    %sign3A_15 = arith.subi %sign3A_11, %sign3A_14 : i32
    %sign3A_16 = arith.constant 0 : i32
    %sign3A_17 = arith.cmpi sgt, %jit3A_9, %sign3A_16 : i32
    %sign3A_18 = arith.extui %sign3A_17 : i1 to i32
    %sign3A_19 = arith.constant 0 : i32
    %sign3A_20 = arith.cmpi slt, %jit3A_9, %sign3A_19 : i32
    %sign3A_21 = arith.extui %sign3A_20 : i1 to i32
    %sign3A_22 = arith.subi %sign3A_18, %sign3A_21 : i32
    %ne3A = arith.cmpi ne, %sign3A_15, %sign3A_22 : i32
    %rem3A = arith.remsi %select_n3A_8, %jit3A_9 : i32
    %ne3A_23 = arith.constant 0 : i32
    %ne3A_24 = arith.cmpi ne, %rem3A, %ne3A_23 : i32
    %and3A = arith.andi %ne3A, %ne3A_24 : i1
    %sub3A = arith.constant 1 : i32
    %sub3A_25 = arith.subi %div3A, %sub3A : i32
    %select_n3A_26 = arith.select %and3A, %sub3A_25, %div3A : i32
    %scan3A = arith.constant 0 : i32
    %scan3A_27 = arith.constant 0 : i32
    %scan3A_28 = arith.constant 64 : i32
    %scan3A_29 = arith.addi %scan3A_27, %scan3A_28 : i32
    %scan3A_30 = arith.constant 1 : i32
    scf.for %scan3A_89 = %scan3A_27 to %scan3A_29 step %scan3A_30  : i32 {
      %broadcast_in_dim3A = arith.constant 0.000000e+00 : f32
      %broadcast_in_dim3A_90 = vector.broadcast %broadcast_in_dim3A : f32 to vector<16xf32>
      %swap3A = arith.index_cast %scan3A_89 : i32 to index
      %swap3A_91 = arith.constant 0 : index
      %swap3A_92 = tpu.vector_load %arg9[%swap3A, %swap3A_91] {strides = array<i32>} : memref<64x128xf32, #tpu.memory_space<vmem>>, vector<1x16xf32>,
      %swap3A_93 = vector.shape_cast %swap3A_92 : vector<1x16xf32> to vector<16xf32>
      %swap3A_94 = vector.shape_cast %broadcast_in_dim3A_90 : vector<16xf32> to vector<1x16xf32>
      tpu.vector_store %arg9[%swap3A, %swap3A_91], %swap3A_94 {strides = array<i32>} : memref<64x128xf32, #tpu.memory_space<vmem>>, vector<1x16xf32>,
      %broadcast_in_dim3A_95 = arith.constant 0.000000e+00 : f32
      %broadcast_in_dim3A_96 = vector.broadcast %broadcast_in_dim3A_95 : f32 to vector<16xf32>
      %swap3A_97 = arith.index_cast %scan3A_89 : i32 to index
      %swap3A_98 = arith.constant 16 : index
      %swap3A_99 = tpu.vector_load %arg9[%swap3A_97, %swap3A_98] {strides = array<i32>} : memref<64x128xf32, #tpu.memory_space<vmem>>, vector<1x16xf32>,
      %swap3A_100 = vector.shape_cast %swap3A_99 : vector<1x16xf32> to vector<16xf32>
      %swap3A_101 = vector.shape_cast %broadcast_in_dim3A_96 : vector<16xf32> to vector<1x16xf32>
      tpu.vector_store %arg9[%swap3A_97, %swap3A_98], %swap3A_101 {strides = array<i32>} : memref<64x128xf32, #tpu.memory_space<vmem>>, vector<1x16xf32>,
      %broadcast_in_dim3A_102 = arith.constant 0.000000e+00 : f32
      %broadcast_in_dim3A_103 = vector.broadcast %broadcast_in_dim3A_102 : f32 to vector<16xf32>
      %swap3A_104 = arith.index_cast %scan3A_89 : i32 to index
      %swap3A_105 = arith.constant 32 : index
      %swap3A_106 = tpu.vector_load %arg9[%swap3A_104, %swap3A_105] {strides = array<i32>} : memref<64x128xf32, #tpu.memory_space<vmem>>, vector<1x16xf32>,
      %swap3A_107 = vector.shape_cast %swap3A_106 : vector<1x16xf32> to vector<16xf32>
      %swap3A_108 = vector.shape_cast %broadcast_in_dim3A_103 : vector<16xf32> to vector<1x16xf32>
      tpu.vector_store %arg9[%swap3A_104, %swap3A_105], %swap3A_108 {strides = array<i32>} : memref<64x128xf32, #tpu.memory_space<vmem>>, vector<1x16xf32>,
      %broadcast_in_dim3A_109 = arith.constant 0.000000e+00 : f32
      %broadcast_in_dim3A_110 = vector.broadcast %broadcast_in_dim3A_109 : f32 to vector<16xf32>
      %swap3A_111 = arith.index_cast %scan3A_89 : i32 to index
      %swap3A_112 = arith.constant 48 : index
      %swap3A_113 = tpu.vector_load %arg9[%swap3A_111, %swap3A_112] {strides = array<i32>} : memref<64x128xf32, #tpu.memory_space<vmem>>, vector<1x16xf32>,
      %swap3A_114 = vector.shape_cast %swap3A_113 : vector<1x16xf32> to vector<16xf32>
      %swap3A_115 = vector.shape_cast %broadcast_in_dim3A_110 : vector<16xf32> to vector<1x16xf32>
      tpu.vector_store %arg9[%swap3A_111, %swap3A_112], %swap3A_115 {strides = array<i32>} : memref<64x128xf32, #tpu.memory_space<vmem>>, vector<1x16xf32>,
      %broadcast_in_dim3A_116 = arith.constant 0.000000e+00 : f32
      %broadcast_in_dim3A_117 = vector.broadcast %broadcast_in_dim3A_116 : f32 to vector<16xf32>
      %swap3A_118 = arith.index_cast %scan3A_89 : i32 to index
      %swap3A_119 = arith.constant 64 : index
      %swap3A_120 = tpu.vector_load %arg9[%swap3A_118, %swap3A_119] {strides = array<i32>} : memref<64x128xf32, #tpu.memory_space<vmem>>, vector<1x16xf32>,
      %swap3A_121 = vector.shape_cast %swap3A_120 : vector<1x16xf32> to vector<16xf32>
      %swap3A_122 = vector.shape_cast %broadcast_in_dim3A_117 : vector<16xf32> to vector<1x16xf32>
      tpu.vector_store %arg9[%swap3A_118, %swap3A_119], %swap3A_122 {strides = array<i32>} : memref<64x128xf32, #tpu.memory_space<vmem>>, vector<1x16xf32>,
      %broadcast_in_dim3A_123 = arith.constant 0.000000e+00 : f32
      %broadcast_in_dim3A_124 = vector.broadcast %broadcast_in_dim3A_123 : f32 to vector<16xf32>
      %swap3A_125 = arith.index_cast %scan3A_89 : i32 to index
      %swap3A_126 = arith.constant 80 : index
      %swap3A_127 = tpu.vector_load %arg9[%swap3A_125, %swap3A_126] {strides = array<i32>} : memref<64x128xf32, #tpu.memory_space<vmem>>, vector<1x16xf32>,
      %swap3A_128 = vector.shape_cast %swap3A_127 : vector<1x16xf32> to vector<16xf32>
      %swap3A_129 = vector.shape_cast %broadcast_in_dim3A_124 : vector<16xf32> to vector<1x16xf32>
      tpu.vector_store %arg9[%swap3A_125, %swap3A_126], %swap3A_129 {strides = array<i32>} : memref<64x128xf32, #tpu.memory_space<vmem>>, vector<1x16xf32>,
      %broadcast_in_dim3A_130 = arith.constant 0.000000e+00 : f32
      %broadcast_in_dim3A_131 = vector.broadcast %broadcast_in_dim3A_130 : f32 to vector<16xf32>
      %swap3A_132 = arith.index_cast %scan3A_89 : i32 to index
      %swap3A_133 = arith.constant 96 : index
      %swap3A_134 = tpu.vector_load %arg9[%swap3A_132, %swap3A_133] {strides = array<i32>} : memref<64x128xf32, #tpu.memory_space<vmem>>, vector<1x16xf32>,
      %swap3A_135 = vector.shape_cast %swap3A_134 : vector<1x16xf32> to vector<16xf32>
      %swap3A_136 = vector.shape_cast %broadcast_in_dim3A_131 : vector<16xf32> to vector<1x16xf32>
      tpu.vector_store %arg9[%swap3A_132, %swap3A_133], %swap3A_136 {strides = array<i32>} : memref<64x128xf32, #tpu.memory_space<vmem>>, vector<1x16xf32>,
      %broadcast_in_dim3A_137 = arith.constant 0.000000e+00 : f32
      %broadcast_in_dim3A_138 = vector.broadcast %broadcast_in_dim3A_137 : f32 to vector<16xf32>
      %swap3A_139 = arith.index_cast %scan3A_89 : i32 to index
      %swap3A_140 = arith.constant 112 : index
      %swap3A_141 = tpu.vector_load %arg9[%swap3A_139, %swap3A_140] {strides = array<i32>} : memref<64x128xf32, #tpu.memory_space<vmem>>, vector<1x16xf32>,
      %swap3A_142 = vector.shape_cast %swap3A_141 : vector<1x16xf32> to vector<16xf32>
      %swap3A_143 = vector.shape_cast %broadcast_in_dim3A_138 : vector<16xf32> to vector<1x16xf32>
      tpu.vector_store %arg9[%swap3A_139, %swap3A_140], %swap3A_143 {strides = array<i32>} : memref<64x128xf32, #tpu.memory_space<vmem>>, vector<1x16xf32>,
    }
    %scan3A_31 = arith.constant 64 : i32
    %mul3A_32 = arith.constant 640 : i32
    %mul3A_33 = arith.muli %arg1, %mul3A_32 : i32
    %add3A_34 = arith.constant 0 : i32
    %add3A_35 = arith.addi %mul3A_33, %add3A_34 : i32
    "tpu.region"() ({
      %run_scoped3A = tpu.sem_alloc : memref<!tpu.dma_semaphore, #tpu.memory_space<semaphore_mem>>
      %dma_start3A = arith.constant 0 : i32
      %dma_start3A_89 = tpu.memref_slice %arg10[%add3A_35, %dma_start3A] : memref<10240x128xf32, #tpu.memory_space<vmem_shared>> -> memref<64x128xf32, #tpu.memory_space<vmem_shared>>
      %dma_start3A_90 = arith.constant 0 : i32
      %dma_start3A_91 = tpu.memref_slice %arg10[%add3A_35, %dma_start3A_90] : memref<10240x128xf32, #tpu.memory_space<vmem_shared>> -> memref<64x128xf32, #tpu.memory_space<vmem_shared>>
      tpu.enqueue_dma source(%arg9 : memref<64x128xf32, #tpu.memory_space<vmem>>) target(%dma_start3A_91 : memref<64x128xf32, #tpu.memory_space<vmem_shared>>) target_semaphore(%run_scoped3A : memref<!tpu.dma_semaphore, #tpu.memory_space<semaphore_mem>>)
      %dma_wait3A = arith.constant 0 : i32
      %dma_wait3A_92 = tpu.memref_slice %arg10[%add3A_35, %dma_wait3A] : memref<10240x128xf32, #tpu.memory_space<vmem_shared>> -> memref<64x128xf32, #tpu.memory_space<vmem_shared>>
      %dma_wait3A_93 = arith.constant 0 : i32
      %dma_wait3A_94 = tpu.memref_slice %arg10[%add3A_35, %dma_wait3A_93] : memref<10240x128xf32, #tpu.memory_space<vmem_shared>> -> memref<64x128xf32, #tpu.memory_space<vmem_shared>>
      tpu.wait_dma2 semaphore(%run_scoped3A : memref<!tpu.dma_semaphore, #tpu.memory_space<semaphore_mem>>) src(%arg9 : memref<64x128xf32, #tpu.memory_space<vmem>>) dst(%dma_wait3A_94 : memref<64x128xf32, #tpu.memory_space<vmem_shared>>)
      tpu.yield
    }) : () -> ()
    %mul3A_36 = arith.constant 640 : i32
    %mul3A_37 = arith.muli %arg1, %mul3A_36 : i32
    %add3A_38 = arith.constant 64 : i32
    %add3A_39 = arith.addi %mul3A_37, %add3A_38 : i32
    "tpu.region"() ({
      %run_scoped3A = tpu.sem_alloc : memref<!tpu.dma_semaphore, #tpu.memory_space<semaphore_mem>>
      %dma_start3A = arith.constant 0 : i32
      %dma_start3A_89 = tpu.memref_slice %arg10[%add3A_39, %dma_start3A] : memref<10240x128xf32, #tpu.memory_space<vmem_shared>> -> memref<64x128xf32, #tpu.memory_space<vmem_shared>>
      %dma_start3A_90 = arith.constant 0 : i32
      %dma_start3A_91 = tpu.memref_slice %arg10[%add3A_39, %dma_start3A_90] : memref<10240x128xf32, #tpu.memory_space<vmem_shared>> -> memref<64x128xf32, #tpu.memory_space<vmem_shared>>
      tpu.enqueue_dma source(%arg9 : memref<64x128xf32, #tpu.memory_space<vmem>>) target(%dma_start3A_91 : memref<64x128xf32, #tpu.memory_space<vmem_shared>>) target_semaphore(%run_scoped3A : memref<!tpu.dma_semaphore, #tpu.memory_space<semaphore_mem>>)
      %dma_wait3A = arith.constant 0 : i32
      %dma_wait3A_92 = tpu.memref_slice %arg10[%add3A_39, %dma_wait3A] : memref<10240x128xf32, #tpu.memory_space<vmem_shared>> -> memref<64x128xf32, #tpu.memory_space<vmem_shared>>
      %dma_wait3A_93 = arith.constant 0 : i32
      %dma_wait3A_94 = tpu.memref_slice %arg10[%add3A_39, %dma_wait3A_93] : memref<10240x128xf32, #tpu.memory_space<vmem_shared>> -> memref<64x128xf32, #tpu.memory_space<vmem_shared>>
      tpu.wait_dma2 semaphore(%run_scoped3A : memref<!tpu.dma_semaphore, #tpu.memory_space<semaphore_mem>>) src(%arg9 : memref<64x128xf32, #tpu.memory_space<vmem>>) dst(%dma_wait3A_94 : memref<64x128xf32, #tpu.memory_space<vmem_shared>>)
      tpu.yield
    }) : () -> ()
    %mul3A_40 = arith.constant 640 : i32
    %mul3A_41 = arith.muli %arg1, %mul3A_40 : i32
    %add3A_42 = arith.constant 128 : i32
    %add3A_43 = arith.addi %mul3A_41, %add3A_42 : i32
    "tpu.region"() ({
      %run_scoped3A = tpu.sem_alloc : memref<!tpu.dma_semaphore, #tpu.memory_space<semaphore_mem>>
      %dma_start3A = arith.constant 0 : i32
      %dma_start3A_89 = tpu.memref_slice %arg10[%add3A_43, %dma_start3A] : memref<10240x128xf32, #tpu.memory_space<vmem_shared>> -> memref<64x128xf32, #tpu.memory_space<vmem_shared>>
      %dma_start3A_90 = arith.constant 0 : i32
      %dma_start3A_91 = tpu.memref_slice %arg10[%add3A_43, %dma_start3A_90] : memref<10240x128xf32, #tpu.memory_space<vmem_shared>> -> memref<64x128xf32, #tpu.memory_space<vmem_shared>>
      tpu.enqueue_dma source(%arg9 : memref<64x128xf32, #tpu.memory_space<vmem>>) target(%dma_start3A_91 : memref<64x128xf32, #tpu.memory_space<vmem_shared>>) target_semaphore(%run_scoped3A : memref<!tpu.dma_semaphore, #tpu.memory_space<semaphore_mem>>)
      %dma_wait3A = arith.constant 0 : i32
      %dma_wait3A_92 = tpu.memref_slice %arg10[%add3A_43, %dma_wait3A] : memref<10240x128xf32, #tpu.memory_space<vmem_shared>> -> memref<64x128xf32, #tpu.memory_space<vmem_shared>>
      %dma_wait3A_93 = arith.constant 0 : i32
      %dma_wait3A_94 = tpu.memref_slice %arg10[%add3A_43, %dma_wait3A_93] : memref<10240x128xf32, #tpu.memory_space<vmem_shared>> -> memref<64x128xf32, #tpu.memory_space<vmem_shared>>
      tpu.wait_dma2 semaphore(%run_scoped3A : memref<!tpu.dma_semaphore, #tpu.memory_space<semaphore_mem>>) src(%arg9 : memref<64x128xf32, #tpu.memory_space<vmem>>) dst(%dma_wait3A_94 : memref<64x128xf32, #tpu.memory_space<vmem_shared>>)
      tpu.yield
    }) : () -> ()
    %mul3A_44 = arith.constant 640 : i32
    %mul3A_45 = arith.muli %arg1, %mul3A_44 : i32
    %add3A_46 = arith.constant 192 : i32
    %add3A_47 = arith.addi %mul3A_45, %add3A_46 : i32
    "tpu.region"() ({
      %run_scoped3A = tpu.sem_alloc : memref<!tpu.dma_semaphore, #tpu.memory_space<semaphore_mem>>
      %dma_start3A = arith.constant 0 : i32
      %dma_start3A_89 = tpu.memref_slice %arg10[%add3A_47, %dma_start3A] : memref<10240x128xf32, #tpu.memory_space<vmem_shared>> -> memref<64x128xf32, #tpu.memory_space<vmem_shared>>
      %dma_start3A_90 = arith.constant 0 : i32
      %dma_start3A_91 = tpu.memref_slice %arg10[%add3A_47, %dma_start3A_90] : memref<10240x128xf32, #tpu.memory_space<vmem_shared>> -> memref<64x128xf32, #tpu.memory_space<vmem_shared>>
      tpu.enqueue_dma source(%arg9 : memref<64x128xf32, #tpu.memory_space<vmem>>) target(%dma_start3A_91 : memref<64x128xf32, #tpu.memory_space<vmem_shared>>) target_semaphore(%run_scoped3A : memref<!tpu.dma_semaphore, #tpu.memory_space<semaphore_mem>>)
      %dma_wait3A = arith.constant 0 : i32
      %dma_wait3A_92 = tpu.memref_slice %arg10[%add3A_47, %dma_wait3A] : memref<10240x128xf32, #tpu.memory_space<vmem_shared>> -> memref<64x128xf32, #tpu.memory_space<vmem_shared>>
      %dma_wait3A_93 = arith.constant 0 : i32
      %dma_wait3A_94 = tpu.memref_slice %arg10[%add3A_47, %dma_wait3A_93] : memref<10240x128xf32, #tpu.memory_space<vmem_shared>> -> memref<64x128xf32, #tpu.memory_space<vmem_shared>>
      tpu.wait_dma2 semaphore(%run_scoped3A : memref<!tpu.dma_semaphore, #tpu.memory_space<semaphore_mem>>) src(%arg9 : memref<64x128xf32, #tpu.memory_space<vmem>>) dst(%dma_wait3A_94 : memref<64x128xf32, #tpu.memory_space<vmem_shared>>)
      tpu.yield
    }) : () -> ()
    %mul3A_48 = arith.constant 640 : i32
    %mul3A_49 = arith.muli %arg1, %mul3A_48 : i32
    %add3A_50 = arith.constant 256 : i32
    %add3A_51 = arith.addi %mul3A_49, %add3A_50 : i32
    "tpu.region"() ({
      %run_scoped3A = tpu.sem_alloc : memref<!tpu.dma_semaphore, #tpu.memory_space<semaphore_mem>>
      %dma_start3A = arith.constant 0 : i32
      %dma_start3A_89 = tpu.memref_slice %arg10[%add3A_51, %dma_start3A] : memref<10240x128xf32, #tpu.memory_space<vmem_shared>> -> memref<64x128xf32, #tpu.memory_space<vmem_shared>>
      %dma_start3A_90 = arith.constant 0 : i32
      %dma_start3A_91 = tpu.memref_slice %arg10[%add3A_51, %dma_start3A_90] : memref<10240x128xf32, #tpu.memory_space<vmem_shared>> -> memref<64x128xf32, #tpu.memory_space<vmem_shared>>
      tpu.enqueue_dma source(%arg9 : memref<64x128xf32, #tpu.memory_space<vmem>>) target(%dma_start3A_91 : memref<64x128xf32, #tpu.memory_space<vmem_shared>>) target_semaphore(%run_scoped3A : memref<!tpu.dma_semaphore, #tpu.memory_space<semaphore_mem>>)
      %dma_wait3A = arith.constant 0 : i32
      %dma_wait3A_92 = tpu.memref_slice %arg10[%add3A_51, %dma_wait3A] : memref<10240x128xf32, #tpu.memory_space<vmem_shared>> -> memref<64x128xf32, #tpu.memory_space<vmem_shared>>
      %dma_wait3A_93 = arith.constant 0 : i32
      %dma_wait3A_94 = tpu.memref_slice %arg10[%add3A_51, %dma_wait3A_93] : memref<10240x128xf32, #tpu.memory_space<vmem_shared>> -> memref<64x128xf32, #tpu.memory_space<vmem_shared>>
      tpu.wait_dma2 semaphore(%run_scoped3A : memref<!tpu.dma_semaphore, #tpu.memory_space<semaphore_mem>>) src(%arg9 : memref<64x128xf32, #tpu.memory_space<vmem>>) dst(%dma_wait3A_94 : memref<64x128xf32, #tpu.memory_space<vmem_shared>>)
      tpu.yield
    }) : () -> ()
    %mul3A_52 = arith.constant 640 : i32
    %mul3A_53 = arith.muli %arg1, %mul3A_52 : i32
    %add3A_54 = arith.constant 320 : i32
    %add3A_55 = arith.addi %mul3A_53, %add3A_54 : i32
    "tpu.region"() ({
      %run_scoped3A = tpu.sem_alloc : memref<!tpu.dma_semaphore, #tpu.memory_space<semaphore_mem>>
      %dma_start3A = arith.constant 0 : i32
      %dma_start3A_89 = tpu.memref_slice %arg10[%add3A_55, %dma_start3A] : memref<10240x128xf32, #tpu.memory_space<vmem_shared>> -> memref<64x128xf32, #tpu.memory_space<vmem_shared>>
      %dma_start3A_90 = arith.constant 0 : i32
      %dma_start3A_91 = tpu.memref_slice %arg10[%add3A_55, %dma_start3A_90] : memref<10240x128xf32, #tpu.memory_space<vmem_shared>> -> memref<64x128xf32, #tpu.memory_space<vmem_shared>>
      tpu.enqueue_dma source(%arg9 : memref<64x128xf32, #tpu.memory_space<vmem>>) target(%dma_start3A_91 : memref<64x128xf32, #tpu.memory_space<vmem_shared>>) target_semaphore(%run_scoped3A : memref<!tpu.dma_semaphore, #tpu.memory_space<semaphore_mem>>)
      %dma_wait3A = arith.constant 0 : i32
      %dma_wait3A_92 = tpu.memref_slice %arg10[%add3A_55, %dma_wait3A] : memref<10240x128xf32, #tpu.memory_space<vmem_shared>> -> memref<64x128xf32, #tpu.memory_space<vmem_shared>>
      %dma_wait3A_93 = arith.constant 0 : i32
      %dma_wait3A_94 = tpu.memref_slice %arg10[%add3A_55, %dma_wait3A_93] : memref<10240x128xf32, #tpu.memory_space<vmem_shared>> -> memref<64x128xf32, #tpu.memory_space<vmem_shared>>
      tpu.wait_dma2 semaphore(%run_scoped3A : memref<!tpu.dma_semaphore, #tpu.memory_space<semaphore_mem>>) src(%arg9 : memref<64x128xf32, #tpu.memory_space<vmem>>) dst(%dma_wait3A_94 : memref<64x128xf32, #tpu.memory_space<vmem_shared>>)
      tpu.yield
    }) : () -> ()
    %mul3A_56 = arith.constant 640 : i32
    %mul3A_57 = arith.muli %arg1, %mul3A_56 : i32
    %add3A_58 = arith.constant 384 : i32
    %add3A_59 = arith.addi %mul3A_57, %add3A_58 : i32
    "tpu.region"() ({
      %run_scoped3A = tpu.sem_alloc : memref<!tpu.dma_semaphore, #tpu.memory_space<semaphore_mem>>
      %dma_start3A = arith.constant 0 : i32
      %dma_start3A_89 = tpu.memref_slice %arg10[%add3A_59, %dma_start3A] : memref<10240x128xf32, #tpu.memory_space<vmem_shared>> -> memref<64x128xf32, #tpu.memory_space<vmem_shared>>
      %dma_start3A_90 = arith.constant 0 : i32
      %dma_start3A_91 = tpu.memref_slice %arg10[%add3A_59, %dma_start3A_90] : memref<10240x128xf32, #tpu.memory_space<vmem_shared>> -> memref<64x128xf32, #tpu.memory_space<vmem_shared>>
      tpu.enqueue_dma source(%arg9 : memref<64x128xf32, #tpu.memory_space<vmem>>) target(%dma_start3A_91 : memref<64x128xf32, #tpu.memory_space<vmem_shared>>) target_semaphore(%run_scoped3A : memref<!tpu.dma_semaphore, #tpu.memory_space<semaphore_mem>>)
      %dma_wait3A = arith.constant 0 : i32
      %dma_wait3A_92 = tpu.memref_slice %arg10[%add3A_59, %dma_wait3A] : memref<10240x128xf32, #tpu.memory_space<vmem_shared>> -> memref<64x128xf32, #tpu.memory_space<vmem_shared>>
      %dma_wait3A_93 = arith.constant 0 : i32
      %dma_wait3A_94 = tpu.memref_slice %arg10[%add3A_59, %dma_wait3A_93] : memref<10240x128xf32, #tpu.memory_space<vmem_shared>> -> memref<64x128xf32, #tpu.memory_space<vmem_shared>>
      tpu.wait_dma2 semaphore(%run_scoped3A : memref<!tpu.dma_semaphore, #tpu.memory_space<semaphore_mem>>) src(%arg9 : memref<64x128xf32, #tpu.memory_space<vmem>>) dst(%dma_wait3A_94 : memref<64x128xf32, #tpu.memory_space<vmem_shared>>)
      tpu.yield
    }) : () -> ()
    %mul3A_60 = arith.constant 640 : i32
    %mul3A_61 = arith.muli %arg1, %mul3A_60 : i32
    %add3A_62 = arith.constant 448 : i32
    %add3A_63 = arith.addi %mul3A_61, %add3A_62 : i32
    "tpu.region"() ({
      %run_scoped3A = tpu.sem_alloc : memref<!tpu.dma_semaphore, #tpu.memory_space<semaphore_mem>>
      %dma_start3A = arith.constant 0 : i32
      %dma_start3A_89 = tpu.memref_slice %arg10[%add3A_63, %dma_start3A] : memref<10240x128xf32, #tpu.memory_space<vmem_shared>> -> memref<64x128xf32, #tpu.memory_space<vmem_shared>>
      %dma_start3A_90 = arith.constant 0 : i32
      %dma_start3A_91 = tpu.memref_slice %arg10[%add3A_63, %dma_start3A_90] : memref<10240x128xf32, #tpu.memory_space<vmem_shared>> -> memref<64x128xf32, #tpu.memory_space<vmem_shared>>
      tpu.enqueue_dma source(%arg9 : memref<64x128xf32, #tpu.memory_space<vmem>>) target(%dma_start3A_91 : memref<64x128xf32, #tpu.memory_space<vmem_shared>>) target_semaphore(%run_scoped3A : memref<!tpu.dma_semaphore, #tpu.memory_space<semaphore_mem>>)
      %dma_wait3A = arith.constant 0 : i32
      %dma_wait3A_92 = tpu.memref_slice %arg10[%add3A_63, %dma_wait3A] : memref<10240x128xf32, #tpu.memory_space<vmem_shared>> -> memref<64x128xf32, #tpu.memory_space<vmem_shared>>
      %dma_wait3A_93 = arith.constant 0 : i32
      %dma_wait3A_94 = tpu.memref_slice %arg10[%add3A_63, %dma_wait3A_93] : memref<10240x128xf32, #tpu.memory_space<vmem_shared>> -> memref<64x128xf32, #tpu.memory_space<vmem_shared>>
      tpu.wait_dma2 semaphore(%run_scoped3A : memref<!tpu.dma_semaphore, #tpu.memory_space<semaphore_mem>>) src(%arg9 : memref<64x128xf32, #tpu.memory_space<vmem>>) dst(%dma_wait3A_94 : memref<64x128xf32, #tpu.memory_space<vmem_shared>>)
      tpu.yield
    }) : () -> ()
    %mul3A_64 = arith.constant 640 : i32
    %mul3A_65 = arith.muli %arg1, %mul3A_64 : i32
    %add3A_66 = arith.constant 512 : i32
    %add3A_67 = arith.addi %mul3A_65, %add3A_66 : i32
    "tpu.region"() ({
      %run_scoped3A = tpu.sem_alloc : memref<!tpu.dma_semaphore, #tpu.memory_space<semaphore_mem>>
      %dma_start3A = arith.constant 0 : i32
      %dma_start3A_89 = tpu.memref_slice %arg10[%add3A_67, %dma_start3A] : memref<10240x128xf32, #tpu.memory_space<vmem_shared>> -> memref<64x128xf32, #tpu.memory_space<vmem_shared>>
      %dma_start3A_90 = arith.constant 0 : i32
      %dma_start3A_91 = tpu.memref_slice %arg10[%add3A_67, %dma_start3A_90] : memref<10240x128xf32, #tpu.memory_space<vmem_shared>> -> memref<64x128xf32, #tpu.memory_space<vmem_shared>>
      tpu.enqueue_dma source(%arg9 : memref<64x128xf32, #tpu.memory_space<vmem>>) target(%dma_start3A_91 : memref<64x128xf32, #tpu.memory_space<vmem_shared>>) target_semaphore(%run_scoped3A : memref<!tpu.dma_semaphore, #tpu.memory_space<semaphore_mem>>)
      %dma_wait3A = arith.constant 0 : i32
      %dma_wait3A_92 = tpu.memref_slice %arg10[%add3A_67, %dma_wait3A] : memref<10240x128xf32, #tpu.memory_space<vmem_shared>> -> memref<64x128xf32, #tpu.memory_space<vmem_shared>>
      %dma_wait3A_93 = arith.constant 0 : i32
      %dma_wait3A_94 = tpu.memref_slice %arg10[%add3A_67, %dma_wait3A_93] : memref<10240x128xf32, #tpu.memory_space<vmem_shared>> -> memref<64x128xf32, #tpu.memory_space<vmem_shared>>
      tpu.wait_dma2 semaphore(%run_scoped3A : memref<!tpu.dma_semaphore, #tpu.memory_space<semaphore_mem>>) src(%arg9 : memref<64x128xf32, #tpu.memory_space<vmem>>) dst(%dma_wait3A_94 : memref<64x128xf32, #tpu.memory_space<vmem_shared>>)
      tpu.yield
    }) : () -> ()
    %mul3A_68 = arith.constant 640 : i32
    %mul3A_69 = arith.muli %arg1, %mul3A_68 : i32
    %add3A_70 = arith.constant 576 : i32
    %add3A_71 = arith.addi %mul3A_69, %add3A_70 : i32
    "tpu.region"() ({
      %run_scoped3A = tpu.sem_alloc : memref<!tpu.dma_semaphore, #tpu.memory_space<semaphore_mem>>
      %dma_start3A = arith.constant 0 : i32
      %dma_start3A_89 = tpu.memref_slice %arg10[%add3A_71, %dma_start3A] : memref<10240x128xf32, #tpu.memory_space<vmem_shared>> -> memref<64x128xf32, #tpu.memory_space<vmem_shared>>
      %dma_start3A_90 = arith.constant 0 : i32
      %dma_start3A_91 = tpu.memref_slice %arg10[%add3A_71, %dma_start3A_90] : memref<10240x128xf32, #tpu.memory_space<vmem_shared>> -> memref<64x128xf32, #tpu.memory_space<vmem_shared>>
      tpu.enqueue_dma source(%arg9 : memref<64x128xf32, #tpu.memory_space<vmem>>) target(%dma_start3A_91 : memref<64x128xf32, #tpu.memory_space<vmem_shared>>) target_semaphore(%run_scoped3A : memref<!tpu.dma_semaphore, #tpu.memory_space<semaphore_mem>>)
      %dma_wait3A = arith.constant 0 : i32
      %dma_wait3A_92 = tpu.memref_slice %arg10[%add3A_71, %dma_wait3A] : memref<10240x128xf32, #tpu.memory_space<vmem_shared>> -> memref<64x128xf32, #tpu.memory_space<vmem_shared>>
      %dma_wait3A_93 = arith.constant 0 : i32
      %dma_wait3A_94 = tpu.memref_slice %arg10[%add3A_71, %dma_wait3A_93] : memref<10240x128xf32, #tpu.memory_space<vmem_shared>> -> memref<64x128xf32, #tpu.memory_space<vmem_shared>>
      tpu.wait_dma2 semaphore(%run_scoped3A : memref<!tpu.dma_semaphore, #tpu.memory_space<semaphore_mem>>) src(%arg9 : memref<64x128xf32, #tpu.memory_space<vmem>>) dst(%dma_wait3A_94 : memref<64x128xf32, #tpu.memory_space<vmem_shared>>)
      tpu.yield
    }) : () -> ()
    %barrier3A = arith.constant 0 : index
    tpu.barrier barrier_id(%barrier3A)
    %while3A = arith.constant 0 : i32
    %while3A_72 = arith.constant 0 : i32
    %while3A_73 = arith.subi %select_n3A_26, %while3A_72 : i32
    %while3A_74 = arith.addi %while3A_72, %while3A_73 : i32
    %while3A_75 = arith.constant 1 : i32
    %while3A_76 = arith.divsi %while3A_73, %while3A_75 : i32
    %while3A_77 = arith.muli %while3A_76, %while3A_75 : i32
    %while3A_78 = arith.addi %while3A_72, %while3A_77 : i32
    %while3A_79 = arith.constant 1 : i32
    scf.for %while3A_89 = %while3A_72 to %while3A_78 step %while3A_79  : i32 {
      %mul3A_90 = arith.constant 128 : i32
      %mul3A_91 = arith.muli %while3A_89, %mul3A_90 : i32
      %add3A_92 = arith.addi %select_n3A, %mul3A_91 : i32
      %multiple_of3A = tpu.assume_multiple %add3A_92, 128 : i32
      "tpu.region"() ({
        %run_scoped3A_122 = tpu.sem_alloc : memref<!tpu.dma_semaphore, #tpu.memory_space<semaphore_mem>>
        %dma_start3A_123 = tpu.memref_slice %arg3[%multiple_of3A] : memref<323584xi32, #tpu.memory_space<hbm>> -> memref<128xi32, #tpu.memory_space<hbm>>
        %dma_start3A_124 = tpu.memref_slice %arg3[%multiple_of3A] : memref<323584xi32, #tpu.memory_space<hbm>> -> memref<128xi32, #tpu.memory_space<hbm>>
        tpu.enqueue_dma source(%dma_start3A_124 : memref<128xi32, #tpu.memory_space<hbm>>) target(%arg6 : memref<128xi32, #tpu.memory_space<vmem>>) target_semaphore(%run_scoped3A_122 : memref<!tpu.dma_semaphore, #tpu.memory_space<semaphore_mem>>)
        %dma_wait3A_125 = tpu.memref_slice %arg3[%multiple_of3A] : memref<323584xi32, #tpu.memory_space<hbm>> -> memref<128xi32, #tpu.memory_space<hbm>>
        %dma_wait3A_126 = tpu.memref_slice %arg3[%multiple_of3A] : memref<323584xi32, #tpu.memory_space<hbm>> -> memref<128xi32, #tpu.memory_space<hbm>>
        tpu.wait_dma2 semaphore(%run_scoped3A_122 : memref<!tpu.dma_semaphore, #tpu.memory_space<semaphore_mem>>) src(%dma_wait3A_126 : memref<128xi32, #tpu.memory_space<hbm>>) dst(%arg6 : memref<128xi32, #tpu.memory_space<vmem>>)
        tpu.yield
      }) : () -> ()
      %jit3A_93 = arith.constant 128 : i32
      %div3A_94 = arith.divsi %multiple_of3A, %jit3A_93 : i32
      %sign3A_95 = arith.constant 0 : i32
      %sign3A_96 = arith.cmpi sgt, %multiple_of3A, %sign3A_95 : i32
      %sign3A_97 = arith.extui %sign3A_96 : i1 to i32
      %sign3A_98 = arith.constant 0 : i32
      %sign3A_99 = arith.cmpi slt, %multiple_of3A, %sign3A_98 : i32
      %sign3A_100 = arith.extui %sign3A_99 : i1 to i32
      %sign3A_101 = arith.subi %sign3A_97, %sign3A_100 : i32
      %sign3A_102 = arith.constant 0 : i32
      %sign3A_103 = arith.cmpi sgt, %jit3A_93, %sign3A_102 : i32
      %sign3A_104 = arith.extui %sign3A_103 : i1 to i32
      %sign3A_105 = arith.constant 0 : i32
      %sign3A_106 = arith.cmpi slt, %jit3A_93, %sign3A_105 : i32
      %sign3A_107 = arith.extui %sign3A_106 : i1 to i32
      %sign3A_108 = arith.subi %sign3A_104, %sign3A_107 : i32
      %ne3A_109 = arith.cmpi ne, %sign3A_101, %sign3A_108 : i32
      %rem3A_110 = arith.remsi %multiple_of3A, %jit3A_93 : i32
      %ne3A_111 = arith.constant 0 : i32
      %ne3A_112 = arith.cmpi ne, %rem3A_110, %ne3A_111 : i32
      %and3A_113 = arith.andi %ne3A_109, %ne3A_112 : i1
      %sub3A_114 = arith.constant 1 : i32
      %sub3A_115 = arith.subi %div3A_94, %sub3A_114 : i32
      %select_n3A_116 = arith.select %and3A_113, %sub3A_115, %div3A_94 : i32
      %multiple_of3A_117 = tpu.assume_multiple %select_n3A_116, 1 : i32
      "tpu.region"() ({
        %run_scoped3A_122 = tpu.sem_alloc : memref<!tpu.dma_semaphore, #tpu.memory_space<semaphore_mem>>
        %dma_start3A_123 = arith.constant 0 : i32
        %dma_start3A_124 = tpu.memref_slice %arg4[%multiple_of3A_117, %dma_start3A_123] : memref<2528x128xi32, #tpu.memory_space<hbm>> -> memref<1x128xi32, #tpu.memory_space<hbm>>
        %dma_start3A_125 = arith.constant 0 : i32
        %dma_start3A_126 = tpu.memref_slice %arg4[%multiple_of3A_117, %dma_start3A_125] : memref<2528x128xi32, #tpu.memory_space<hbm>> -> memref<1x128xi32, #tpu.memory_space<hbm>>
        tpu.enqueue_dma source(%dma_start3A_126 : memref<1x128xi32, #tpu.memory_space<hbm>>) target(%arg7 : memref<1x128xi32, #tpu.memory_space<vmem>>) target_semaphore(%run_scoped3A_122 : memref<!tpu.dma_semaphore, #tpu.memory_space<semaphore_mem>>)
        %dma_wait3A_127 = arith.constant 0 : i32
        %dma_wait3A_128 = tpu.memref_slice %arg4[%multiple_of3A_117, %dma_wait3A_127] : memref<2528x128xi32, #tpu.memory_space<hbm>> -> memref<1x128xi32, #tpu.memory_space<hbm>>
        %dma_wait3A_129 = arith.constant 0 : i32
        %dma_wait3A_130 = tpu.memref_slice %arg4[%multiple_of3A_117, %dma_wait3A_129] : memref<2528x128xi32, #tpu.memory_space<hbm>> -> memref<1x128xi32, #tpu.memory_space<hbm>>
        tpu.wait_dma2 semaphore(%run_scoped3A_122 : memref<!tpu.dma_semaphore, #tpu.memory_space<semaphore_mem>>) src(%dma_wait3A_130 : memref<1x128xi32, #tpu.memory_space<hbm>>) dst(%arg7 : memref<1x128xi32, #tpu.memory_space<vmem>>)
        tpu.yield
      }) : () -> ()
      %dma_start3A = arith.constant 0 : i32
      %dma_start3A_118 = arith.constant 0 : i32
      %dma_start3A_119 = tpu.memref_slice %arg2[%dma_start3A, %dma_start3A_118] : memref<20480x128xf32, #tpu.memory_space<hbm>> -> memref<20480x128xf32, #tpu.memory_space<hbm>>
      tpu.enqueue_indirect_dma source(%dma_start3A_119 : memref<20480x128xf32, #tpu.memory_space<hbm>>) target(%arg8 : memref<128x128xf32, #tpu.memory_space<vmem>>) offsets(%arg6 : memref<128xi32, #tpu.memory_space<vmem>>) semaphore(%arg11 : memref<!tpu.dma_semaphore, #tpu.memory_space<semaphore_mem>>)
      %dma_wait3A = arith.constant 0 : i32
      %dma_wait3A_120 = arith.constant 0 : i32
      %dma_wait3A_121 = tpu.memref_slice %arg2[%dma_wait3A, %dma_wait3A_120] : memref<20480x128xf32, #tpu.memory_space<hbm>> -> memref<20480x128xf32, #tpu.memory_space<hbm>>
      tpu.wait_indirect_dma semaphore(%arg11 : memref<!tpu.dma_semaphore, #tpu.memory_space<semaphore_mem>>) src(%dma_wait3A_121 : memref<20480x128xf32, #tpu.memory_space<hbm>>) dst(%arg8 : memref<128x128xf32, #tpu.memory_space<vmem>>)
      %run_scoped3A = arith.constant 0 : i32
      "tpu.region"() ({
        %run_scoped3A_122 = tpu.sem_alloc : memref<!tpu.dma_semaphore, #tpu.memory_space<semaphore_mem>>
        %dma_start3A_123 = arith.constant 0 : i32
        %dma_start3A_124 = arith.constant 0 : i32
        %dma_start3A_125 = tpu.memref_slice %arg8[%dma_start3A_123, %dma_start3A_124] : memref<128x128xf32, #tpu.memory_space<vmem>> -> memref<128x128xf32, #tpu.memory_space<vmem>>
        %dma_start3A_126 = arith.constant 0 : i32
        %dma_start3A_127 = tpu.memref_slice %arg7[%run_scoped3A, %dma_start3A_126] : memref<1x128xi32, #tpu.memory_space<vmem>> -> memref<1x128xi32, #tpu.memory_space<vmem>>
        %dma_start3A_128 = tpu.memref_squeeze %dma_start3A_127 : memref<1x128xi32, #tpu.memory_space<vmem>> -> memref<128xi32, #tpu.memory_space<vmem>>
        %dma_start3A_129 = arith.constant 0 : i32
        %dma_start3A_130 = arith.constant 0 : i32
        %dma_start3A_131 = tpu.memref_slice %arg10[%dma_start3A_129, %dma_start3A_130] : memref<10240x128xf32, #tpu.memory_space<vmem_shared>> -> memref<10240x128xf32, #tpu.memory_space<vmem_shared>>
        tpu.enqueue_indirect_dma source(%dma_start3A_125 : memref<128x128xf32, #tpu.memory_space<vmem>>) target(%dma_start3A_131 : memref<10240x128xf32, #tpu.memory_space<vmem_shared>>) offsets(%dma_start3A_128 : memref<128xi32, #tpu.memory_space<vmem>>) semaphore(%run_scoped3A_122 : memref<!tpu.dma_semaphore, #tpu.memory_space<semaphore_mem>>) {add = true}
        %dma_wait3A_132 = arith.constant 0 : i32
        %dma_wait3A_133 = arith.constant 0 : i32
        %dma_wait3A_134 = tpu.memref_slice %arg8[%dma_wait3A_132, %dma_wait3A_133] : memref<128x128xf32, #tpu.memory_space<vmem>> -> memref<128x128xf32, #tpu.memory_space<vmem>>
        %dma_wait3A_135 = arith.constant 0 : i32
        %dma_wait3A_136 = tpu.memref_slice %arg7[%run_scoped3A, %dma_wait3A_135] : memref<1x128xi32, #tpu.memory_space<vmem>> -> memref<1x128xi32, #tpu.memory_space<vmem>>
        %dma_wait3A_137 = tpu.memref_squeeze %dma_wait3A_136 : memref<1x128xi32, #tpu.memory_space<vmem>> -> memref<128xi32, #tpu.memory_space<vmem>>
        %dma_wait3A_138 = arith.constant 0 : i32
        %dma_wait3A_139 = arith.constant 0 : i32
        %dma_wait3A_140 = tpu.memref_slice %arg10[%dma_wait3A_138, %dma_wait3A_139] : memref<10240x128xf32, #tpu.memory_space<vmem_shared>> -> memref<10240x128xf32, #tpu.memory_space<vmem_shared>>
        tpu.wait_indirect_dma semaphore(%run_scoped3A_122 : memref<!tpu.dma_semaphore, #tpu.memory_space<semaphore_mem>>) src(%dma_wait3A_134 : memref<128x128xf32, #tpu.memory_space<vmem>>) dst(%dma_wait3A_140 : memref<10240x128xf32, #tpu.memory_space<vmem_shared>>)
        tpu.yield
      }) : () -> ()
    }
    %while3A_80 = arith.constant 1 : i32
    scf.for %while3A_89 = %while3A_78 to %while3A_74 step %while3A_80  : i32 {
      %mul3A_90 = arith.constant 128 : i32
      %mul3A_91 = arith.muli %while3A_89, %mul3A_90 : i32
      %add3A_92 = arith.addi %select_n3A, %mul3A_91 : i32
      %multiple_of3A = tpu.assume_multiple %add3A_92, 128 : i32
      "tpu.region"() ({
        %run_scoped3A_122 = tpu.sem_alloc : memref<!tpu.dma_semaphore, #tpu.memory_space<semaphore_mem>>
        %dma_start3A_123 = tpu.memref_slice %arg3[%multiple_of3A] : memref<323584xi32, #tpu.memory_space<hbm>> -> memref<128xi32, #tpu.memory_space<hbm>>
        %dma_start3A_124 = tpu.memref_slice %arg3[%multiple_of3A] : memref<323584xi32, #tpu.memory_space<hbm>> -> memref<128xi32, #tpu.memory_space<hbm>>
        tpu.enqueue_dma source(%dma_start3A_124 : memref<128xi32, #tpu.memory_space<hbm>>) target(%arg6 : memref<128xi32, #tpu.memory_space<vmem>>) target_semaphore(%run_scoped3A_122 : memref<!tpu.dma_semaphore, #tpu.memory_space<semaphore_mem>>)
        %dma_wait3A_125 = tpu.memref_slice %arg3[%multiple_of3A] : memref<323584xi32, #tpu.memory_space<hbm>> -> memref<128xi32, #tpu.memory_space<hbm>>
        %dma_wait3A_126 = tpu.memref_slice %arg3[%multiple_of3A] : memref<323584xi32, #tpu.memory_space<hbm>> -> memref<128xi32, #tpu.memory_space<hbm>>
        tpu.wait_dma2 semaphore(%run_scoped3A_122 : memref<!tpu.dma_semaphore, #tpu.memory_space<semaphore_mem>>) src(%dma_wait3A_126 : memref<128xi32, #tpu.memory_space<hbm>>) dst(%arg6 : memref<128xi32, #tpu.memory_space<vmem>>)
        tpu.yield
      }) : () -> ()
      %jit3A_93 = arith.constant 128 : i32
      %div3A_94 = arith.divsi %multiple_of3A, %jit3A_93 : i32
      %sign3A_95 = arith.constant 0 : i32
      %sign3A_96 = arith.cmpi sgt, %multiple_of3A, %sign3A_95 : i32
      %sign3A_97 = arith.extui %sign3A_96 : i1 to i32
      %sign3A_98 = arith.constant 0 : i32
      %sign3A_99 = arith.cmpi slt, %multiple_of3A, %sign3A_98 : i32
      %sign3A_100 = arith.extui %sign3A_99 : i1 to i32
      %sign3A_101 = arith.subi %sign3A_97, %sign3A_100 : i32
      %sign3A_102 = arith.constant 0 : i32
      %sign3A_103 = arith.cmpi sgt, %jit3A_93, %sign3A_102 : i32
      %sign3A_104 = arith.extui %sign3A_103 : i1 to i32
      %sign3A_105 = arith.constant 0 : i32
      %sign3A_106 = arith.cmpi slt, %jit3A_93, %sign3A_105 : i32
      %sign3A_107 = arith.extui %sign3A_106 : i1 to i32
      %sign3A_108 = arith.subi %sign3A_104, %sign3A_107 : i32
      %ne3A_109 = arith.cmpi ne, %sign3A_101, %sign3A_108 : i32
      %rem3A_110 = arith.remsi %multiple_of3A, %jit3A_93 : i32
      %ne3A_111 = arith.constant 0 : i32
      %ne3A_112 = arith.cmpi ne, %rem3A_110, %ne3A_111 : i32
      %and3A_113 = arith.andi %ne3A_109, %ne3A_112 : i1
      %sub3A_114 = arith.constant 1 : i32
      %sub3A_115 = arith.subi %div3A_94, %sub3A_114 : i32
      %select_n3A_116 = arith.select %and3A_113, %sub3A_115, %div3A_94 : i32
      %multiple_of3A_117 = tpu.assume_multiple %select_n3A_116, 1 : i32
      "tpu.region"() ({
        %run_scoped3A_122 = tpu.sem_alloc : memref<!tpu.dma_semaphore, #tpu.memory_space<semaphore_mem>>
        %dma_start3A_123 = arith.constant 0 : i32
        %dma_start3A_124 = tpu.memref_slice %arg4[%multiple_of3A_117, %dma_start3A_123] : memref<2528x128xi32, #tpu.memory_space<hbm>> -> memref<1x128xi32, #tpu.memory_space<hbm>>
        %dma_start3A_125 = arith.constant 0 : i32
        %dma_start3A_126 = tpu.memref_slice %arg4[%multiple_of3A_117, %dma_start3A_125] : memref<2528x128xi32, #tpu.memory_space<hbm>> -> memref<1x128xi32, #tpu.memory_space<hbm>>
        tpu.enqueue_dma source(%dma_start3A_126 : memref<1x128xi32, #tpu.memory_space<hbm>>) target(%arg7 : memref<1x128xi32, #tpu.memory_space<vmem>>) target_semaphore(%run_scoped3A_122 : memref<!tpu.dma_semaphore, #tpu.memory_space<semaphore_mem>>)
        %dma_wait3A_127 = arith.constant 0 : i32
        %dma_wait3A_128 = tpu.memref_slice %arg4[%multiple_of3A_117, %dma_wait3A_127] : memref<2528x128xi32, #tpu.memory_space<hbm>> -> memref<1x128xi32, #tpu.memory_space<hbm>>
        %dma_wait3A_129 = arith.constant 0 : i32
        %dma_wait3A_130 = tpu.memref_slice %arg4[%multiple_of3A_117, %dma_wait3A_129] : memref<2528x128xi32, #tpu.memory_space<hbm>> -> memref<1x128xi32, #tpu.memory_space<hbm>>
        tpu.wait_dma2 semaphore(%run_scoped3A_122 : memref<!tpu.dma_semaphore, #tpu.memory_space<semaphore_mem>>) src(%dma_wait3A_130 : memref<1x128xi32, #tpu.memory_space<hbm>>) dst(%arg7 : memref<1x128xi32, #tpu.memory_space<vmem>>)
        tpu.yield
      }) : () -> ()
      %dma_start3A = arith.constant 0 : i32
      %dma_start3A_118 = arith.constant 0 : i32
      %dma_start3A_119 = tpu.memref_slice %arg2[%dma_start3A, %dma_start3A_118] : memref<20480x128xf32, #tpu.memory_space<hbm>> -> memref<20480x128xf32, #tpu.memory_space<hbm>>
      tpu.enqueue_indirect_dma source(%dma_start3A_119 : memref<20480x128xf32, #tpu.memory_space<hbm>>) target(%arg8 : memref<128x128xf32, #tpu.memory_space<vmem>>) offsets(%arg6 : memref<128xi32, #tpu.memory_space<vmem>>) semaphore(%arg11 : memref<!tpu.dma_semaphore, #tpu.memory_space<semaphore_mem>>)
      %dma_wait3A = arith.constant 0 : i32
      %dma_wait3A_120 = arith.constant 0 : i32
      %dma_wait3A_121 = tpu.memref_slice %arg2[%dma_wait3A, %dma_wait3A_120] : memref<20480x128xf32, #tpu.memory_space<hbm>> -> memref<20480x128xf32, #tpu.memory_space<hbm>>
      tpu.wait_indirect_dma semaphore(%arg11 : memref<!tpu.dma_semaphore, #tpu.memory_space<semaphore_mem>>) src(%dma_wait3A_121 : memref<20480x128xf32, #tpu.memory_space<hbm>>) dst(%arg8 : memref<128x128xf32, #tpu.memory_space<vmem>>)
      %run_scoped3A = arith.constant 0 : i32
      "tpu.region"() ({
        %run_scoped3A_122 = tpu.sem_alloc : memref<!tpu.dma_semaphore, #tpu.memory_space<semaphore_mem>>
        %dma_start3A_123 = arith.constant 0 : i32
        %dma_start3A_124 = arith.constant 0 : i32
        %dma_start3A_125 = tpu.memref_slice %arg8[%dma_start3A_123, %dma_start3A_124] : memref<128x128xf32, #tpu.memory_space<vmem>> -> memref<128x128xf32, #tpu.memory_space<vmem>>
        %dma_start3A_126 = arith.constant 0 : i32
        %dma_start3A_127 = tpu.memref_slice %arg7[%run_scoped3A, %dma_start3A_126] : memref<1x128xi32, #tpu.memory_space<vmem>> -> memref<1x128xi32, #tpu.memory_space<vmem>>
        %dma_start3A_128 = tpu.memref_squeeze %dma_start3A_127 : memref<1x128xi32, #tpu.memory_space<vmem>> -> memref<128xi32, #tpu.memory_space<vmem>>
        %dma_start3A_129 = arith.constant 0 : i32
        %dma_start3A_130 = arith.constant 0 : i32
        %dma_start3A_131 = tpu.memref_slice %arg10[%dma_start3A_129, %dma_start3A_130] : memref<10240x128xf32, #tpu.memory_space<vmem_shared>> -> memref<10240x128xf32, #tpu.memory_space<vmem_shared>>
        tpu.enqueue_indirect_dma source(%dma_start3A_125 : memref<128x128xf32, #tpu.memory_space<vmem>>) target(%dma_start3A_131 : memref<10240x128xf32, #tpu.memory_space<vmem_shared>>) offsets(%dma_start3A_128 : memref<128xi32, #tpu.memory_space<vmem>>) semaphore(%run_scoped3A_122 : memref<!tpu.dma_semaphore, #tpu.memory_space<semaphore_mem>>) {add = true}
        %dma_wait3A_132 = arith.constant 0 : i32
        %dma_wait3A_133 = arith.constant 0 : i32
        %dma_wait3A_134 = tpu.memref_slice %arg8[%dma_wait3A_132, %dma_wait3A_133] : memref<128x128xf32, #tpu.memory_space<vmem>> -> memref<128x128xf32, #tpu.memory_space<vmem>>
        %dma_wait3A_135 = arith.constant 0 : i32
        %dma_wait3A_136 = tpu.memref_slice %arg7[%run_scoped3A, %dma_wait3A_135] : memref<1x128xi32, #tpu.memory_space<vmem>> -> memref<1x128xi32, #tpu.memory_space<vmem>>
        %dma_wait3A_137 = tpu.memref_squeeze %dma_wait3A_136 : memref<1x128xi32, #tpu.memory_space<vmem>> -> memref<128xi32, #tpu.memory_space<vmem>>
        %dma_wait3A_138 = arith.constant 0 : i32
        %dma_wait3A_139 = arith.constant 0 : i32
        %dma_wait3A_140 = tpu.memref_slice %arg10[%dma_wait3A_138, %dma_wait3A_139] : memref<10240x128xf32, #tpu.memory_space<vmem_shared>> -> memref<10240x128xf32, #tpu.memory_space<vmem_shared>>
        tpu.wait_indirect_dma semaphore(%run_scoped3A_122 : memref<!tpu.dma_semaphore, #tpu.memory_space<semaphore_mem>>) src(%dma_wait3A_134 : memref<128x128xf32, #tpu.memory_space<vmem>>) dst(%dma_wait3A_140 : memref<10240x128xf32, #tpu.memory_space<vmem_shared>>)
        tpu.yield
      }) : () -> ()
    }
    %barrier3A_81 = arith.constant 0 : index
    tpu.barrier barrier_id(%barrier3A_81)
    %mul3A_82 = arith.constant 640 : i32
    %mul3A_83 = arith.muli %arg1, %mul3A_82 : i32
    %mul3A_84 = arith.constant 10240 : i32
    %mul3A_85 = arith.muli %arg0, %mul3A_84 : i32
    %mul3A_86 = arith.constant 640 : i32
    %mul3A_87 = arith.muli %arg1, %mul3A_86 : i32
    %add3A_88 = arith.addi %mul3A_85, %mul3A_87 : i32
    "tpu.region"() ({
      %run_scoped3A = tpu.sem_alloc : memref<!tpu.dma_semaphore, #tpu.memory_space<semaphore_mem>>
      %dma_start3A = arith.constant 0 : i32
      %dma_start3A_89 = tpu.memref_slice %arg5[%add3A_88, %dma_start3A] : memref<20480x128xf32, #tpu.memory_space<hbm>> -> memref<640x128xf32, #tpu.memory_space<hbm>>
      %dma_start3A_90 = arith.constant 0 : i32
      %dma_start3A_91 = tpu.memref_slice %arg10[%mul3A_83, %dma_start3A_90] : memref<10240x128xf32, #tpu.memory_space<vmem_shared>> -> memref<640x128xf32, #tpu.memory_space<vmem_shared>>
      tpu.enqueue_dma source(%dma_start3A_91 : memref<640x128xf32, #tpu.memory_space<vmem_shared>>) target(%dma_start3A_89 : memref<640x128xf32, #tpu.memory_space<hbm>>) target_semaphore(%run_scoped3A : memref<!tpu.dma_semaphore, #tpu.memory_space<semaphore_mem>>)
      %dma_wait3A = arith.constant 0 : i32
      %dma_wait3A_92 = tpu.memref_slice %arg5[%add3A_88, %dma_wait3A] : memref<20480x128xf32, #tpu.memory_space<hbm>> -> memref<640x128xf32, #tpu.memory_space<hbm>>
      %dma_wait3A_93 = arith.constant 0 : i32
      %dma_wait3A_94 = tpu.memref_slice %arg10[%mul3A_83, %dma_wait3A_93] : memref<10240x128xf32, #tpu.memory_space<vmem_shared>> -> memref<640x128xf32, #tpu.memory_space<vmem_shared>>
      tpu.wait_dma2 semaphore(%run_scoped3A : memref<!tpu.dma_semaphore, #tpu.memory_space<semaphore_mem>>) src(%dma_wait3A_94 : memref<640x128xf32, #tpu.memory_space<vmem_shared>>) dst(%dma_wait3A_92 : memref<640x128xf32, #tpu.memory_space<hbm>>)
      tpu.yield
    }) : () -> ()
    return
  }
}

#map = affine_map<(d0, d1) -> (0, 0)>
#map1 = affine_map<(d0, d1) -> (0)>
module attributes {stable_mosaic.version = 14 : i64} {
  func.func @agg(%arg0: i32, %arg1: i32, %arg2: memref<20480x128xf32, #tpu.memory_space<hbm>>, %arg3: memref<323584xi32, #tpu.memory_space<hbm>>, %arg4: memref<2528x128xi32, #tpu.memory_space<hbm>>, %arg5: memref<20480x128xf32, #tpu.memory_space<hbm>>, %arg6: memref<128xi32, #tpu.memory_space<vmem>>, %arg7: memref<1x128xi32, #tpu.memory_space<vmem>>, %arg8: memref<128x128xf32, #tpu.memory_space<vmem>>, %arg9: memref<64x128xf32, #tpu.memory_space<vmem>>, %arg10: memref<10240x128xf32, #tpu.memory_space<vmem_shared>>, %arg11: memref<!tpu.dma_semaphore, #tpu.memory_space<semaphore_mem>>) attributes {dimension_semantics = [#tpu.dimension_semantics<core_parallel>, #tpu.dimension_semantics<subcore_parallel>], iteration_bounds = array<i64: 2, 16>, scalar_prefetch = 0 : i64, scratch_operands = 6 : i64, tpu.core_type = #tpu.core_type<sc_vector_subcore>, window_params = [{transform_indices = #map}, {transform_indices = #map1}, {transform_indices = #map}, {transform_indices = #map}]} {
    %eq3A = arith.constant 0 : i32
    %eq3A_0 = arith.cmpi eq, %arg0, %eq3A : i32
    %mul3A = arith.constant 12160 : i32
    %mul3A_1 = arith.muli %arg1, %mul3A : i32
    %mul3A_2 = arith.constant 8064 : i32
    %mul3A_3 = arith.muli %arg1, %mul3A_2 : i32
    %add3A = arith.constant 194560 : i32
    %add3A_4 = arith.addi %add3A, %mul3A_3 : i32
    %select_n3A = arith.select %eq3A_0, %mul3A_1, %add3A_4 : i32
    %eq3A_5 = arith.constant 0 : i32
    %eq3A_6 = arith.cmpi eq, %arg0, %eq3A_5 : i32
    %jit3A = arith.constant 12160 : i32
    %jit3A_7 = arith.constant 8064 : i32
    %select_n3A_8 = arith.select %eq3A_6, %jit3A, %jit3A_7 : i32
    %jit3A_9 = arith.constant 128 : i32
    %div3A = arith.divsi %select_n3A_8, %jit3A_9 : i32
    %sign3A = arith.constant 0 : i32
    %sign3A_10 = arith.cmpi sgt, %select_n3A_8, %sign3A : i32
    %sign3A_11 = arith.extui %sign3A_10 : i1 to i32
    %sign3A_12 = arith.constant 0 : i32
    %sign3A_13 = arith.cmpi slt, %select_n3A_8, %sign3A_12 : i32
    %sign3A_14 = arith.extui %sign3A_13 : i1 to i32
    %sign3A_15 = arith.subi %sign3A_11, %sign3A_14 : i32
    %sign3A_16 = arith.constant 0 : i32
    %sign3A_17 = arith.cmpi sgt, %jit3A_9, %sign3A_16 : i32
    %sign3A_18 = arith.extui %sign3A_17 : i1 to i32
    %sign3A_19 = arith.constant 0 : i32
    %sign3A_20 = arith.cmpi slt, %jit3A_9, %sign3A_19 : i32
    %sign3A_21 = arith.extui %sign3A_20 : i1 to i32
    %sign3A_22 = arith.subi %sign3A_18, %sign3A_21 : i32
    %ne3A = arith.cmpi ne, %sign3A_15, %sign3A_22 : i32
    %rem3A = arith.remsi %select_n3A_8, %jit3A_9 : i32
    %ne3A_23 = arith.constant 0 : i32
    %ne3A_24 = arith.cmpi ne, %rem3A, %ne3A_23 : i32
    %and3A = arith.andi %ne3A, %ne3A_24 : i1
    %sub3A = arith.constant 1 : i32
    %sub3A_25 = arith.subi %div3A, %sub3A : i32
    %select_n3A_26 = arith.select %and3A, %sub3A_25, %div3A : i32
    %scan3A = arith.constant 0 : i32
    %scan3A_27 = arith.constant 0 : i32
    %scan3A_28 = arith.constant 64 : i32
    %scan3A_29 = arith.addi %scan3A_27, %scan3A_28 : i32
    %scan3A_30 = arith.constant 1 : i32
    scf.for %scan3A_89 = %scan3A_27 to %scan3A_29 step %scan3A_30  : i32 {
      %broadcast_in_dim3A = arith.constant 0.000000e+00 : f32
      %broadcast_in_dim3A_90 = vector.broadcast %broadcast_in_dim3A : f32 to vector<16xf32>
      %swap3A = arith.index_cast %scan3A_89 : i32 to index
      %swap3A_91 = arith.constant 0 : index
      %swap3A_92 = tpu.vector_load %arg9[%swap3A, %swap3A_91] {strides = array<i32>} : memref<64x128xf32, #tpu.memory_space<vmem>>, vector<1x16xf32>,
      %swap3A_93 = vector.shape_cast %swap3A_92 : vector<1x16xf32> to vector<16xf32>
      %swap3A_94 = vector.shape_cast %broadcast_in_dim3A_90 : vector<16xf32> to vector<1x16xf32>
      tpu.vector_store %arg9[%swap3A, %swap3A_91], %swap3A_94 {strides = array<i32>} : memref<64x128xf32, #tpu.memory_space<vmem>>, vector<1x16xf32>,
      %broadcast_in_dim3A_95 = arith.constant 0.000000e+00 : f32
      %broadcast_in_dim3A_96 = vector.broadcast %broadcast_in_dim3A_95 : f32 to vector<16xf32>
      %swap3A_97 = arith.index_cast %scan3A_89 : i32 to index
      %swap3A_98 = arith.constant 16 : index
      %swap3A_99 = tpu.vector_load %arg9[%swap3A_97, %swap3A_98] {strides = array<i32>} : memref<64x128xf32, #tpu.memory_space<vmem>>, vector<1x16xf32>,
      %swap3A_100 = vector.shape_cast %swap3A_99 : vector<1x16xf32> to vector<16xf32>
      %swap3A_101 = vector.shape_cast %broadcast_in_dim3A_96 : vector<16xf32> to vector<1x16xf32>
      tpu.vector_store %arg9[%swap3A_97, %swap3A_98], %swap3A_101 {strides = array<i32>} : memref<64x128xf32, #tpu.memory_space<vmem>>, vector<1x16xf32>,
      %broadcast_in_dim3A_102 = arith.constant 0.000000e+00 : f32
      %broadcast_in_dim3A_103 = vector.broadcast %broadcast_in_dim3A_102 : f32 to vector<16xf32>
      %swap3A_104 = arith.index_cast %scan3A_89 : i32 to index
      %swap3A_105 = arith.constant 32 : index
      %swap3A_106 = tpu.vector_load %arg9[%swap3A_104, %swap3A_105] {strides = array<i32>} : memref<64x128xf32, #tpu.memory_space<vmem>>, vector<1x16xf32>,
      %swap3A_107 = vector.shape_cast %swap3A_106 : vector<1x16xf32> to vector<16xf32>
      %swap3A_108 = vector.shape_cast %broadcast_in_dim3A_103 : vector<16xf32> to vector<1x16xf32>
      tpu.vector_store %arg9[%swap3A_104, %swap3A_105], %swap3A_108 {strides = array<i32>} : memref<64x128xf32, #tpu.memory_space<vmem>>, vector<1x16xf32>,
      %broadcast_in_dim3A_109 = arith.constant 0.000000e+00 : f32
      %broadcast_in_dim3A_110 = vector.broadcast %broadcast_in_dim3A_109 : f32 to vector<16xf32>
      %swap3A_111 = arith.index_cast %scan3A_89 : i32 to index
      %swap3A_112 = arith.constant 48 : index
      %swap3A_113 = tpu.vector_load %arg9[%swap3A_111, %swap3A_112] {strides = array<i32>} : memref<64x128xf32, #tpu.memory_space<vmem>>, vector<1x16xf32>,
      %swap3A_114 = vector.shape_cast %swap3A_113 : vector<1x16xf32> to vector<16xf32>
      %swap3A_115 = vector.shape_cast %broadcast_in_dim3A_110 : vector<16xf32> to vector<1x16xf32>
      tpu.vector_store %arg9[%swap3A_111, %swap3A_112], %swap3A_115 {strides = array<i32>} : memref<64x128xf32, #tpu.memory_space<vmem>>, vector<1x16xf32>,
      %broadcast_in_dim3A_116 = arith.constant 0.000000e+00 : f32
      %broadcast_in_dim3A_117 = vector.broadcast %broadcast_in_dim3A_116 : f32 to vector<16xf32>
      %swap3A_118 = arith.index_cast %scan3A_89 : i32 to index
      %swap3A_119 = arith.constant 64 : index
      %swap3A_120 = tpu.vector_load %arg9[%swap3A_118, %swap3A_119] {strides = array<i32>} : memref<64x128xf32, #tpu.memory_space<vmem>>, vector<1x16xf32>,
      %swap3A_121 = vector.shape_cast %swap3A_120 : vector<1x16xf32> to vector<16xf32>
      %swap3A_122 = vector.shape_cast %broadcast_in_dim3A_117 : vector<16xf32> to vector<1x16xf32>
      tpu.vector_store %arg9[%swap3A_118, %swap3A_119], %swap3A_122 {strides = array<i32>} : memref<64x128xf32, #tpu.memory_space<vmem>>, vector<1x16xf32>,
      %broadcast_in_dim3A_123 = arith.constant 0.000000e+00 : f32
      %broadcast_in_dim3A_124 = vector.broadcast %broadcast_in_dim3A_123 : f32 to vector<16xf32>
      %swap3A_125 = arith.index_cast %scan3A_89 : i32 to index
      %swap3A_126 = arith.constant 80 : index
      %swap3A_127 = tpu.vector_load %arg9[%swap3A_125, %swap3A_126] {strides = array<i32>} : memref<64x128xf32, #tpu.memory_space<vmem>>, vector<1x16xf32>,
      %swap3A_128 = vector.shape_cast %swap3A_127 : vector<1x16xf32> to vector<16xf32>
      %swap3A_129 = vector.shape_cast %broadcast_in_dim3A_124 : vector<16xf32> to vector<1x16xf32>
      tpu.vector_store %arg9[%swap3A_125, %swap3A_126], %swap3A_129 {strides = array<i32>} : memref<64x128xf32, #tpu.memory_space<vmem>>, vector<1x16xf32>,
      %broadcast_in_dim3A_130 = arith.constant 0.000000e+00 : f32
      %broadcast_in_dim3A_131 = vector.broadcast %broadcast_in_dim3A_130 : f32 to vector<16xf32>
      %swap3A_132 = arith.index_cast %scan3A_89 : i32 to index
      %swap3A_133 = arith.constant 96 : index
      %swap3A_134 = tpu.vector_load %arg9[%swap3A_132, %swap3A_133] {strides = array<i32>} : memref<64x128xf32, #tpu.memory_space<vmem>>, vector<1x16xf32>,
      %swap3A_135 = vector.shape_cast %swap3A_134 : vector<1x16xf32> to vector<16xf32>
      %swap3A_136 = vector.shape_cast %broadcast_in_dim3A_131 : vector<16xf32> to vector<1x16xf32>
      tpu.vector_store %arg9[%swap3A_132, %swap3A_133], %swap3A_136 {strides = array<i32>} : memref<64x128xf32, #tpu.memory_space<vmem>>, vector<1x16xf32>,
      %broadcast_in_dim3A_137 = arith.constant 0.000000e+00 : f32
      %broadcast_in_dim3A_138 = vector.broadcast %broadcast_in_dim3A_137 : f32 to vector<16xf32>
      %swap3A_139 = arith.index_cast %scan3A_89 : i32 to index
      %swap3A_140 = arith.constant 112 : index
      %swap3A_141 = tpu.vector_load %arg9[%swap3A_139, %swap3A_140] {strides = array<i32>} : memref<64x128xf32, #tpu.memory_space<vmem>>, vector<1x16xf32>,
      %swap3A_142 = vector.shape_cast %swap3A_141 : vector<1x16xf32> to vector<16xf32>
      %swap3A_143 = vector.shape_cast %broadcast_in_dim3A_138 : vector<16xf32> to vector<1x16xf32>
      tpu.vector_store %arg9[%swap3A_139, %swap3A_140], %swap3A_143 {strides = array<i32>} : memref<64x128xf32, #tpu.memory_space<vmem>>, vector<1x16xf32>,
    }
    %scan3A_31 = arith.constant 64 : i32
    %mul3A_32 = arith.constant 640 : i32
    %mul3A_33 = arith.muli %arg1, %mul3A_32 : i32
    %add3A_34 = arith.constant 0 : i32
    %add3A_35 = arith.addi %mul3A_33, %add3A_34 : i32
    "tpu.region"() ({
      %run_scoped3A = tpu.sem_alloc : memref<!tpu.dma_semaphore, #tpu.memory_space<semaphore_mem>>
      %dma_start3A = arith.constant 0 : i32
      %dma_start3A_89 = tpu.memref_slice %arg10[%add3A_35, %dma_start3A] : memref<10240x128xf32, #tpu.memory_space<vmem_shared>> -> memref<64x128xf32, #tpu.memory_space<vmem_shared>>
      %dma_start3A_90 = arith.constant 0 : i32
      %dma_start3A_91 = tpu.memref_slice %arg10[%add3A_35, %dma_start3A_90] : memref<10240x128xf32, #tpu.memory_space<vmem_shared>> -> memref<64x128xf32, #tpu.memory_space<vmem_shared>>
      tpu.enqueue_dma source(%arg9 : memref<64x128xf32, #tpu.memory_space<vmem>>) target(%dma_start3A_91 : memref<64x128xf32, #tpu.memory_space<vmem_shared>>) target_semaphore(%run_scoped3A : memref<!tpu.dma_semaphore, #tpu.memory_space<semaphore_mem>>)
      %dma_wait3A = arith.constant 0 : i32
      %dma_wait3A_92 = tpu.memref_slice %arg10[%add3A_35, %dma_wait3A] : memref<10240x128xf32, #tpu.memory_space<vmem_shared>> -> memref<64x128xf32, #tpu.memory_space<vmem_shared>>
      %dma_wait3A_93 = arith.constant 0 : i32
      %dma_wait3A_94 = tpu.memref_slice %arg10[%add3A_35, %dma_wait3A_93] : memref<10240x128xf32, #tpu.memory_space<vmem_shared>> -> memref<64x128xf32, #tpu.memory_space<vmem_shared>>
      tpu.wait_dma2 semaphore(%run_scoped3A : memref<!tpu.dma_semaphore, #tpu.memory_space<semaphore_mem>>) src(%arg9 : memref<64x128xf32, #tpu.memory_space<vmem>>) dst(%dma_wait3A_94 : memref<64x128xf32, #tpu.memory_space<vmem_shared>>)
      tpu.yield
    }) : () -> ()
    %mul3A_36 = arith.constant 640 : i32
    %mul3A_37 = arith.muli %arg1, %mul3A_36 : i32
    %add3A_38 = arith.constant 64 : i32
    %add3A_39 = arith.addi %mul3A_37, %add3A_38 : i32
    "tpu.region"() ({
      %run_scoped3A = tpu.sem_alloc : memref<!tpu.dma_semaphore, #tpu.memory_space<semaphore_mem>>
      %dma_start3A = arith.constant 0 : i32
      %dma_start3A_89 = tpu.memref_slice %arg10[%add3A_39, %dma_start3A] : memref<10240x128xf32, #tpu.memory_space<vmem_shared>> -> memref<64x128xf32, #tpu.memory_space<vmem_shared>>
      %dma_start3A_90 = arith.constant 0 : i32
      %dma_start3A_91 = tpu.memref_slice %arg10[%add3A_39, %dma_start3A_90] : memref<10240x128xf32, #tpu.memory_space<vmem_shared>> -> memref<64x128xf32, #tpu.memory_space<vmem_shared>>
      tpu.enqueue_dma source(%arg9 : memref<64x128xf32, #tpu.memory_space<vmem>>) target(%dma_start3A_91 : memref<64x128xf32, #tpu.memory_space<vmem_shared>>) target_semaphore(%run_scoped3A : memref<!tpu.dma_semaphore, #tpu.memory_space<semaphore_mem>>)
      %dma_wait3A = arith.constant 0 : i32
      %dma_wait3A_92 = tpu.memref_slice %arg10[%add3A_39, %dma_wait3A] : memref<10240x128xf32, #tpu.memory_space<vmem_shared>> -> memref<64x128xf32, #tpu.memory_space<vmem_shared>>
      %dma_wait3A_93 = arith.constant 0 : i32
      %dma_wait3A_94 = tpu.memref_slice %arg10[%add3A_39, %dma_wait3A_93] : memref<10240x128xf32, #tpu.memory_space<vmem_shared>> -> memref<64x128xf32, #tpu.memory_space<vmem_shared>>
      tpu.wait_dma2 semaphore(%run_scoped3A : memref<!tpu.dma_semaphore, #tpu.memory_space<semaphore_mem>>) src(%arg9 : memref<64x128xf32, #tpu.memory_space<vmem>>) dst(%dma_wait3A_94 : memref<64x128xf32, #tpu.memory_space<vmem_shared>>)
      tpu.yield
    }) : () -> ()
    %mul3A_40 = arith.constant 640 : i32
    %mul3A_41 = arith.muli %arg1, %mul3A_40 : i32
    %add3A_42 = arith.constant 128 : i32
    %add3A_43 = arith.addi %mul3A_41, %add3A_42 : i32
    "tpu.region"() ({
      %run_scoped3A = tpu.sem_alloc : memref<!tpu.dma_semaphore, #tpu.memory_space<semaphore_mem>>
      %dma_start3A = arith.constant 0 : i32
      %dma_start3A_89 = tpu.memref_slice %arg10[%add3A_43, %dma_start3A] : memref<10240x128xf32, #tpu.memory_space<vmem_shared>> -> memref<64x128xf32, #tpu.memory_space<vmem_shared>>
      %dma_start3A_90 = arith.constant 0 : i32
      %dma_start3A_91 = tpu.memref_slice %arg10[%add3A_43, %dma_start3A_90] : memref<10240x128xf32, #tpu.memory_space<vmem_shared>> -> memref<64x128xf32, #tpu.memory_space<vmem_shared>>
      tpu.enqueue_dma source(%arg9 : memref<64x128xf32, #tpu.memory_space<vmem>>) target(%dma_start3A_91 : memref<64x128xf32, #tpu.memory_space<vmem_shared>>) target_semaphore(%run_scoped3A : memref<!tpu.dma_semaphore, #tpu.memory_space<semaphore_mem>>)
      %dma_wait3A = arith.constant 0 : i32
      %dma_wait3A_92 = tpu.memref_slice %arg10[%add3A_43, %dma_wait3A] : memref<10240x128xf32, #tpu.memory_space<vmem_shared>> -> memref<64x128xf32, #tpu.memory_space<vmem_shared>>
      %dma_wait3A_93 = arith.constant 0 : i32
      %dma_wait3A_94 = tpu.memref_slice %arg10[%add3A_43, %dma_wait3A_93] : memref<10240x128xf32, #tpu.memory_space<vmem_shared>> -> memref<64x128xf32, #tpu.memory_space<vmem_shared>>
      tpu.wait_dma2 semaphore(%run_scoped3A : memref<!tpu.dma_semaphore, #tpu.memory_space<semaphore_mem>>) src(%arg9 : memref<64x128xf32, #tpu.memory_space<vmem>>) dst(%dma_wait3A_94 : memref<64x128xf32, #tpu.memory_space<vmem_shared>>)
      tpu.yield
    }) : () -> ()
    %mul3A_44 = arith.constant 640 : i32
    %mul3A_45 = arith.muli %arg1, %mul3A_44 : i32
    %add3A_46 = arith.constant 192 : i32
    %add3A_47 = arith.addi %mul3A_45, %add3A_46 : i32
    "tpu.region"() ({
      %run_scoped3A = tpu.sem_alloc : memref<!tpu.dma_semaphore, #tpu.memory_space<semaphore_mem>>
      %dma_start3A = arith.constant 0 : i32
      %dma_start3A_89 = tpu.memref_slice %arg10[%add3A_47, %dma_start3A] : memref<10240x128xf32, #tpu.memory_space<vmem_shared>> -> memref<64x128xf32, #tpu.memory_space<vmem_shared>>
      %dma_start3A_90 = arith.constant 0 : i32
      %dma_start3A_91 = tpu.memref_slice %arg10[%add3A_47, %dma_start3A_90] : memref<10240x128xf32, #tpu.memory_space<vmem_shared>> -> memref<64x128xf32, #tpu.memory_space<vmem_shared>>
      tpu.enqueue_dma source(%arg9 : memref<64x128xf32, #tpu.memory_space<vmem>>) target(%dma_start3A_91 : memref<64x128xf32, #tpu.memory_space<vmem_shared>>) target_semaphore(%run_scoped3A : memref<!tpu.dma_semaphore, #tpu.memory_space<semaphore_mem>>)
      %dma_wait3A = arith.constant 0 : i32
      %dma_wait3A_92 = tpu.memref_slice %arg10[%add3A_47, %dma_wait3A] : memref<10240x128xf32, #tpu.memory_space<vmem_shared>> -> memref<64x128xf32, #tpu.memory_space<vmem_shared>>
      %dma_wait3A_93 = arith.constant 0 : i32
      %dma_wait3A_94 = tpu.memref_slice %arg10[%add3A_47, %dma_wait3A_93] : memref<10240x128xf32, #tpu.memory_space<vmem_shared>> -> memref<64x128xf32, #tpu.memory_space<vmem_shared>>
      tpu.wait_dma2 semaphore(%run_scoped3A : memref<!tpu.dma_semaphore, #tpu.memory_space<semaphore_mem>>) src(%arg9 : memref<64x128xf32, #tpu.memory_space<vmem>>) dst(%dma_wait3A_94 : memref<64x128xf32, #tpu.memory_space<vmem_shared>>)
      tpu.yield
    }) : () -> ()
    %mul3A_48 = arith.constant 640 : i32
    %mul3A_49 = arith.muli %arg1, %mul3A_48 : i32
    %add3A_50 = arith.constant 256 : i32
    %add3A_51 = arith.addi %mul3A_49, %add3A_50 : i32
    "tpu.region"() ({
      %run_scoped3A = tpu.sem_alloc : memref<!tpu.dma_semaphore, #tpu.memory_space<semaphore_mem>>
      %dma_start3A = arith.constant 0 : i32
      %dma_start3A_89 = tpu.memref_slice %arg10[%add3A_51, %dma_start3A] : memref<10240x128xf32, #tpu.memory_space<vmem_shared>> -> memref<64x128xf32, #tpu.memory_space<vmem_shared>>
      %dma_start3A_90 = arith.constant 0 : i32
      %dma_start3A_91 = tpu.memref_slice %arg10[%add3A_51, %dma_start3A_90] : memref<10240x128xf32, #tpu.memory_space<vmem_shared>> -> memref<64x128xf32, #tpu.memory_space<vmem_shared>>
      tpu.enqueue_dma source(%arg9 : memref<64x128xf32, #tpu.memory_space<vmem>>) target(%dma_start3A_91 : memref<64x128xf32, #tpu.memory_space<vmem_shared>>) target_semaphore(%run_scoped3A : memref<!tpu.dma_semaphore, #tpu.memory_space<semaphore_mem>>)
      %dma_wait3A = arith.constant 0 : i32
      %dma_wait3A_92 = tpu.memref_slice %arg10[%add3A_51, %dma_wait3A] : memref<10240x128xf32, #tpu.memory_space<vmem_shared>> -> memref<64x128xf32, #tpu.memory_space<vmem_shared>>
      %dma_wait3A_93 = arith.constant 0 : i32
      %dma_wait3A_94 = tpu.memref_slice %arg10[%add3A_51, %dma_wait3A_93] : memref<10240x128xf32, #tpu.memory_space<vmem_shared>> -> memref<64x128xf32, #tpu.memory_space<vmem_shared>>
      tpu.wait_dma2 semaphore(%run_scoped3A : memref<!tpu.dma_semaphore, #tpu.memory_space<semaphore_mem>>) src(%arg9 : memref<64x128xf32, #tpu.memory_space<vmem>>) dst(%dma_wait3A_94 : memref<64x128xf32, #tpu.memory_space<vmem_shared>>)
      tpu.yield
    }) : () -> ()
    %mul3A_52 = arith.constant 640 : i32
    %mul3A_53 = arith.muli %arg1, %mul3A_52 : i32
    %add3A_54 = arith.constant 320 : i32
    %add3A_55 = arith.addi %mul3A_53, %add3A_54 : i32
    "tpu.region"() ({
      %run_scoped3A = tpu.sem_alloc : memref<!tpu.dma_semaphore, #tpu.memory_space<semaphore_mem>>
      %dma_start3A = arith.constant 0 : i32
      %dma_start3A_89 = tpu.memref_slice %arg10[%add3A_55, %dma_start3A] : memref<10240x128xf32, #tpu.memory_space<vmem_shared>> -> memref<64x128xf32, #tpu.memory_space<vmem_shared>>
      %dma_start3A_90 = arith.constant 0 : i32
      %dma_start3A_91 = tpu.memref_slice %arg10[%add3A_55, %dma_start3A_90] : memref<10240x128xf32, #tpu.memory_space<vmem_shared>> -> memref<64x128xf32, #tpu.memory_space<vmem_shared>>
      tpu.enqueue_dma source(%arg9 : memref<64x128xf32, #tpu.memory_space<vmem>>) target(%dma_start3A_91 : memref<64x128xf32, #tpu.memory_space<vmem_shared>>) target_semaphore(%run_scoped3A : memref<!tpu.dma_semaphore, #tpu.memory_space<semaphore_mem>>)
      %dma_wait3A = arith.constant 0 : i32
      %dma_wait3A_92 = tpu.memref_slice %arg10[%add3A_55, %dma_wait3A] : memref<10240x128xf32, #tpu.memory_space<vmem_shared>> -> memref<64x128xf32, #tpu.memory_space<vmem_shared>>
      %dma_wait3A_93 = arith.constant 0 : i32
      %dma_wait3A_94 = tpu.memref_slice %arg10[%add3A_55, %dma_wait3A_93] : memref<10240x128xf32, #tpu.memory_space<vmem_shared>> -> memref<64x128xf32, #tpu.memory_space<vmem_shared>>
      tpu.wait_dma2 semaphore(%run_scoped3A : memref<!tpu.dma_semaphore, #tpu.memory_space<semaphore_mem>>) src(%arg9 : memref<64x128xf32, #tpu.memory_space<vmem>>) dst(%dma_wait3A_94 : memref<64x128xf32, #tpu.memory_space<vmem_shared>>)
      tpu.yield
    }) : () -> ()
    %mul3A_56 = arith.constant 640 : i32
    %mul3A_57 = arith.muli %arg1, %mul3A_56 : i32
    %add3A_58 = arith.constant 384 : i32
    %add3A_59 = arith.addi %mul3A_57, %add3A_58 : i32
    "tpu.region"() ({
      %run_scoped3A = tpu.sem_alloc : memref<!tpu.dma_semaphore, #tpu.memory_space<semaphore_mem>>
      %dma_start3A = arith.constant 0 : i32
      %dma_start3A_89 = tpu.memref_slice %arg10[%add3A_59, %dma_start3A] : memref<10240x128xf32, #tpu.memory_space<vmem_shared>> -> memref<64x128xf32, #tpu.memory_space<vmem_shared>>
      %dma_start3A_90 = arith.constant 0 : i32
      %dma_start3A_91 = tpu.memref_slice %arg10[%add3A_59, %dma_start3A_90] : memref<10240x128xf32, #tpu.memory_space<vmem_shared>> -> memref<64x128xf32, #tpu.memory_space<vmem_shared>>
      tpu.enqueue_dma source(%arg9 : memref<64x128xf32, #tpu.memory_space<vmem>>) target(%dma_start3A_91 : memref<64x128xf32, #tpu.memory_space<vmem_shared>>) target_semaphore(%run_scoped3A : memref<!tpu.dma_semaphore, #tpu.memory_space<semaphore_mem>>)
      %dma_wait3A = arith.constant 0 : i32
      %dma_wait3A_92 = tpu.memref_slice %arg10[%add3A_59, %dma_wait3A] : memref<10240x128xf32, #tpu.memory_space<vmem_shared>> -> memref<64x128xf32, #tpu.memory_space<vmem_shared>>
      %dma_wait3A_93 = arith.constant 0 : i32
      %dma_wait3A_94 = tpu.memref_slice %arg10[%add3A_59, %dma_wait3A_93] : memref<10240x128xf32, #tpu.memory_space<vmem_shared>> -> memref<64x128xf32, #tpu.memory_space<vmem_shared>>
      tpu.wait_dma2 semaphore(%run_scoped3A : memref<!tpu.dma_semaphore, #tpu.memory_space<semaphore_mem>>) src(%arg9 : memref<64x128xf32, #tpu.memory_space<vmem>>) dst(%dma_wait3A_94 : memref<64x128xf32, #tpu.memory_space<vmem_shared>>)
      tpu.yield
    }) : () -> ()
    %mul3A_60 = arith.constant 640 : i32
    %mul3A_61 = arith.muli %arg1, %mul3A_60 : i32
    %add3A_62 = arith.constant 448 : i32
    %add3A_63 = arith.addi %mul3A_61, %add3A_62 : i32
    "tpu.region"() ({
      %run_scoped3A = tpu.sem_alloc : memref<!tpu.dma_semaphore, #tpu.memory_space<semaphore_mem>>
      %dma_start3A = arith.constant 0 : i32
      %dma_start3A_89 = tpu.memref_slice %arg10[%add3A_63, %dma_start3A] : memref<10240x128xf32, #tpu.memory_space<vmem_shared>> -> memref<64x128xf32, #tpu.memory_space<vmem_shared>>
      %dma_start3A_90 = arith.constant 0 : i32
      %dma_start3A_91 = tpu.memref_slice %arg10[%add3A_63, %dma_start3A_90] : memref<10240x128xf32, #tpu.memory_space<vmem_shared>> -> memref<64x128xf32, #tpu.memory_space<vmem_shared>>
      tpu.enqueue_dma source(%arg9 : memref<64x128xf32, #tpu.memory_space<vmem>>) target(%dma_start3A_91 : memref<64x128xf32, #tpu.memory_space<vmem_shared>>) target_semaphore(%run_scoped3A : memref<!tpu.dma_semaphore, #tpu.memory_space<semaphore_mem>>)
      %dma_wait3A = arith.constant 0 : i32
      %dma_wait3A_92 = tpu.memref_slice %arg10[%add3A_63, %dma_wait3A] : memref<10240x128xf32, #tpu.memory_space<vmem_shared>> -> memref<64x128xf32, #tpu.memory_space<vmem_shared>>
      %dma_wait3A_93 = arith.constant 0 : i32
      %dma_wait3A_94 = tpu.memref_slice %arg10[%add3A_63, %dma_wait3A_93] : memref<10240x128xf32, #tpu.memory_space<vmem_shared>> -> memref<64x128xf32, #tpu.memory_space<vmem_shared>>
      tpu.wait_dma2 semaphore(%run_scoped3A : memref<!tpu.dma_semaphore, #tpu.memory_space<semaphore_mem>>) src(%arg9 : memref<64x128xf32, #tpu.memory_space<vmem>>) dst(%dma_wait3A_94 : memref<64x128xf32, #tpu.memory_space<vmem_shared>>)
      tpu.yield
    }) : () -> ()
    %mul3A_64 = arith.constant 640 : i32
    %mul3A_65 = arith.muli %arg1, %mul3A_64 : i32
    %add3A_66 = arith.constant 512 : i32
    %add3A_67 = arith.addi %mul3A_65, %add3A_66 : i32
    "tpu.region"() ({
      %run_scoped3A = tpu.sem_alloc : memref<!tpu.dma_semaphore, #tpu.memory_space<semaphore_mem>>
      %dma_start3A = arith.constant 0 : i32
      %dma_start3A_89 = tpu.memref_slice %arg10[%add3A_67, %dma_start3A] : memref<10240x128xf32, #tpu.memory_space<vmem_shared>> -> memref<64x128xf32, #tpu.memory_space<vmem_shared>>
      %dma_start3A_90 = arith.constant 0 : i32
      %dma_start3A_91 = tpu.memref_slice %arg10[%add3A_67, %dma_start3A_90] : memref<10240x128xf32, #tpu.memory_space<vmem_shared>> -> memref<64x128xf32, #tpu.memory_space<vmem_shared>>
      tpu.enqueue_dma source(%arg9 : memref<64x128xf32, #tpu.memory_space<vmem>>) target(%dma_start3A_91 : memref<64x128xf32, #tpu.memory_space<vmem_shared>>) target_semaphore(%run_scoped3A : memref<!tpu.dma_semaphore, #tpu.memory_space<semaphore_mem>>)
      %dma_wait3A = arith.constant 0 : i32
      %dma_wait3A_92 = tpu.memref_slice %arg10[%add3A_67, %dma_wait3A] : memref<10240x128xf32, #tpu.memory_space<vmem_shared>> -> memref<64x128xf32, #tpu.memory_space<vmem_shared>>
      %dma_wait3A_93 = arith.constant 0 : i32
      %dma_wait3A_94 = tpu.memref_slice %arg10[%add3A_67, %dma_wait3A_93] : memref<10240x128xf32, #tpu.memory_space<vmem_shared>> -> memref<64x128xf32, #tpu.memory_space<vmem_shared>>
      tpu.wait_dma2 semaphore(%run_scoped3A : memref<!tpu.dma_semaphore, #tpu.memory_space<semaphore_mem>>) src(%arg9 : memref<64x128xf32, #tpu.memory_space<vmem>>) dst(%dma_wait3A_94 : memref<64x128xf32, #tpu.memory_space<vmem_shared>>)
      tpu.yield
    }) : () -> ()
    %mul3A_68 = arith.constant 640 : i32
    %mul3A_69 = arith.muli %arg1, %mul3A_68 : i32
    %add3A_70 = arith.constant 576 : i32
    %add3A_71 = arith.addi %mul3A_69, %add3A_70 : i32
    "tpu.region"() ({
      %run_scoped3A = tpu.sem_alloc : memref<!tpu.dma_semaphore, #tpu.memory_space<semaphore_mem>>
      %dma_start3A = arith.constant 0 : i32
      %dma_start3A_89 = tpu.memref_slice %arg10[%add3A_71, %dma_start3A] : memref<10240x128xf32, #tpu.memory_space<vmem_shared>> -> memref<64x128xf32, #tpu.memory_space<vmem_shared>>
      %dma_start3A_90 = arith.constant 0 : i32
      %dma_start3A_91 = tpu.memref_slice %arg10[%add3A_71, %dma_start3A_90] : memref<10240x128xf32, #tpu.memory_space<vmem_shared>> -> memref<64x128xf32, #tpu.memory_space<vmem_shared>>
      tpu.enqueue_dma source(%arg9 : memref<64x128xf32, #tpu.memory_space<vmem>>) target(%dma_start3A_91 : memref<64x128xf32, #tpu.memory_space<vmem_shared>>) target_semaphore(%run_scoped3A : memref<!tpu.dma_semaphore, #tpu.memory_space<semaphore_mem>>)
      %dma_wait3A = arith.constant 0 : i32
      %dma_wait3A_92 = tpu.memref_slice %arg10[%add3A_71, %dma_wait3A] : memref<10240x128xf32, #tpu.memory_space<vmem_shared>> -> memref<64x128xf32, #tpu.memory_space<vmem_shared>>
      %dma_wait3A_93 = arith.constant 0 : i32
      %dma_wait3A_94 = tpu.memref_slice %arg10[%add3A_71, %dma_wait3A_93] : memref<10240x128xf32, #tpu.memory_space<vmem_shared>> -> memref<64x128xf32, #tpu.memory_space<vmem_shared>>
      tpu.wait_dma2 semaphore(%run_scoped3A : memref<!tpu.dma_semaphore, #tpu.memory_space<semaphore_mem>>) src(%arg9 : memref<64x128xf32, #tpu.memory_space<vmem>>) dst(%dma_wait3A_94 : memref<64x128xf32, #tpu.memory_space<vmem_shared>>)
      tpu.yield
    }) : () -> ()
    %barrier3A = arith.constant 0 : index
    tpu.barrier barrier_id(%barrier3A)
    %while3A = arith.constant 0 : i32
    %while3A_72 = arith.constant 0 : i32
    %while3A_73 = arith.subi %select_n3A_26, %while3A_72 : i32
    %while3A_74 = arith.addi %while3A_72, %while3A_73 : i32
    %while3A_75 = arith.constant 1 : i32
    %while3A_76 = arith.divsi %while3A_73, %while3A_75 : i32
    %while3A_77 = arith.muli %while3A_76, %while3A_75 : i32
    %while3A_78 = arith.addi %while3A_72, %while3A_77 : i32
    %while3A_79 = arith.constant 1 : i32
    scf.for %while3A_89 = %while3A_72 to %while3A_78 step %while3A_79  : i32 {
      %mul3A_90 = arith.constant 128 : i32
      %mul3A_91 = arith.muli %while3A_89, %mul3A_90 : i32
      %add3A_92 = arith.addi %select_n3A, %mul3A_91 : i32
      %multiple_of3A = tpu.assume_multiple %add3A_92, 128 : i32
      "tpu.region"() ({
        %run_scoped3A_122 = tpu.sem_alloc : memref<!tpu.dma_semaphore, #tpu.memory_space<semaphore_mem>>
        %dma_start3A_123 = tpu.memref_slice %arg3[%multiple_of3A] : memref<323584xi32, #tpu.memory_space<hbm>> -> memref<128xi32, #tpu.memory_space<hbm>>
        %dma_start3A_124 = tpu.memref_slice %arg3[%multiple_of3A] : memref<323584xi32, #tpu.memory_space<hbm>> -> memref<128xi32, #tpu.memory_space<hbm>>
        tpu.enqueue_dma source(%dma_start3A_124 : memref<128xi32, #tpu.memory_space<hbm>>) target(%arg6 : memref<128xi32, #tpu.memory_space<vmem>>) target_semaphore(%run_scoped3A_122 : memref<!tpu.dma_semaphore, #tpu.memory_space<semaphore_mem>>)
        %dma_wait3A_125 = tpu.memref_slice %arg3[%multiple_of3A] : memref<323584xi32, #tpu.memory_space<hbm>> -> memref<128xi32, #tpu.memory_space<hbm>>
        %dma_wait3A_126 = tpu.memref_slice %arg3[%multiple_of3A] : memref<323584xi32, #tpu.memory_space<hbm>> -> memref<128xi32, #tpu.memory_space<hbm>>
        tpu.wait_dma2 semaphore(%run_scoped3A_122 : memref<!tpu.dma_semaphore, #tpu.memory_space<semaphore_mem>>) src(%dma_wait3A_126 : memref<128xi32, #tpu.memory_space<hbm>>) dst(%arg6 : memref<128xi32, #tpu.memory_space<vmem>>)
        tpu.yield
      }) : () -> ()
      %jit3A_93 = arith.constant 128 : i32
      %div3A_94 = arith.divsi %multiple_of3A, %jit3A_93 : i32
      %sign3A_95 = arith.constant 0 : i32
      %sign3A_96 = arith.cmpi sgt, %multiple_of3A, %sign3A_95 : i32
      %sign3A_97 = arith.extui %sign3A_96 : i1 to i32
      %sign3A_98 = arith.constant 0 : i32
      %sign3A_99 = arith.cmpi slt, %multiple_of3A, %sign3A_98 : i32
      %sign3A_100 = arith.extui %sign3A_99 : i1 to i32
      %sign3A_101 = arith.subi %sign3A_97, %sign3A_100 : i32
      %sign3A_102 = arith.constant 0 : i32
      %sign3A_103 = arith.cmpi sgt, %jit3A_93, %sign3A_102 : i32
      %sign3A_104 = arith.extui %sign3A_103 : i1 to i32
      %sign3A_105 = arith.constant 0 : i32
      %sign3A_106 = arith.cmpi slt, %jit3A_93, %sign3A_105 : i32
      %sign3A_107 = arith.extui %sign3A_106 : i1 to i32
      %sign3A_108 = arith.subi %sign3A_104, %sign3A_107 : i32
      %ne3A_109 = arith.cmpi ne, %sign3A_101, %sign3A_108 : i32
      %rem3A_110 = arith.remsi %multiple_of3A, %jit3A_93 : i32
      %ne3A_111 = arith.constant 0 : i32
      %ne3A_112 = arith.cmpi ne, %rem3A_110, %ne3A_111 : i32
      %and3A_113 = arith.andi %ne3A_109, %ne3A_112 : i1
      %sub3A_114 = arith.constant 1 : i32
      %sub3A_115 = arith.subi %div3A_94, %sub3A_114 : i32
      %select_n3A_116 = arith.select %and3A_113, %sub3A_115, %div3A_94 : i32
      %multiple_of3A_117 = tpu.assume_multiple %select_n3A_116, 1 : i32
      "tpu.region"() ({
        %run_scoped3A_122 = tpu.sem_alloc : memref<!tpu.dma_semaphore, #tpu.memory_space<semaphore_mem>>
        %dma_start3A_123 = arith.constant 0 : i32
        %dma_start3A_124 = tpu.memref_slice %arg4[%multiple_of3A_117, %dma_start3A_123] : memref<2528x128xi32, #tpu.memory_space<hbm>> -> memref<1x128xi32, #tpu.memory_space<hbm>>
        %dma_start3A_125 = arith.constant 0 : i32
        %dma_start3A_126 = tpu.memref_slice %arg4[%multiple_of3A_117, %dma_start3A_125] : memref<2528x128xi32, #tpu.memory_space<hbm>> -> memref<1x128xi32, #tpu.memory_space<hbm>>
        tpu.enqueue_dma source(%dma_start3A_126 : memref<1x128xi32, #tpu.memory_space<hbm>>) target(%arg7 : memref<1x128xi32, #tpu.memory_space<vmem>>) target_semaphore(%run_scoped3A_122 : memref<!tpu.dma_semaphore, #tpu.memory_space<semaphore_mem>>)
        %dma_wait3A_127 = arith.constant 0 : i32
        %dma_wait3A_128 = tpu.memref_slice %arg4[%multiple_of3A_117, %dma_wait3A_127] : memref<2528x128xi32, #tpu.memory_space<hbm>> -> memref<1x128xi32, #tpu.memory_space<hbm>>
        %dma_wait3A_129 = arith.constant 0 : i32
        %dma_wait3A_130 = tpu.memref_slice %arg4[%multiple_of3A_117, %dma_wait3A_129] : memref<2528x128xi32, #tpu.memory_space<hbm>> -> memref<1x128xi32, #tpu.memory_space<hbm>>
        tpu.wait_dma2 semaphore(%run_scoped3A_122 : memref<!tpu.dma_semaphore, #tpu.memory_space<semaphore_mem>>) src(%dma_wait3A_130 : memref<1x128xi32, #tpu.memory_space<hbm>>) dst(%arg7 : memref<1x128xi32, #tpu.memory_space<vmem>>)
        tpu.yield
      }) : () -> ()
      %dma_start3A = arith.constant 0 : i32
      %dma_start3A_118 = arith.constant 0 : i32
      %dma_start3A_119 = tpu.memref_slice %arg2[%dma_start3A, %dma_start3A_118] : memref<20480x128xf32, #tpu.memory_space<hbm>> -> memref<20480x128xf32, #tpu.memory_space<hbm>>
      tpu.enqueue_indirect_dma source(%dma_start3A_119 : memref<20480x128xf32, #tpu.memory_space<hbm>>) target(%arg8 : memref<128x128xf32, #tpu.memory_space<vmem>>) offsets(%arg6 : memref<128xi32, #tpu.memory_space<vmem>>) semaphore(%arg11 : memref<!tpu.dma_semaphore, #tpu.memory_space<semaphore_mem>>)
      %dma_wait3A = arith.constant 0 : i32
      %dma_wait3A_120 = arith.constant 0 : i32
      %dma_wait3A_121 = tpu.memref_slice %arg2[%dma_wait3A, %dma_wait3A_120] : memref<20480x128xf32, #tpu.memory_space<hbm>> -> memref<20480x128xf32, #tpu.memory_space<hbm>>
      tpu.wait_indirect_dma semaphore(%arg11 : memref<!tpu.dma_semaphore, #tpu.memory_space<semaphore_mem>>) src(%dma_wait3A_121 : memref<20480x128xf32, #tpu.memory_space<hbm>>) dst(%arg8 : memref<128x128xf32, #tpu.memory_space<vmem>>)
      %run_scoped3A = arith.constant 0 : i32
      "tpu.region"() ({
        %run_scoped3A_122 = tpu.sem_alloc : memref<!tpu.dma_semaphore, #tpu.memory_space<semaphore_mem>>
        %dma_start3A_123 = arith.constant 0 : i32
        %dma_start3A_124 = arith.constant 0 : i32
        %dma_start3A_125 = tpu.memref_slice %arg8[%dma_start3A_123, %dma_start3A_124] : memref<128x128xf32, #tpu.memory_space<vmem>> -> memref<128x128xf32, #tpu.memory_space<vmem>>
        %dma_start3A_126 = arith.constant 0 : i32
        %dma_start3A_127 = tpu.memref_slice %arg7[%run_scoped3A, %dma_start3A_126] : memref<1x128xi32, #tpu.memory_space<vmem>> -> memref<1x128xi32, #tpu.memory_space<vmem>>
        %dma_start3A_128 = tpu.memref_squeeze %dma_start3A_127 : memref<1x128xi32, #tpu.memory_space<vmem>> -> memref<128xi32, #tpu.memory_space<vmem>>
        %dma_start3A_129 = arith.constant 0 : i32
        %dma_start3A_130 = arith.constant 0 : i32
        %dma_start3A_131 = tpu.memref_slice %arg10[%dma_start3A_129, %dma_start3A_130] : memref<10240x128xf32, #tpu.memory_space<vmem_shared>> -> memref<10240x128xf32, #tpu.memory_space<vmem_shared>>
        tpu.enqueue_indirect_dma source(%dma_start3A_125 : memref<128x128xf32, #tpu.memory_space<vmem>>) target(%dma_start3A_131 : memref<10240x128xf32, #tpu.memory_space<vmem_shared>>) offsets(%dma_start3A_128 : memref<128xi32, #tpu.memory_space<vmem>>) semaphore(%run_scoped3A_122 : memref<!tpu.dma_semaphore, #tpu.memory_space<semaphore_mem>>) {add = true}
        %dma_wait3A_132 = arith.constant 0 : i32
        %dma_wait3A_133 = arith.constant 0 : i32
        %dma_wait3A_134 = tpu.memref_slice %arg8[%dma_wait3A_132, %dma_wait3A_133] : memref<128x128xf32, #tpu.memory_space<vmem>> -> memref<128x128xf32, #tpu.memory_space<vmem>>
        %dma_wait3A_135 = arith.constant 0 : i32
        %dma_wait3A_136 = tpu.memref_slice %arg7[%run_scoped3A, %dma_wait3A_135] : memref<1x128xi32, #tpu.memory_space<vmem>> -> memref<1x128xi32, #tpu.memory_space<vmem>>
        %dma_wait3A_137 = tpu.memref_squeeze %dma_wait3A_136 : memref<1x128xi32, #tpu.memory_space<vmem>> -> memref<128xi32, #tpu.memory_space<vmem>>
        %dma_wait3A_138 = arith.constant 0 : i32
        %dma_wait3A_139 = arith.constant 0 : i32
        %dma_wait3A_140 = tpu.memref_slice %arg10[%dma_wait3A_138, %dma_wait3A_139] : memref<10240x128xf32, #tpu.memory_space<vmem_shared>> -> memref<10240x128xf32, #tpu.memory_space<vmem_shared>>
        tpu.wait_indirect_dma semaphore(%run_scoped3A_122 : memref<!tpu.dma_semaphore, #tpu.memory_space<semaphore_mem>>) src(%dma_wait3A_134 : memref<128x128xf32, #tpu.memory_space<vmem>>) dst(%dma_wait3A_140 : memref<10240x128xf32, #tpu.memory_space<vmem_shared>>)
        tpu.yield
      }) : () -> ()
    }
    %while3A_80 = arith.constant 1 : i32
    scf.for %while3A_89 = %while3A_78 to %while3A_74 step %while3A_80  : i32 {
      %mul3A_90 = arith.constant 128 : i32
      %mul3A_91 = arith.muli %while3A_89, %mul3A_90 : i32
      %add3A_92 = arith.addi %select_n3A, %mul3A_91 : i32
      %multiple_of3A = tpu.assume_multiple %add3A_92, 128 : i32
      "tpu.region"() ({
        %run_scoped3A_122 = tpu.sem_alloc : memref<!tpu.dma_semaphore, #tpu.memory_space<semaphore_mem>>
        %dma_start3A_123 = tpu.memref_slice %arg3[%multiple_of3A] : memref<323584xi32, #tpu.memory_space<hbm>> -> memref<128xi32, #tpu.memory_space<hbm>>
        %dma_start3A_124 = tpu.memref_slice %arg3[%multiple_of3A] : memref<323584xi32, #tpu.memory_space<hbm>> -> memref<128xi32, #tpu.memory_space<hbm>>
        tpu.enqueue_dma source(%dma_start3A_124 : memref<128xi32, #tpu.memory_space<hbm>>) target(%arg6 : memref<128xi32, #tpu.memory_space<vmem>>) target_semaphore(%run_scoped3A_122 : memref<!tpu.dma_semaphore, #tpu.memory_space<semaphore_mem>>)
        %dma_wait3A_125 = tpu.memref_slice %arg3[%multiple_of3A] : memref<323584xi32, #tpu.memory_space<hbm>> -> memref<128xi32, #tpu.memory_space<hbm>>
        %dma_wait3A_126 = tpu.memref_slice %arg3[%multiple_of3A] : memref<323584xi32, #tpu.memory_space<hbm>> -> memref<128xi32, #tpu.memory_space<hbm>>
        tpu.wait_dma2 semaphore(%run_scoped3A_122 : memref<!tpu.dma_semaphore, #tpu.memory_space<semaphore_mem>>) src(%dma_wait3A_126 : memref<128xi32, #tpu.memory_space<hbm>>) dst(%arg6 : memref<128xi32, #tpu.memory_space<vmem>>)
        tpu.yield
      }) : () -> ()
      %jit3A_93 = arith.constant 128 : i32
      %div3A_94 = arith.divsi %multiple_of3A, %jit3A_93 : i32
      %sign3A_95 = arith.constant 0 : i32
      %sign3A_96 = arith.cmpi sgt, %multiple_of3A, %sign3A_95 : i32
      %sign3A_97 = arith.extui %sign3A_96 : i1 to i32
      %sign3A_98 = arith.constant 0 : i32
      %sign3A_99 = arith.cmpi slt, %multiple_of3A, %sign3A_98 : i32
      %sign3A_100 = arith.extui %sign3A_99 : i1 to i32
      %sign3A_101 = arith.subi %sign3A_97, %sign3A_100 : i32
      %sign3A_102 = arith.constant 0 : i32
      %sign3A_103 = arith.cmpi sgt, %jit3A_93, %sign3A_102 : i32
      %sign3A_104 = arith.extui %sign3A_103 : i1 to i32
      %sign3A_105 = arith.constant 0 : i32
      %sign3A_106 = arith.cmpi slt, %jit3A_93, %sign3A_105 : i32
      %sign3A_107 = arith.extui %sign3A_106 : i1 to i32
      %sign3A_108 = arith.subi %sign3A_104, %sign3A_107 : i32
      %ne3A_109 = arith.cmpi ne, %sign3A_101, %sign3A_108 : i32
      %rem3A_110 = arith.remsi %multiple_of3A, %jit3A_93 : i32
      %ne3A_111 = arith.constant 0 : i32
      %ne3A_112 = arith.cmpi ne, %rem3A_110, %ne3A_111 : i32
      %and3A_113 = arith.andi %ne3A_109, %ne3A_112 : i1
      %sub3A_114 = arith.constant 1 : i32
      %sub3A_115 = arith.subi %div3A_94, %sub3A_114 : i32
      %select_n3A_116 = arith.select %and3A_113, %sub3A_115, %div3A_94 : i32
      %multiple_of3A_117 = tpu.assume_multiple %select_n3A_116, 1 : i32
      "tpu.region"() ({
        %run_scoped3A_122 = tpu.sem_alloc : memref<!tpu.dma_semaphore, #tpu.memory_space<semaphore_mem>>
        %dma_start3A_123 = arith.constant 0 : i32
        %dma_start3A_124 = tpu.memref_slice %arg4[%multiple_of3A_117, %dma_start3A_123] : memref<2528x128xi32, #tpu.memory_space<hbm>> -> memref<1x128xi32, #tpu.memory_space<hbm>>
        %dma_start3A_125 = arith.constant 0 : i32
        %dma_start3A_126 = tpu.memref_slice %arg4[%multiple_of3A_117, %dma_start3A_125] : memref<2528x128xi32, #tpu.memory_space<hbm>> -> memref<1x128xi32, #tpu.memory_space<hbm>>
        tpu.enqueue_dma source(%dma_start3A_126 : memref<1x128xi32, #tpu.memory_space<hbm>>) target(%arg7 : memref<1x128xi32, #tpu.memory_space<vmem>>) target_semaphore(%run_scoped3A_122 : memref<!tpu.dma_semaphore, #tpu.memory_space<semaphore_mem>>)
        %dma_wait3A_127 = arith.constant 0 : i32
        %dma_wait3A_128 = tpu.memref_slice %arg4[%multiple_of3A_117, %dma_wait3A_127] : memref<2528x128xi32, #tpu.memory_space<hbm>> -> memref<1x128xi32, #tpu.memory_space<hbm>>
        %dma_wait3A_129 = arith.constant 0 : i32
        %dma_wait3A_130 = tpu.memref_slice %arg4[%multiple_of3A_117, %dma_wait3A_129] : memref<2528x128xi32, #tpu.memory_space<hbm>> -> memref<1x128xi32, #tpu.memory_space<hbm>>
        tpu.wait_dma2 semaphore(%run_scoped3A_122 : memref<!tpu.dma_semaphore, #tpu.memory_space<semaphore_mem>>) src(%dma_wait3A_130 : memref<1x128xi32, #tpu.memory_space<hbm>>) dst(%arg7 : memref<1x128xi32, #tpu.memory_space<vmem>>)
        tpu.yield
      }) : () -> ()
      %dma_start3A = arith.constant 0 : i32
      %dma_start3A_118 = arith.constant 0 : i32
      %dma_start3A_119 = tpu.memref_slice %arg2[%dma_start3A, %dma_start3A_118] : memref<20480x128xf32, #tpu.memory_space<hbm>> -> memref<20480x128xf32, #tpu.memory_space<hbm>>
      tpu.enqueue_indirect_dma source(%dma_start3A_119 : memref<20480x128xf32, #tpu.memory_space<hbm>>) target(%arg8 : memref<128x128xf32, #tpu.memory_space<vmem>>) offsets(%arg6 : memref<128xi32, #tpu.memory_space<vmem>>) semaphore(%arg11 : memref<!tpu.dma_semaphore, #tpu.memory_space<semaphore_mem>>)
      %dma_wait3A = arith.constant 0 : i32
      %dma_wait3A_120 = arith.constant 0 : i32
      %dma_wait3A_121 = tpu.memref_slice %arg2[%dma_wait3A, %dma_wait3A_120] : memref<20480x128xf32, #tpu.memory_space<hbm>> -> memref<20480x128xf32, #tpu.memory_space<hbm>>
      tpu.wait_indirect_dma semaphore(%arg11 : memref<!tpu.dma_semaphore, #tpu.memory_space<semaphore_mem>>) src(%dma_wait3A_121 : memref<20480x128xf32, #tpu.memory_space<hbm>>) dst(%arg8 : memref<128x128xf32, #tpu.memory_space<vmem>>)
      %run_scoped3A = arith.constant 0 : i32
      "tpu.region"() ({
        %run_scoped3A_122 = tpu.sem_alloc : memref<!tpu.dma_semaphore, #tpu.memory_space<semaphore_mem>>
        %dma_start3A_123 = arith.constant 0 : i32
        %dma_start3A_124 = arith.constant 0 : i32
        %dma_start3A_125 = tpu.memref_slice %arg8[%dma_start3A_123, %dma_start3A_124] : memref<128x128xf32, #tpu.memory_space<vmem>> -> memref<128x128xf32, #tpu.memory_space<vmem>>
        %dma_start3A_126 = arith.constant 0 : i32
        %dma_start3A_127 = tpu.memref_slice %arg7[%run_scoped3A, %dma_start3A_126] : memref<1x128xi32, #tpu.memory_space<vmem>> -> memref<1x128xi32, #tpu.memory_space<vmem>>
        %dma_start3A_128 = tpu.memref_squeeze %dma_start3A_127 : memref<1x128xi32, #tpu.memory_space<vmem>> -> memref<128xi32, #tpu.memory_space<vmem>>
        %dma_start3A_129 = arith.constant 0 : i32
        %dma_start3A_130 = arith.constant 0 : i32
        %dma_start3A_131 = tpu.memref_slice %arg10[%dma_start3A_129, %dma_start3A_130] : memref<10240x128xf32, #tpu.memory_space<vmem_shared>> -> memref<10240x128xf32, #tpu.memory_space<vmem_shared>>
        tpu.enqueue_indirect_dma source(%dma_start3A_125 : memref<128x128xf32, #tpu.memory_space<vmem>>) target(%dma_start3A_131 : memref<10240x128xf32, #tpu.memory_space<vmem_shared>>) offsets(%dma_start3A_128 : memref<128xi32, #tpu.memory_space<vmem>>) semaphore(%run_scoped3A_122 : memref<!tpu.dma_semaphore, #tpu.memory_space<semaphore_mem>>) {add = true}
        %dma_wait3A_132 = arith.constant 0 : i32
        %dma_wait3A_133 = arith.constant 0 : i32
        %dma_wait3A_134 = tpu.memref_slice %arg8[%dma_wait3A_132, %dma_wait3A_133] : memref<128x128xf32, #tpu.memory_space<vmem>> -> memref<128x128xf32, #tpu.memory_space<vmem>>
        %dma_wait3A_135 = arith.constant 0 : i32
        %dma_wait3A_136 = tpu.memref_slice %arg7[%run_scoped3A, %dma_wait3A_135] : memref<1x128xi32, #tpu.memory_space<vmem>> -> memref<1x128xi32, #tpu.memory_space<vmem>>
        %dma_wait3A_137 = tpu.memref_squeeze %dma_wait3A_136 : memref<1x128xi32, #tpu.memory_space<vmem>> -> memref<128xi32, #tpu.memory_space<vmem>>
        %dma_wait3A_138 = arith.constant 0 : i32
        %dma_wait3A_139 = arith.constant 0 : i32
        %dma_wait3A_140 = tpu.memref_slice %arg10[%dma_wait3A_138, %dma_wait3A_139] : memref<10240x128xf32, #tpu.memory_space<vmem_shared>> -> memref<10240x128xf32, #tpu.memory_space<vmem_shared>>
        tpu.wait_indirect_dma semaphore(%run_scoped3A_122 : memref<!tpu.dma_semaphore, #tpu.memory_space<semaphore_mem>>) src(%dma_wait3A_134 : memref<128x128xf32, #tpu.memory_space<vmem>>) dst(%dma_wait3A_140 : memref<10240x128xf32, #tpu.memory_space<vmem_shared>>)
        tpu.yield
      }) : () -> ()
    }
    %barrier3A_81 = arith.constant 0 : index
    tpu.barrier barrier_id(%barrier3A_81)
    %mul3A_82 = arith.constant 640 : i32
    %mul3A_83 = arith.muli %arg1, %mul3A_82 : i32
    %mul3A_84 = arith.constant 10240 : i32
    %mul3A_85 = arith.muli %arg0, %mul3A_84 : i32
    %mul3A_86 = arith.constant 640 : i32
    %mul3A_87 = arith.muli %arg1, %mul3A_86 : i32
    %add3A_88 = arith.addi %mul3A_85, %mul3A_87 : i32
    "tpu.region"() ({
      %run_scoped3A = tpu.sem_alloc : memref<!tpu.dma_semaphore, #tpu.memory_space<semaphore_mem>>
      %dma_start3A = arith.constant 0 : i32
      %dma_start3A_89 = tpu.memref_slice %arg5[%add3A_88, %dma_start3A] : memref<20480x128xf32, #tpu.memory_space<hbm>> -> memref<640x128xf32, #tpu.memory_space<hbm>>
      %dma_start3A_90 = arith.constant 0 : i32
      %dma_start3A_91 = tpu.memref_slice %arg10[%mul3A_83, %dma_start3A_90] : memref<10240x128xf32, #tpu.memory_space<vmem_shared>> -> memref<640x128xf32, #tpu.memory_space<vmem_shared>>
      tpu.enqueue_dma source(%dma_start3A_91 : memref<640x128xf32, #tpu.memory_space<vmem_shared>>) target(%dma_start3A_89 : memref<640x128xf32, #tpu.memory_space<hbm>>) target_semaphore(%run_scoped3A : memref<!tpu.dma_semaphore, #tpu.memory_space<semaphore_mem>>)
      %dma_wait3A = arith.constant 0 : i32
      %dma_wait3A_92 = tpu.memref_slice %arg5[%add3A_88, %dma_wait3A] : memref<20480x128xf32, #tpu.memory_space<hbm>> -> memref<640x128xf32, #tpu.memory_space<hbm>>
      %dma_wait3A_93 = arith.constant 0 : i32
      %dma_wait3A_94 = tpu.memref_slice %arg10[%mul3A_83, %dma_wait3A_93] : memref<10240x128xf32, #tpu.memory_space<vmem_shared>> -> memref<640x128xf32, #tpu.memory_space<vmem_shared>>
      tpu.wait_dma2 semaphore(%run_scoped3A : memref<!tpu.dma_semaphore, #tpu.memory_space<semaphore_mem>>) src(%dma_wait3A_94 : memref<640x128xf32, #tpu.memory_space<vmem_shared>>) dst(%dma_wait3A_92 : memref<640x128xf32, #tpu.memory_space<hbm>>)
      tpu.yield
    }) : () -> ()
    return
  }
}

#map = affine_map<(d0, d1) -> (0, 0)>
#map1 = affine_map<(d0, d1) -> (0)>
module attributes {stable_mosaic.version = 14 : i64} {
  func.func @agg(%arg0: i32, %arg1: i32, %arg2: memref<20480x128xf32, #tpu.memory_space<hbm>>, %arg3: memref<323584xi32, #tpu.memory_space<hbm>>, %arg4: memref<2528x128xi32, #tpu.memory_space<hbm>>, %arg5: memref<20480x128xf32, #tpu.memory_space<hbm>>, %arg6: memref<128xi32, #tpu.memory_space<vmem>>, %arg7: memref<1x128xi32, #tpu.memory_space<vmem>>, %arg8: memref<128x128xf32, #tpu.memory_space<vmem>>, %arg9: memref<64x128xf32, #tpu.memory_space<vmem>>, %arg10: memref<10240x128xf32, #tpu.memory_space<vmem_shared>>, %arg11: memref<!tpu.dma_semaphore, #tpu.memory_space<semaphore_mem>>) attributes {dimension_semantics = [#tpu.dimension_semantics<core_parallel>, #tpu.dimension_semantics<subcore_parallel>], iteration_bounds = array<i64: 2, 16>, scalar_prefetch = 0 : i64, scratch_operands = 6 : i64, tpu.core_type = #tpu.core_type<sc_vector_subcore>, window_params = [{transform_indices = #map}, {transform_indices = #map1}, {transform_indices = #map}, {transform_indices = #map}]} {
    %eq3A = arith.constant 0 : i32
    %eq3A_0 = arith.cmpi eq, %arg0, %eq3A : i32
    %mul3A = arith.constant 12160 : i32
    %mul3A_1 = arith.muli %arg1, %mul3A : i32
    %mul3A_2 = arith.constant 8064 : i32
    %mul3A_3 = arith.muli %arg1, %mul3A_2 : i32
    %add3A = arith.constant 194560 : i32
    %add3A_4 = arith.addi %add3A, %mul3A_3 : i32
    %select_n3A = arith.select %eq3A_0, %mul3A_1, %add3A_4 : i32
    %eq3A_5 = arith.constant 0 : i32
    %eq3A_6 = arith.cmpi eq, %arg0, %eq3A_5 : i32
    %jit3A = arith.constant 12160 : i32
    %jit3A_7 = arith.constant 8064 : i32
    %select_n3A_8 = arith.select %eq3A_6, %jit3A, %jit3A_7 : i32
    %jit3A_9 = arith.constant 128 : i32
    %div3A = arith.divsi %select_n3A_8, %jit3A_9 : i32
    %sign3A = arith.constant 0 : i32
    %sign3A_10 = arith.cmpi sgt, %select_n3A_8, %sign3A : i32
    %sign3A_11 = arith.extui %sign3A_10 : i1 to i32
    %sign3A_12 = arith.constant 0 : i32
    %sign3A_13 = arith.cmpi slt, %select_n3A_8, %sign3A_12 : i32
    %sign3A_14 = arith.extui %sign3A_13 : i1 to i32
    %sign3A_15 = arith.subi %sign3A_11, %sign3A_14 : i32
    %sign3A_16 = arith.constant 0 : i32
    %sign3A_17 = arith.cmpi sgt, %jit3A_9, %sign3A_16 : i32
    %sign3A_18 = arith.extui %sign3A_17 : i1 to i32
    %sign3A_19 = arith.constant 0 : i32
    %sign3A_20 = arith.cmpi slt, %jit3A_9, %sign3A_19 : i32
    %sign3A_21 = arith.extui %sign3A_20 : i1 to i32
    %sign3A_22 = arith.subi %sign3A_18, %sign3A_21 : i32
    %ne3A = arith.cmpi ne, %sign3A_15, %sign3A_22 : i32
    %rem3A = arith.remsi %select_n3A_8, %jit3A_9 : i32
    %ne3A_23 = arith.constant 0 : i32
    %ne3A_24 = arith.cmpi ne, %rem3A, %ne3A_23 : i32
    %and3A = arith.andi %ne3A, %ne3A_24 : i1
    %sub3A = arith.constant 1 : i32
    %sub3A_25 = arith.subi %div3A, %sub3A : i32
    %select_n3A_26 = arith.select %and3A, %sub3A_25, %div3A : i32
    %scan3A = arith.constant 0 : i32
    %scan3A_27 = arith.constant 0 : i32
    %scan3A_28 = arith.constant 64 : i32
    %scan3A_29 = arith.addi %scan3A_27, %scan3A_28 : i32
    %scan3A_30 = arith.constant 1 : i32
    scf.for %scan3A_89 = %scan3A_27 to %scan3A_29 step %scan3A_30  : i32 {
      %broadcast_in_dim3A = arith.constant 0.000000e+00 : f32
      %broadcast_in_dim3A_90 = vector.broadcast %broadcast_in_dim3A : f32 to vector<16xf32>
      %swap3A = arith.index_cast %scan3A_89 : i32 to index
      %swap3A_91 = arith.constant 0 : index
      %swap3A_92 = tpu.vector_load %arg9[%swap3A, %swap3A_91] {strides = array<i32>} : memref<64x128xf32, #tpu.memory_space<vmem>>, vector<1x16xf32>,
      %swap3A_93 = vector.shape_cast %swap3A_92 : vector<1x16xf32> to vector<16xf32>
      %swap3A_94 = vector.shape_cast %broadcast_in_dim3A_90 : vector<16xf32> to vector<1x16xf32>
      tpu.vector_store %arg9[%swap3A, %swap3A_91], %swap3A_94 {strides = array<i32>} : memref<64x128xf32, #tpu.memory_space<vmem>>, vector<1x16xf32>,
      %broadcast_in_dim3A_95 = arith.constant 0.000000e+00 : f32
      %broadcast_in_dim3A_96 = vector.broadcast %broadcast_in_dim3A_95 : f32 to vector<16xf32>
      %swap3A_97 = arith.index_cast %scan3A_89 : i32 to index
      %swap3A_98 = arith.constant 16 : index
      %swap3A_99 = tpu.vector_load %arg9[%swap3A_97, %swap3A_98] {strides = array<i32>} : memref<64x128xf32, #tpu.memory_space<vmem>>, vector<1x16xf32>,
      %swap3A_100 = vector.shape_cast %swap3A_99 : vector<1x16xf32> to vector<16xf32>
      %swap3A_101 = vector.shape_cast %broadcast_in_dim3A_96 : vector<16xf32> to vector<1x16xf32>
      tpu.vector_store %arg9[%swap3A_97, %swap3A_98], %swap3A_101 {strides = array<i32>} : memref<64x128xf32, #tpu.memory_space<vmem>>, vector<1x16xf32>,
      %broadcast_in_dim3A_102 = arith.constant 0.000000e+00 : f32
      %broadcast_in_dim3A_103 = vector.broadcast %broadcast_in_dim3A_102 : f32 to vector<16xf32>
      %swap3A_104 = arith.index_cast %scan3A_89 : i32 to index
      %swap3A_105 = arith.constant 32 : index
      %swap3A_106 = tpu.vector_load %arg9[%swap3A_104, %swap3A_105] {strides = array<i32>} : memref<64x128xf32, #tpu.memory_space<vmem>>, vector<1x16xf32>,
      %swap3A_107 = vector.shape_cast %swap3A_106 : vector<1x16xf32> to vector<16xf32>
      %swap3A_108 = vector.shape_cast %broadcast_in_dim3A_103 : vector<16xf32> to vector<1x16xf32>
      tpu.vector_store %arg9[%swap3A_104, %swap3A_105], %swap3A_108 {strides = array<i32>} : memref<64x128xf32, #tpu.memory_space<vmem>>, vector<1x16xf32>,
      %broadcast_in_dim3A_109 = arith.constant 0.000000e+00 : f32
      %broadcast_in_dim3A_110 = vector.broadcast %broadcast_in_dim3A_109 : f32 to vector<16xf32>
      %swap3A_111 = arith.index_cast %scan3A_89 : i32 to index
      %swap3A_112 = arith.constant 48 : index
      %swap3A_113 = tpu.vector_load %arg9[%swap3A_111, %swap3A_112] {strides = array<i32>} : memref<64x128xf32, #tpu.memory_space<vmem>>, vector<1x16xf32>,
      %swap3A_114 = vector.shape_cast %swap3A_113 : vector<1x16xf32> to vector<16xf32>
      %swap3A_115 = vector.shape_cast %broadcast_in_dim3A_110 : vector<16xf32> to vector<1x16xf32>
      tpu.vector_store %arg9[%swap3A_111, %swap3A_112], %swap3A_115 {strides = array<i32>} : memref<64x128xf32, #tpu.memory_space<vmem>>, vector<1x16xf32>,
      %broadcast_in_dim3A_116 = arith.constant 0.000000e+00 : f32
      %broadcast_in_dim3A_117 = vector.broadcast %broadcast_in_dim3A_116 : f32 to vector<16xf32>
      %swap3A_118 = arith.index_cast %scan3A_89 : i32 to index
      %swap3A_119 = arith.constant 64 : index
      %swap3A_120 = tpu.vector_load %arg9[%swap3A_118, %swap3A_119] {strides = array<i32>} : memref<64x128xf32, #tpu.memory_space<vmem>>, vector<1x16xf32>,
      %swap3A_121 = vector.shape_cast %swap3A_120 : vector<1x16xf32> to vector<16xf32>
      %swap3A_122 = vector.shape_cast %broadcast_in_dim3A_117 : vector<16xf32> to vector<1x16xf32>
      tpu.vector_store %arg9[%swap3A_118, %swap3A_119], %swap3A_122 {strides = array<i32>} : memref<64x128xf32, #tpu.memory_space<vmem>>, vector<1x16xf32>,
      %broadcast_in_dim3A_123 = arith.constant 0.000000e+00 : f32
      %broadcast_in_dim3A_124 = vector.broadcast %broadcast_in_dim3A_123 : f32 to vector<16xf32>
      %swap3A_125 = arith.index_cast %scan3A_89 : i32 to index
      %swap3A_126 = arith.constant 80 : index
      %swap3A_127 = tpu.vector_load %arg9[%swap3A_125, %swap3A_126] {strides = array<i32>} : memref<64x128xf32, #tpu.memory_space<vmem>>, vector<1x16xf32>,
      %swap3A_128 = vector.shape_cast %swap3A_127 : vector<1x16xf32> to vector<16xf32>
      %swap3A_129 = vector.shape_cast %broadcast_in_dim3A_124 : vector<16xf32> to vector<1x16xf32>
      tpu.vector_store %arg9[%swap3A_125, %swap3A_126], %swap3A_129 {strides = array<i32>} : memref<64x128xf32, #tpu.memory_space<vmem>>, vector<1x16xf32>,
      %broadcast_in_dim3A_130 = arith.constant 0.000000e+00 : f32
      %broadcast_in_dim3A_131 = vector.broadcast %broadcast_in_dim3A_130 : f32 to vector<16xf32>
      %swap3A_132 = arith.index_cast %scan3A_89 : i32 to index
      %swap3A_133 = arith.constant 96 : index
      %swap3A_134 = tpu.vector_load %arg9[%swap3A_132, %swap3A_133] {strides = array<i32>} : memref<64x128xf32, #tpu.memory_space<vmem>>, vector<1x16xf32>,
      %swap3A_135 = vector.shape_cast %swap3A_134 : vector<1x16xf32> to vector<16xf32>
      %swap3A_136 = vector.shape_cast %broadcast_in_dim3A_131 : vector<16xf32> to vector<1x16xf32>
      tpu.vector_store %arg9[%swap3A_132, %swap3A_133], %swap3A_136 {strides = array<i32>} : memref<64x128xf32, #tpu.memory_space<vmem>>, vector<1x16xf32>,
      %broadcast_in_dim3A_137 = arith.constant 0.000000e+00 : f32
      %broadcast_in_dim3A_138 = vector.broadcast %broadcast_in_dim3A_137 : f32 to vector<16xf32>
      %swap3A_139 = arith.index_cast %scan3A_89 : i32 to index
      %swap3A_140 = arith.constant 112 : index
      %swap3A_141 = tpu.vector_load %arg9[%swap3A_139, %swap3A_140] {strides = array<i32>} : memref<64x128xf32, #tpu.memory_space<vmem>>, vector<1x16xf32>,
      %swap3A_142 = vector.shape_cast %swap3A_141 : vector<1x16xf32> to vector<16xf32>
      %swap3A_143 = vector.shape_cast %broadcast_in_dim3A_138 : vector<16xf32> to vector<1x16xf32>
      tpu.vector_store %arg9[%swap3A_139, %swap3A_140], %swap3A_143 {strides = array<i32>} : memref<64x128xf32, #tpu.memory_space<vmem>>, vector<1x16xf32>,
    }
    %scan3A_31 = arith.constant 64 : i32
    %mul3A_32 = arith.constant 640 : i32
    %mul3A_33 = arith.muli %arg1, %mul3A_32 : i32
    %add3A_34 = arith.constant 0 : i32
    %add3A_35 = arith.addi %mul3A_33, %add3A_34 : i32
    "tpu.region"() ({
      %run_scoped3A = tpu.sem_alloc : memref<!tpu.dma_semaphore, #tpu.memory_space<semaphore_mem>>
      %dma_start3A = arith.constant 0 : i32
      %dma_start3A_89 = tpu.memref_slice %arg10[%add3A_35, %dma_start3A] : memref<10240x128xf32, #tpu.memory_space<vmem_shared>> -> memref<64x128xf32, #tpu.memory_space<vmem_shared>>
      %dma_start3A_90 = arith.constant 0 : i32
      %dma_start3A_91 = tpu.memref_slice %arg10[%add3A_35, %dma_start3A_90] : memref<10240x128xf32, #tpu.memory_space<vmem_shared>> -> memref<64x128xf32, #tpu.memory_space<vmem_shared>>
      tpu.enqueue_dma source(%arg9 : memref<64x128xf32, #tpu.memory_space<vmem>>) target(%dma_start3A_91 : memref<64x128xf32, #tpu.memory_space<vmem_shared>>) target_semaphore(%run_scoped3A : memref<!tpu.dma_semaphore, #tpu.memory_space<semaphore_mem>>)
      %dma_wait3A = arith.constant 0 : i32
      %dma_wait3A_92 = tpu.memref_slice %arg10[%add3A_35, %dma_wait3A] : memref<10240x128xf32, #tpu.memory_space<vmem_shared>> -> memref<64x128xf32, #tpu.memory_space<vmem_shared>>
      %dma_wait3A_93 = arith.constant 0 : i32
      %dma_wait3A_94 = tpu.memref_slice %arg10[%add3A_35, %dma_wait3A_93] : memref<10240x128xf32, #tpu.memory_space<vmem_shared>> -> memref<64x128xf32, #tpu.memory_space<vmem_shared>>
      tpu.wait_dma2 semaphore(%run_scoped3A : memref<!tpu.dma_semaphore, #tpu.memory_space<semaphore_mem>>) src(%arg9 : memref<64x128xf32, #tpu.memory_space<vmem>>) dst(%dma_wait3A_94 : memref<64x128xf32, #tpu.memory_space<vmem_shared>>)
      tpu.yield
    }) : () -> ()
    %mul3A_36 = arith.constant 640 : i32
    %mul3A_37 = arith.muli %arg1, %mul3A_36 : i32
    %add3A_38 = arith.constant 64 : i32
    %add3A_39 = arith.addi %mul3A_37, %add3A_38 : i32
    "tpu.region"() ({
      %run_scoped3A = tpu.sem_alloc : memref<!tpu.dma_semaphore, #tpu.memory_space<semaphore_mem>>
      %dma_start3A = arith.constant 0 : i32
      %dma_start3A_89 = tpu.memref_slice %arg10[%add3A_39, %dma_start3A] : memref<10240x128xf32, #tpu.memory_space<vmem_shared>> -> memref<64x128xf32, #tpu.memory_space<vmem_shared>>
      %dma_start3A_90 = arith.constant 0 : i32
      %dma_start3A_91 = tpu.memref_slice %arg10[%add3A_39, %dma_start3A_90] : memref<10240x128xf32, #tpu.memory_space<vmem_shared>> -> memref<64x128xf32, #tpu.memory_space<vmem_shared>>
      tpu.enqueue_dma source(%arg9 : memref<64x128xf32, #tpu.memory_space<vmem>>) target(%dma_start3A_91 : memref<64x128xf32, #tpu.memory_space<vmem_shared>>) target_semaphore(%run_scoped3A : memref<!tpu.dma_semaphore, #tpu.memory_space<semaphore_mem>>)
      %dma_wait3A = arith.constant 0 : i32
      %dma_wait3A_92 = tpu.memref_slice %arg10[%add3A_39, %dma_wait3A] : memref<10240x128xf32, #tpu.memory_space<vmem_shared>> -> memref<64x128xf32, #tpu.memory_space<vmem_shared>>
      %dma_wait3A_93 = arith.constant 0 : i32
      %dma_wait3A_94 = tpu.memref_slice %arg10[%add3A_39, %dma_wait3A_93] : memref<10240x128xf32, #tpu.memory_space<vmem_shared>> -> memref<64x128xf32, #tpu.memory_space<vmem_shared>>
      tpu.wait_dma2 semaphore(%run_scoped3A : memref<!tpu.dma_semaphore, #tpu.memory_space<semaphore_mem>>) src(%arg9 : memref<64x128xf32, #tpu.memory_space<vmem>>) dst(%dma_wait3A_94 : memref<64x128xf32, #tpu.memory_space<vmem_shared>>)
      tpu.yield
    }) : () -> ()
    %mul3A_40 = arith.constant 640 : i32
    %mul3A_41 = arith.muli %arg1, %mul3A_40 : i32
    %add3A_42 = arith.constant 128 : i32
    %add3A_43 = arith.addi %mul3A_41, %add3A_42 : i32
    "tpu.region"() ({
      %run_scoped3A = tpu.sem_alloc : memref<!tpu.dma_semaphore, #tpu.memory_space<semaphore_mem>>
      %dma_start3A = arith.constant 0 : i32
      %dma_start3A_89 = tpu.memref_slice %arg10[%add3A_43, %dma_start3A] : memref<10240x128xf32, #tpu.memory_space<vmem_shared>> -> memref<64x128xf32, #tpu.memory_space<vmem_shared>>
      %dma_start3A_90 = arith.constant 0 : i32
      %dma_start3A_91 = tpu.memref_slice %arg10[%add3A_43, %dma_start3A_90] : memref<10240x128xf32, #tpu.memory_space<vmem_shared>> -> memref<64x128xf32, #tpu.memory_space<vmem_shared>>
      tpu.enqueue_dma source(%arg9 : memref<64x128xf32, #tpu.memory_space<vmem>>) target(%dma_start3A_91 : memref<64x128xf32, #tpu.memory_space<vmem_shared>>) target_semaphore(%run_scoped3A : memref<!tpu.dma_semaphore, #tpu.memory_space<semaphore_mem>>)
      %dma_wait3A = arith.constant 0 : i32
      %dma_wait3A_92 = tpu.memref_slice %arg10[%add3A_43, %dma_wait3A] : memref<10240x128xf32, #tpu.memory_space<vmem_shared>> -> memref<64x128xf32, #tpu.memory_space<vmem_shared>>
      %dma_wait3A_93 = arith.constant 0 : i32
      %dma_wait3A_94 = tpu.memref_slice %arg10[%add3A_43, %dma_wait3A_93] : memref<10240x128xf32, #tpu.memory_space<vmem_shared>> -> memref<64x128xf32, #tpu.memory_space<vmem_shared>>
      tpu.wait_dma2 semaphore(%run_scoped3A : memref<!tpu.dma_semaphore, #tpu.memory_space<semaphore_mem>>) src(%arg9 : memref<64x128xf32, #tpu.memory_space<vmem>>) dst(%dma_wait3A_94 : memref<64x128xf32, #tpu.memory_space<vmem_shared>>)
      tpu.yield
    }) : () -> ()
    %mul3A_44 = arith.constant 640 : i32
    %mul3A_45 = arith.muli %arg1, %mul3A_44 : i32
    %add3A_46 = arith.constant 192 : i32
    %add3A_47 = arith.addi %mul3A_45, %add3A_46 : i32
    "tpu.region"() ({
      %run_scoped3A = tpu.sem_alloc : memref<!tpu.dma_semaphore, #tpu.memory_space<semaphore_mem>>
      %dma_start3A = arith.constant 0 : i32
      %dma_start3A_89 = tpu.memref_slice %arg10[%add3A_47, %dma_start3A] : memref<10240x128xf32, #tpu.memory_space<vmem_shared>> -> memref<64x128xf32, #tpu.memory_space<vmem_shared>>
      %dma_start3A_90 = arith.constant 0 : i32
      %dma_start3A_91 = tpu.memref_slice %arg10[%add3A_47, %dma_start3A_90] : memref<10240x128xf32, #tpu.memory_space<vmem_shared>> -> memref<64x128xf32, #tpu.memory_space<vmem_shared>>
      tpu.enqueue_dma source(%arg9 : memref<64x128xf32, #tpu.memory_space<vmem>>) target(%dma_start3A_91 : memref<64x128xf32, #tpu.memory_space<vmem_shared>>) target_semaphore(%run_scoped3A : memref<!tpu.dma_semaphore, #tpu.memory_space<semaphore_mem>>)
      %dma_wait3A = arith.constant 0 : i32
      %dma_wait3A_92 = tpu.memref_slice %arg10[%add3A_47, %dma_wait3A] : memref<10240x128xf32, #tpu.memory_space<vmem_shared>> -> memref<64x128xf32, #tpu.memory_space<vmem_shared>>
      %dma_wait3A_93 = arith.constant 0 : i32
      %dma_wait3A_94 = tpu.memref_slice %arg10[%add3A_47, %dma_wait3A_93] : memref<10240x128xf32, #tpu.memory_space<vmem_shared>> -> memref<64x128xf32, #tpu.memory_space<vmem_shared>>
      tpu.wait_dma2 semaphore(%run_scoped3A : memref<!tpu.dma_semaphore, #tpu.memory_space<semaphore_mem>>) src(%arg9 : memref<64x128xf32, #tpu.memory_space<vmem>>) dst(%dma_wait3A_94 : memref<64x128xf32, #tpu.memory_space<vmem_shared>>)
      tpu.yield
    }) : () -> ()
    %mul3A_48 = arith.constant 640 : i32
    %mul3A_49 = arith.muli %arg1, %mul3A_48 : i32
    %add3A_50 = arith.constant 256 : i32
    %add3A_51 = arith.addi %mul3A_49, %add3A_50 : i32
    "tpu.region"() ({
      %run_scoped3A = tpu.sem_alloc : memref<!tpu.dma_semaphore, #tpu.memory_space<semaphore_mem>>
      %dma_start3A = arith.constant 0 : i32
      %dma_start3A_89 = tpu.memref_slice %arg10[%add3A_51, %dma_start3A] : memref<10240x128xf32, #tpu.memory_space<vmem_shared>> -> memref<64x128xf32, #tpu.memory_space<vmem_shared>>
      %dma_start3A_90 = arith.constant 0 : i32
      %dma_start3A_91 = tpu.memref_slice %arg10[%add3A_51, %dma_start3A_90] : memref<10240x128xf32, #tpu.memory_space<vmem_shared>> -> memref<64x128xf32, #tpu.memory_space<vmem_shared>>
      tpu.enqueue_dma source(%arg9 : memref<64x128xf32, #tpu.memory_space<vmem>>) target(%dma_start3A_91 : memref<64x128xf32, #tpu.memory_space<vmem_shared>>) target_semaphore(%run_scoped3A : memref<!tpu.dma_semaphore, #tpu.memory_space<semaphore_mem>>)
      %dma_wait3A = arith.constant 0 : i32
      %dma_wait3A_92 = tpu.memref_slice %arg10[%add3A_51, %dma_wait3A] : memref<10240x128xf32, #tpu.memory_space<vmem_shared>> -> memref<64x128xf32, #tpu.memory_space<vmem_shared>>
      %dma_wait3A_93 = arith.constant 0 : i32
      %dma_wait3A_94 = tpu.memref_slice %arg10[%add3A_51, %dma_wait3A_93] : memref<10240x128xf32, #tpu.memory_space<vmem_shared>> -> memref<64x128xf32, #tpu.memory_space<vmem_shared>>
      tpu.wait_dma2 semaphore(%run_scoped3A : memref<!tpu.dma_semaphore, #tpu.memory_space<semaphore_mem>>) src(%arg9 : memref<64x128xf32, #tpu.memory_space<vmem>>) dst(%dma_wait3A_94 : memref<64x128xf32, #tpu.memory_space<vmem_shared>>)
      tpu.yield
    }) : () -> ()
    %mul3A_52 = arith.constant 640 : i32
    %mul3A_53 = arith.muli %arg1, %mul3A_52 : i32
    %add3A_54 = arith.constant 320 : i32
    %add3A_55 = arith.addi %mul3A_53, %add3A_54 : i32
    "tpu.region"() ({
      %run_scoped3A = tpu.sem_alloc : memref<!tpu.dma_semaphore, #tpu.memory_space<semaphore_mem>>
      %dma_start3A = arith.constant 0 : i32
      %dma_start3A_89 = tpu.memref_slice %arg10[%add3A_55, %dma_start3A] : memref<10240x128xf32, #tpu.memory_space<vmem_shared>> -> memref<64x128xf32, #tpu.memory_space<vmem_shared>>
      %dma_start3A_90 = arith.constant 0 : i32
      %dma_start3A_91 = tpu.memref_slice %arg10[%add3A_55, %dma_start3A_90] : memref<10240x128xf32, #tpu.memory_space<vmem_shared>> -> memref<64x128xf32, #tpu.memory_space<vmem_shared>>
      tpu.enqueue_dma source(%arg9 : memref<64x128xf32, #tpu.memory_space<vmem>>) target(%dma_start3A_91 : memref<64x128xf32, #tpu.memory_space<vmem_shared>>) target_semaphore(%run_scoped3A : memref<!tpu.dma_semaphore, #tpu.memory_space<semaphore_mem>>)
      %dma_wait3A = arith.constant 0 : i32
      %dma_wait3A_92 = tpu.memref_slice %arg10[%add3A_55, %dma_wait3A] : memref<10240x128xf32, #tpu.memory_space<vmem_shared>> -> memref<64x128xf32, #tpu.memory_space<vmem_shared>>
      %dma_wait3A_93 = arith.constant 0 : i32
      %dma_wait3A_94 = tpu.memref_slice %arg10[%add3A_55, %dma_wait3A_93] : memref<10240x128xf32, #tpu.memory_space<vmem_shared>> -> memref<64x128xf32, #tpu.memory_space<vmem_shared>>
      tpu.wait_dma2 semaphore(%run_scoped3A : memref<!tpu.dma_semaphore, #tpu.memory_space<semaphore_mem>>) src(%arg9 : memref<64x128xf32, #tpu.memory_space<vmem>>) dst(%dma_wait3A_94 : memref<64x128xf32, #tpu.memory_space<vmem_shared>>)
      tpu.yield
    }) : () -> ()
    %mul3A_56 = arith.constant 640 : i32
    %mul3A_57 = arith.muli %arg1, %mul3A_56 : i32
    %add3A_58 = arith.constant 384 : i32
    %add3A_59 = arith.addi %mul3A_57, %add3A_58 : i32
    "tpu.region"() ({
      %run_scoped3A = tpu.sem_alloc : memref<!tpu.dma_semaphore, #tpu.memory_space<semaphore_mem>>
      %dma_start3A = arith.constant 0 : i32
      %dma_start3A_89 = tpu.memref_slice %arg10[%add3A_59, %dma_start3A] : memref<10240x128xf32, #tpu.memory_space<vmem_shared>> -> memref<64x128xf32, #tpu.memory_space<vmem_shared>>
      %dma_start3A_90 = arith.constant 0 : i32
      %dma_start3A_91 = tpu.memref_slice %arg10[%add3A_59, %dma_start3A_90] : memref<10240x128xf32, #tpu.memory_space<vmem_shared>> -> memref<64x128xf32, #tpu.memory_space<vmem_shared>>
      tpu.enqueue_dma source(%arg9 : memref<64x128xf32, #tpu.memory_space<vmem>>) target(%dma_start3A_91 : memref<64x128xf32, #tpu.memory_space<vmem_shared>>) target_semaphore(%run_scoped3A : memref<!tpu.dma_semaphore, #tpu.memory_space<semaphore_mem>>)
      %dma_wait3A = arith.constant 0 : i32
      %dma_wait3A_92 = tpu.memref_slice %arg10[%add3A_59, %dma_wait3A] : memref<10240x128xf32, #tpu.memory_space<vmem_shared>> -> memref<64x128xf32, #tpu.memory_space<vmem_shared>>
      %dma_wait3A_93 = arith.constant 0 : i32
      %dma_wait3A_94 = tpu.memref_slice %arg10[%add3A_59, %dma_wait3A_93] : memref<10240x128xf32, #tpu.memory_space<vmem_shared>> -> memref<64x128xf32, #tpu.memory_space<vmem_shared>>
      tpu.wait_dma2 semaphore(%run_scoped3A : memref<!tpu.dma_semaphore, #tpu.memory_space<semaphore_mem>>) src(%arg9 : memref<64x128xf32, #tpu.memory_space<vmem>>) dst(%dma_wait3A_94 : memref<64x128xf32, #tpu.memory_space<vmem_shared>>)
      tpu.yield
    }) : () -> ()
    %mul3A_60 = arith.constant 640 : i32
    %mul3A_61 = arith.muli %arg1, %mul3A_60 : i32
    %add3A_62 = arith.constant 448 : i32
    %add3A_63 = arith.addi %mul3A_61, %add3A_62 : i32
    "tpu.region"() ({
      %run_scoped3A = tpu.sem_alloc : memref<!tpu.dma_semaphore, #tpu.memory_space<semaphore_mem>>
      %dma_start3A = arith.constant 0 : i32
      %dma_start3A_89 = tpu.memref_slice %arg10[%add3A_63, %dma_start3A] : memref<10240x128xf32, #tpu.memory_space<vmem_shared>> -> memref<64x128xf32, #tpu.memory_space<vmem_shared>>
      %dma_start3A_90 = arith.constant 0 : i32
      %dma_start3A_91 = tpu.memref_slice %arg10[%add3A_63, %dma_start3A_90] : memref<10240x128xf32, #tpu.memory_space<vmem_shared>> -> memref<64x128xf32, #tpu.memory_space<vmem_shared>>
      tpu.enqueue_dma source(%arg9 : memref<64x128xf32, #tpu.memory_space<vmem>>) target(%dma_start3A_91 : memref<64x128xf32, #tpu.memory_space<vmem_shared>>) target_semaphore(%run_scoped3A : memref<!tpu.dma_semaphore, #tpu.memory_space<semaphore_mem>>)
      %dma_wait3A = arith.constant 0 : i32
      %dma_wait3A_92 = tpu.memref_slice %arg10[%add3A_63, %dma_wait3A] : memref<10240x128xf32, #tpu.memory_space<vmem_shared>> -> memref<64x128xf32, #tpu.memory_space<vmem_shared>>
      %dma_wait3A_93 = arith.constant 0 : i32
      %dma_wait3A_94 = tpu.memref_slice %arg10[%add3A_63, %dma_wait3A_93] : memref<10240x128xf32, #tpu.memory_space<vmem_shared>> -> memref<64x128xf32, #tpu.memory_space<vmem_shared>>
      tpu.wait_dma2 semaphore(%run_scoped3A : memref<!tpu.dma_semaphore, #tpu.memory_space<semaphore_mem>>) src(%arg9 : memref<64x128xf32, #tpu.memory_space<vmem>>) dst(%dma_wait3A_94 : memref<64x128xf32, #tpu.memory_space<vmem_shared>>)
      tpu.yield
    }) : () -> ()
    %mul3A_64 = arith.constant 640 : i32
    %mul3A_65 = arith.muli %arg1, %mul3A_64 : i32
    %add3A_66 = arith.constant 512 : i32
    %add3A_67 = arith.addi %mul3A_65, %add3A_66 : i32
    "tpu.region"() ({
      %run_scoped3A = tpu.sem_alloc : memref<!tpu.dma_semaphore, #tpu.memory_space<semaphore_mem>>
      %dma_start3A = arith.constant 0 : i32
      %dma_start3A_89 = tpu.memref_slice %arg10[%add3A_67, %dma_start3A] : memref<10240x128xf32, #tpu.memory_space<vmem_shared>> -> memref<64x128xf32, #tpu.memory_space<vmem_shared>>
      %dma_start3A_90 = arith.constant 0 : i32
      %dma_start3A_91 = tpu.memref_slice %arg10[%add3A_67, %dma_start3A_90] : memref<10240x128xf32, #tpu.memory_space<vmem_shared>> -> memref<64x128xf32, #tpu.memory_space<vmem_shared>>
      tpu.enqueue_dma source(%arg9 : memref<64x128xf32, #tpu.memory_space<vmem>>) target(%dma_start3A_91 : memref<64x128xf32, #tpu.memory_space<vmem_shared>>) target_semaphore(%run_scoped3A : memref<!tpu.dma_semaphore, #tpu.memory_space<semaphore_mem>>)
      %dma_wait3A = arith.constant 0 : i32
      %dma_wait3A_92 = tpu.memref_slice %arg10[%add3A_67, %dma_wait3A] : memref<10240x128xf32, #tpu.memory_space<vmem_shared>> -> memref<64x128xf32, #tpu.memory_space<vmem_shared>>
      %dma_wait3A_93 = arith.constant 0 : i32
      %dma_wait3A_94 = tpu.memref_slice %arg10[%add3A_67, %dma_wait3A_93] : memref<10240x128xf32, #tpu.memory_space<vmem_shared>> -> memref<64x128xf32, #tpu.memory_space<vmem_shared>>
      tpu.wait_dma2 semaphore(%run_scoped3A : memref<!tpu.dma_semaphore, #tpu.memory_space<semaphore_mem>>) src(%arg9 : memref<64x128xf32, #tpu.memory_space<vmem>>) dst(%dma_wait3A_94 : memref<64x128xf32, #tpu.memory_space<vmem_shared>>)
      tpu.yield
    }) : () -> ()
    %mul3A_68 = arith.constant 640 : i32
    %mul3A_69 = arith.muli %arg1, %mul3A_68 : i32
    %add3A_70 = arith.constant 576 : i32
    %add3A_71 = arith.addi %mul3A_69, %add3A_70 : i32
    "tpu.region"() ({
      %run_scoped3A = tpu.sem_alloc : memref<!tpu.dma_semaphore, #tpu.memory_space<semaphore_mem>>
      %dma_start3A = arith.constant 0 : i32
      %dma_start3A_89 = tpu.memref_slice %arg10[%add3A_71, %dma_start3A] : memref<10240x128xf32, #tpu.memory_space<vmem_shared>> -> memref<64x128xf32, #tpu.memory_space<vmem_shared>>
      %dma_start3A_90 = arith.constant 0 : i32
      %dma_start3A_91 = tpu.memref_slice %arg10[%add3A_71, %dma_start3A_90] : memref<10240x128xf32, #tpu.memory_space<vmem_shared>> -> memref<64x128xf32, #tpu.memory_space<vmem_shared>>
      tpu.enqueue_dma source(%arg9 : memref<64x128xf32, #tpu.memory_space<vmem>>) target(%dma_start3A_91 : memref<64x128xf32, #tpu.memory_space<vmem_shared>>) target_semaphore(%run_scoped3A : memref<!tpu.dma_semaphore, #tpu.memory_space<semaphore_mem>>)
      %dma_wait3A = arith.constant 0 : i32
      %dma_wait3A_92 = tpu.memref_slice %arg10[%add3A_71, %dma_wait3A] : memref<10240x128xf32, #tpu.memory_space<vmem_shared>> -> memref<64x128xf32, #tpu.memory_space<vmem_shared>>
      %dma_wait3A_93 = arith.constant 0 : i32
      %dma_wait3A_94 = tpu.memref_slice %arg10[%add3A_71, %dma_wait3A_93] : memref<10240x128xf32, #tpu.memory_space<vmem_shared>> -> memref<64x128xf32, #tpu.memory_space<vmem_shared>>
      tpu.wait_dma2 semaphore(%run_scoped3A : memref<!tpu.dma_semaphore, #tpu.memory_space<semaphore_mem>>) src(%arg9 : memref<64x128xf32, #tpu.memory_space<vmem>>) dst(%dma_wait3A_94 : memref<64x128xf32, #tpu.memory_space<vmem_shared>>)
      tpu.yield
    }) : () -> ()
    %barrier3A = arith.constant 0 : index
    tpu.barrier barrier_id(%barrier3A)
    %while3A = arith.constant 0 : i32
    %while3A_72 = arith.constant 0 : i32
    %while3A_73 = arith.subi %select_n3A_26, %while3A_72 : i32
    %while3A_74 = arith.addi %while3A_72, %while3A_73 : i32
    %while3A_75 = arith.constant 1 : i32
    %while3A_76 = arith.divsi %while3A_73, %while3A_75 : i32
    %while3A_77 = arith.muli %while3A_76, %while3A_75 : i32
    %while3A_78 = arith.addi %while3A_72, %while3A_77 : i32
    %while3A_79 = arith.constant 1 : i32
    scf.for %while3A_89 = %while3A_72 to %while3A_78 step %while3A_79  : i32 {
      %mul3A_90 = arith.constant 128 : i32
      %mul3A_91 = arith.muli %while3A_89, %mul3A_90 : i32
      %add3A_92 = arith.addi %select_n3A, %mul3A_91 : i32
      %multiple_of3A = tpu.assume_multiple %add3A_92, 128 : i32
      "tpu.region"() ({
        %run_scoped3A_122 = tpu.sem_alloc : memref<!tpu.dma_semaphore, #tpu.memory_space<semaphore_mem>>
        %dma_start3A_123 = tpu.memref_slice %arg3[%multiple_of3A] : memref<323584xi32, #tpu.memory_space<hbm>> -> memref<128xi32, #tpu.memory_space<hbm>>
        %dma_start3A_124 = tpu.memref_slice %arg3[%multiple_of3A] : memref<323584xi32, #tpu.memory_space<hbm>> -> memref<128xi32, #tpu.memory_space<hbm>>
        tpu.enqueue_dma source(%dma_start3A_124 : memref<128xi32, #tpu.memory_space<hbm>>) target(%arg6 : memref<128xi32, #tpu.memory_space<vmem>>) target_semaphore(%run_scoped3A_122 : memref<!tpu.dma_semaphore, #tpu.memory_space<semaphore_mem>>)
        %dma_wait3A_125 = tpu.memref_slice %arg3[%multiple_of3A] : memref<323584xi32, #tpu.memory_space<hbm>> -> memref<128xi32, #tpu.memory_space<hbm>>
        %dma_wait3A_126 = tpu.memref_slice %arg3[%multiple_of3A] : memref<323584xi32, #tpu.memory_space<hbm>> -> memref<128xi32, #tpu.memory_space<hbm>>
        tpu.wait_dma2 semaphore(%run_scoped3A_122 : memref<!tpu.dma_semaphore, #tpu.memory_space<semaphore_mem>>) src(%dma_wait3A_126 : memref<128xi32, #tpu.memory_space<hbm>>) dst(%arg6 : memref<128xi32, #tpu.memory_space<vmem>>)
        tpu.yield
      }) : () -> ()
      %jit3A_93 = arith.constant 128 : i32
      %div3A_94 = arith.divsi %multiple_of3A, %jit3A_93 : i32
      %sign3A_95 = arith.constant 0 : i32
      %sign3A_96 = arith.cmpi sgt, %multiple_of3A, %sign3A_95 : i32
      %sign3A_97 = arith.extui %sign3A_96 : i1 to i32
      %sign3A_98 = arith.constant 0 : i32
      %sign3A_99 = arith.cmpi slt, %multiple_of3A, %sign3A_98 : i32
      %sign3A_100 = arith.extui %sign3A_99 : i1 to i32
      %sign3A_101 = arith.subi %sign3A_97, %sign3A_100 : i32
      %sign3A_102 = arith.constant 0 : i32
      %sign3A_103 = arith.cmpi sgt, %jit3A_93, %sign3A_102 : i32
      %sign3A_104 = arith.extui %sign3A_103 : i1 to i32
      %sign3A_105 = arith.constant 0 : i32
      %sign3A_106 = arith.cmpi slt, %jit3A_93, %sign3A_105 : i32
      %sign3A_107 = arith.extui %sign3A_106 : i1 to i32
      %sign3A_108 = arith.subi %sign3A_104, %sign3A_107 : i32
      %ne3A_109 = arith.cmpi ne, %sign3A_101, %sign3A_108 : i32
      %rem3A_110 = arith.remsi %multiple_of3A, %jit3A_93 : i32
      %ne3A_111 = arith.constant 0 : i32
      %ne3A_112 = arith.cmpi ne, %rem3A_110, %ne3A_111 : i32
      %and3A_113 = arith.andi %ne3A_109, %ne3A_112 : i1
      %sub3A_114 = arith.constant 1 : i32
      %sub3A_115 = arith.subi %div3A_94, %sub3A_114 : i32
      %select_n3A_116 = arith.select %and3A_113, %sub3A_115, %div3A_94 : i32
      %multiple_of3A_117 = tpu.assume_multiple %select_n3A_116, 1 : i32
      "tpu.region"() ({
        %run_scoped3A_122 = tpu.sem_alloc : memref<!tpu.dma_semaphore, #tpu.memory_space<semaphore_mem>>
        %dma_start3A_123 = arith.constant 0 : i32
        %dma_start3A_124 = tpu.memref_slice %arg4[%multiple_of3A_117, %dma_start3A_123] : memref<2528x128xi32, #tpu.memory_space<hbm>> -> memref<1x128xi32, #tpu.memory_space<hbm>>
        %dma_start3A_125 = arith.constant 0 : i32
        %dma_start3A_126 = tpu.memref_slice %arg4[%multiple_of3A_117, %dma_start3A_125] : memref<2528x128xi32, #tpu.memory_space<hbm>> -> memref<1x128xi32, #tpu.memory_space<hbm>>
        tpu.enqueue_dma source(%dma_start3A_126 : memref<1x128xi32, #tpu.memory_space<hbm>>) target(%arg7 : memref<1x128xi32, #tpu.memory_space<vmem>>) target_semaphore(%run_scoped3A_122 : memref<!tpu.dma_semaphore, #tpu.memory_space<semaphore_mem>>)
        %dma_wait3A_127 = arith.constant 0 : i32
        %dma_wait3A_128 = tpu.memref_slice %arg4[%multiple_of3A_117, %dma_wait3A_127] : memref<2528x128xi32, #tpu.memory_space<hbm>> -> memref<1x128xi32, #tpu.memory_space<hbm>>
        %dma_wait3A_129 = arith.constant 0 : i32
        %dma_wait3A_130 = tpu.memref_slice %arg4[%multiple_of3A_117, %dma_wait3A_129] : memref<2528x128xi32, #tpu.memory_space<hbm>> -> memref<1x128xi32, #tpu.memory_space<hbm>>
        tpu.wait_dma2 semaphore(%run_scoped3A_122 : memref<!tpu.dma_semaphore, #tpu.memory_space<semaphore_mem>>) src(%dma_wait3A_130 : memref<1x128xi32, #tpu.memory_space<hbm>>) dst(%arg7 : memref<1x128xi32, #tpu.memory_space<vmem>>)
        tpu.yield
      }) : () -> ()
      %dma_start3A = arith.constant 0 : i32
      %dma_start3A_118 = arith.constant 0 : i32
      %dma_start3A_119 = tpu.memref_slice %arg2[%dma_start3A, %dma_start3A_118] : memref<20480x128xf32, #tpu.memory_space<hbm>> -> memref<20480x128xf32, #tpu.memory_space<hbm>>
      tpu.enqueue_indirect_dma source(%dma_start3A_119 : memref<20480x128xf32, #tpu.memory_space<hbm>>) target(%arg8 : memref<128x128xf32, #tpu.memory_space<vmem>>) offsets(%arg6 : memref<128xi32, #tpu.memory_space<vmem>>) semaphore(%arg11 : memref<!tpu.dma_semaphore, #tpu.memory_space<semaphore_mem>>)
      %dma_wait3A = arith.constant 0 : i32
      %dma_wait3A_120 = arith.constant 0 : i32
      %dma_wait3A_121 = tpu.memref_slice %arg2[%dma_wait3A, %dma_wait3A_120] : memref<20480x128xf32, #tpu.memory_space<hbm>> -> memref<20480x128xf32, #tpu.memory_space<hbm>>
      tpu.wait_indirect_dma semaphore(%arg11 : memref<!tpu.dma_semaphore, #tpu.memory_space<semaphore_mem>>) src(%dma_wait3A_121 : memref<20480x128xf32, #tpu.memory_space<hbm>>) dst(%arg8 : memref<128x128xf32, #tpu.memory_space<vmem>>)
      %run_scoped3A = arith.constant 0 : i32
      "tpu.region"() ({
        %run_scoped3A_122 = tpu.sem_alloc : memref<!tpu.dma_semaphore, #tpu.memory_space<semaphore_mem>>
        %dma_start3A_123 = arith.constant 0 : i32
        %dma_start3A_124 = arith.constant 0 : i32
        %dma_start3A_125 = tpu.memref_slice %arg8[%dma_start3A_123, %dma_start3A_124] : memref<128x128xf32, #tpu.memory_space<vmem>> -> memref<128x128xf32, #tpu.memory_space<vmem>>
        %dma_start3A_126 = arith.constant 0 : i32
        %dma_start3A_127 = tpu.memref_slice %arg7[%run_scoped3A, %dma_start3A_126] : memref<1x128xi32, #tpu.memory_space<vmem>> -> memref<1x128xi32, #tpu.memory_space<vmem>>
        %dma_start3A_128 = tpu.memref_squeeze %dma_start3A_127 : memref<1x128xi32, #tpu.memory_space<vmem>> -> memref<128xi32, #tpu.memory_space<vmem>>
        %dma_start3A_129 = arith.constant 0 : i32
        %dma_start3A_130 = arith.constant 0 : i32
        %dma_start3A_131 = tpu.memref_slice %arg10[%dma_start3A_129, %dma_start3A_130] : memref<10240x128xf32, #tpu.memory_space<vmem_shared>> -> memref<10240x128xf32, #tpu.memory_space<vmem_shared>>
        tpu.enqueue_indirect_dma source(%dma_start3A_125 : memref<128x128xf32, #tpu.memory_space<vmem>>) target(%dma_start3A_131 : memref<10240x128xf32, #tpu.memory_space<vmem_shared>>) offsets(%dma_start3A_128 : memref<128xi32, #tpu.memory_space<vmem>>) semaphore(%run_scoped3A_122 : memref<!tpu.dma_semaphore, #tpu.memory_space<semaphore_mem>>) {add = true}
        %dma_wait3A_132 = arith.constant 0 : i32
        %dma_wait3A_133 = arith.constant 0 : i32
        %dma_wait3A_134 = tpu.memref_slice %arg8[%dma_wait3A_132, %dma_wait3A_133] : memref<128x128xf32, #tpu.memory_space<vmem>> -> memref<128x128xf32, #tpu.memory_space<vmem>>
        %dma_wait3A_135 = arith.constant 0 : i32
        %dma_wait3A_136 = tpu.memref_slice %arg7[%run_scoped3A, %dma_wait3A_135] : memref<1x128xi32, #tpu.memory_space<vmem>> -> memref<1x128xi32, #tpu.memory_space<vmem>>
        %dma_wait3A_137 = tpu.memref_squeeze %dma_wait3A_136 : memref<1x128xi32, #tpu.memory_space<vmem>> -> memref<128xi32, #tpu.memory_space<vmem>>
        %dma_wait3A_138 = arith.constant 0 : i32
        %dma_wait3A_139 = arith.constant 0 : i32
        %dma_wait3A_140 = tpu.memref_slice %arg10[%dma_wait3A_138, %dma_wait3A_139] : memref<10240x128xf32, #tpu.memory_space<vmem_shared>> -> memref<10240x128xf32, #tpu.memory_space<vmem_shared>>
        tpu.wait_indirect_dma semaphore(%run_scoped3A_122 : memref<!tpu.dma_semaphore, #tpu.memory_space<semaphore_mem>>) src(%dma_wait3A_134 : memref<128x128xf32, #tpu.memory_space<vmem>>) dst(%dma_wait3A_140 : memref<10240x128xf32, #tpu.memory_space<vmem_shared>>)
        tpu.yield
      }) : () -> ()
    }
    %while3A_80 = arith.constant 1 : i32
    scf.for %while3A_89 = %while3A_78 to %while3A_74 step %while3A_80  : i32 {
      %mul3A_90 = arith.constant 128 : i32
      %mul3A_91 = arith.muli %while3A_89, %mul3A_90 : i32
      %add3A_92 = arith.addi %select_n3A, %mul3A_91 : i32
      %multiple_of3A = tpu.assume_multiple %add3A_92, 128 : i32
      "tpu.region"() ({
        %run_scoped3A_122 = tpu.sem_alloc : memref<!tpu.dma_semaphore, #tpu.memory_space<semaphore_mem>>
        %dma_start3A_123 = tpu.memref_slice %arg3[%multiple_of3A] : memref<323584xi32, #tpu.memory_space<hbm>> -> memref<128xi32, #tpu.memory_space<hbm>>
        %dma_start3A_124 = tpu.memref_slice %arg3[%multiple_of3A] : memref<323584xi32, #tpu.memory_space<hbm>> -> memref<128xi32, #tpu.memory_space<hbm>>
        tpu.enqueue_dma source(%dma_start3A_124 : memref<128xi32, #tpu.memory_space<hbm>>) target(%arg6 : memref<128xi32, #tpu.memory_space<vmem>>) target_semaphore(%run_scoped3A_122 : memref<!tpu.dma_semaphore, #tpu.memory_space<semaphore_mem>>)
        %dma_wait3A_125 = tpu.memref_slice %arg3[%multiple_of3A] : memref<323584xi32, #tpu.memory_space<hbm>> -> memref<128xi32, #tpu.memory_space<hbm>>
        %dma_wait3A_126 = tpu.memref_slice %arg3[%multiple_of3A] : memref<323584xi32, #tpu.memory_space<hbm>> -> memref<128xi32, #tpu.memory_space<hbm>>
        tpu.wait_dma2 semaphore(%run_scoped3A_122 : memref<!tpu.dma_semaphore, #tpu.memory_space<semaphore_mem>>) src(%dma_wait3A_126 : memref<128xi32, #tpu.memory_space<hbm>>) dst(%arg6 : memref<128xi32, #tpu.memory_space<vmem>>)
        tpu.yield
      }) : () -> ()
      %jit3A_93 = arith.constant 128 : i32
      %div3A_94 = arith.divsi %multiple_of3A, %jit3A_93 : i32
      %sign3A_95 = arith.constant 0 : i32
      %sign3A_96 = arith.cmpi sgt, %multiple_of3A, %sign3A_95 : i32
      %sign3A_97 = arith.extui %sign3A_96 : i1 to i32
      %sign3A_98 = arith.constant 0 : i32
      %sign3A_99 = arith.cmpi slt, %multiple_of3A, %sign3A_98 : i32
      %sign3A_100 = arith.extui %sign3A_99 : i1 to i32
      %sign3A_101 = arith.subi %sign3A_97, %sign3A_100 : i32
      %sign3A_102 = arith.constant 0 : i32
      %sign3A_103 = arith.cmpi sgt, %jit3A_93, %sign3A_102 : i32
      %sign3A_104 = arith.extui %sign3A_103 : i1 to i32
      %sign3A_105 = arith.constant 0 : i32
      %sign3A_106 = arith.cmpi slt, %jit3A_93, %sign3A_105 : i32
      %sign3A_107 = arith.extui %sign3A_106 : i1 to i32
      %sign3A_108 = arith.subi %sign3A_104, %sign3A_107 : i32
      %ne3A_109 = arith.cmpi ne, %sign3A_101, %sign3A_108 : i32
      %rem3A_110 = arith.remsi %multiple_of3A, %jit3A_93 : i32
      %ne3A_111 = arith.constant 0 : i32
      %ne3A_112 = arith.cmpi ne, %rem3A_110, %ne3A_111 : i32
      %and3A_113 = arith.andi %ne3A_109, %ne3A_112 : i1
      %sub3A_114 = arith.constant 1 : i32
      %sub3A_115 = arith.subi %div3A_94, %sub3A_114 : i32
      %select_n3A_116 = arith.select %and3A_113, %sub3A_115, %div3A_94 : i32
      %multiple_of3A_117 = tpu.assume_multiple %select_n3A_116, 1 : i32
      "tpu.region"() ({
        %run_scoped3A_122 = tpu.sem_alloc : memref<!tpu.dma_semaphore, #tpu.memory_space<semaphore_mem>>
        %dma_start3A_123 = arith.constant 0 : i32
        %dma_start3A_124 = tpu.memref_slice %arg4[%multiple_of3A_117, %dma_start3A_123] : memref<2528x128xi32, #tpu.memory_space<hbm>> -> memref<1x128xi32, #tpu.memory_space<hbm>>
        %dma_start3A_125 = arith.constant 0 : i32
        %dma_start3A_126 = tpu.memref_slice %arg4[%multiple_of3A_117, %dma_start3A_125] : memref<2528x128xi32, #tpu.memory_space<hbm>> -> memref<1x128xi32, #tpu.memory_space<hbm>>
        tpu.enqueue_dma source(%dma_start3A_126 : memref<1x128xi32, #tpu.memory_space<hbm>>) target(%arg7 : memref<1x128xi32, #tpu.memory_space<vmem>>) target_semaphore(%run_scoped3A_122 : memref<!tpu.dma_semaphore, #tpu.memory_space<semaphore_mem>>)
        %dma_wait3A_127 = arith.constant 0 : i32
        %dma_wait3A_128 = tpu.memref_slice %arg4[%multiple_of3A_117, %dma_wait3A_127] : memref<2528x128xi32, #tpu.memory_space<hbm>> -> memref<1x128xi32, #tpu.memory_space<hbm>>
        %dma_wait3A_129 = arith.constant 0 : i32
        %dma_wait3A_130 = tpu.memref_slice %arg4[%multiple_of3A_117, %dma_wait3A_129] : memref<2528x128xi32, #tpu.memory_space<hbm>> -> memref<1x128xi32, #tpu.memory_space<hbm>>
        tpu.wait_dma2 semaphore(%run_scoped3A_122 : memref<!tpu.dma_semaphore, #tpu.memory_space<semaphore_mem>>) src(%dma_wait3A_130 : memref<1x128xi32, #tpu.memory_space<hbm>>) dst(%arg7 : memref<1x128xi32, #tpu.memory_space<vmem>>)
        tpu.yield
      }) : () -> ()
      %dma_start3A = arith.constant 0 : i32
      %dma_start3A_118 = arith.constant 0 : i32
      %dma_start3A_119 = tpu.memref_slice %arg2[%dma_start3A, %dma_start3A_118] : memref<20480x128xf32, #tpu.memory_space<hbm>> -> memref<20480x128xf32, #tpu.memory_space<hbm>>
      tpu.enqueue_indirect_dma source(%dma_start3A_119 : memref<20480x128xf32, #tpu.memory_space<hbm>>) target(%arg8 : memref<128x128xf32, #tpu.memory_space<vmem>>) offsets(%arg6 : memref<128xi32, #tpu.memory_space<vmem>>) semaphore(%arg11 : memref<!tpu.dma_semaphore, #tpu.memory_space<semaphore_mem>>)
      %dma_wait3A = arith.constant 0 : i32
      %dma_wait3A_120 = arith.constant 0 : i32
      %dma_wait3A_121 = tpu.memref_slice %arg2[%dma_wait3A, %dma_wait3A_120] : memref<20480x128xf32, #tpu.memory_space<hbm>> -> memref<20480x128xf32, #tpu.memory_space<hbm>>
      tpu.wait_indirect_dma semaphore(%arg11 : memref<!tpu.dma_semaphore, #tpu.memory_space<semaphore_mem>>) src(%dma_wait3A_121 : memref<20480x128xf32, #tpu.memory_space<hbm>>) dst(%arg8 : memref<128x128xf32, #tpu.memory_space<vmem>>)
      %run_scoped3A = arith.constant 0 : i32
      "tpu.region"() ({
        %run_scoped3A_122 = tpu.sem_alloc : memref<!tpu.dma_semaphore, #tpu.memory_space<semaphore_mem>>
        %dma_start3A_123 = arith.constant 0 : i32
        %dma_start3A_124 = arith.constant 0 : i32
        %dma_start3A_125 = tpu.memref_slice %arg8[%dma_start3A_123, %dma_start3A_124] : memref<128x128xf32, #tpu.memory_space<vmem>> -> memref<128x128xf32, #tpu.memory_space<vmem>>
        %dma_start3A_126 = arith.constant 0 : i32
        %dma_start3A_127 = tpu.memref_slice %arg7[%run_scoped3A, %dma_start3A_126] : memref<1x128xi32, #tpu.memory_space<vmem>> -> memref<1x128xi32, #tpu.memory_space<vmem>>
        %dma_start3A_128 = tpu.memref_squeeze %dma_start3A_127 : memref<1x128xi32, #tpu.memory_space<vmem>> -> memref<128xi32, #tpu.memory_space<vmem>>
        %dma_start3A_129 = arith.constant 0 : i32
        %dma_start3A_130 = arith.constant 0 : i32
        %dma_start3A_131 = tpu.memref_slice %arg10[%dma_start3A_129, %dma_start3A_130] : memref<10240x128xf32, #tpu.memory_space<vmem_shared>> -> memref<10240x128xf32, #tpu.memory_space<vmem_shared>>
        tpu.enqueue_indirect_dma source(%dma_start3A_125 : memref<128x128xf32, #tpu.memory_space<vmem>>) target(%dma_start3A_131 : memref<10240x128xf32, #tpu.memory_space<vmem_shared>>) offsets(%dma_start3A_128 : memref<128xi32, #tpu.memory_space<vmem>>) semaphore(%run_scoped3A_122 : memref<!tpu.dma_semaphore, #tpu.memory_space<semaphore_mem>>) {add = true}
        %dma_wait3A_132 = arith.constant 0 : i32
        %dma_wait3A_133 = arith.constant 0 : i32
        %dma_wait3A_134 = tpu.memref_slice %arg8[%dma_wait3A_132, %dma_wait3A_133] : memref<128x128xf32, #tpu.memory_space<vmem>> -> memref<128x128xf32, #tpu.memory_space<vmem>>
        %dma_wait3A_135 = arith.constant 0 : i32
        %dma_wait3A_136 = tpu.memref_slice %arg7[%run_scoped3A, %dma_wait3A_135] : memref<1x128xi32, #tpu.memory_space<vmem>> -> memref<1x128xi32, #tpu.memory_space<vmem>>
        %dma_wait3A_137 = tpu.memref_squeeze %dma_wait3A_136 : memref<1x128xi32, #tpu.memory_space<vmem>> -> memref<128xi32, #tpu.memory_space<vmem>>
        %dma_wait3A_138 = arith.constant 0 : i32
        %dma_wait3A_139 = arith.constant 0 : i32
        %dma_wait3A_140 = tpu.memref_slice %arg10[%dma_wait3A_138, %dma_wait3A_139] : memref<10240x128xf32, #tpu.memory_space<vmem_shared>> -> memref<10240x128xf32, #tpu.memory_space<vmem_shared>>
        tpu.wait_indirect_dma semaphore(%run_scoped3A_122 : memref<!tpu.dma_semaphore, #tpu.memory_space<semaphore_mem>>) src(%dma_wait3A_134 : memref<128x128xf32, #tpu.memory_space<vmem>>) dst(%dma_wait3A_140 : memref<10240x128xf32, #tpu.memory_space<vmem_shared>>)
        tpu.yield
      }) : () -> ()
    }
    %barrier3A_81 = arith.constant 0 : index
    tpu.barrier barrier_id(%barrier3A_81)
    %mul3A_82 = arith.constant 640 : i32
    %mul3A_83 = arith.muli %arg1, %mul3A_82 : i32
    %mul3A_84 = arith.constant 10240 : i32
    %mul3A_85 = arith.muli %arg0, %mul3A_84 : i32
    %mul3A_86 = arith.constant 640 : i32
    %mul3A_87 = arith.muli %arg1, %mul3A_86 : i32
    %add3A_88 = arith.addi %mul3A_85, %mul3A_87 : i32
    "tpu.region"() ({
      %run_scoped3A = tpu.sem_alloc : memref<!tpu.dma_semaphore, #tpu.memory_space<semaphore_mem>>
      %dma_start3A = arith.constant 0 : i32
      %dma_start3A_89 = tpu.memref_slice %arg5[%add3A_88, %dma_start3A] : memref<20480x128xf32, #tpu.memory_space<hbm>> -> memref<640x128xf32, #tpu.memory_space<hbm>>
      %dma_start3A_90 = arith.constant 0 : i32
      %dma_start3A_91 = tpu.memref_slice %arg10[%mul3A_83, %dma_start3A_90] : memref<10240x128xf32, #tpu.memory_space<vmem_shared>> -> memref<640x128xf32, #tpu.memory_space<vmem_shared>>
      tpu.enqueue_dma source(%dma_start3A_91 : memref<640x128xf32, #tpu.memory_space<vmem_shared>>) target(%dma_start3A_89 : memref<640x128xf32, #tpu.memory_space<hbm>>) target_semaphore(%run_scoped3A : memref<!tpu.dma_semaphore, #tpu.memory_space<semaphore_mem>>)
      %dma_wait3A = arith.constant 0 : i32
      %dma_wait3A_92 = tpu.memref_slice %arg5[%add3A_88, %dma_wait3A] : memref<20480x128xf32, #tpu.memory_space<hbm>> -> memref<640x128xf32, #tpu.memory_space<hbm>>
      %dma_wait3A_93 = arith.constant 0 : i32
      %dma_wait3A_94 = tpu.memref_slice %arg10[%mul3A_83, %dma_wait3A_93] : memref<10240x128xf32, #tpu.memory_space<vmem_shared>> -> memref<640x128xf32, #tpu.memory_space<vmem_shared>>
      tpu.wait_dma2 semaphore(%run_scoped3A : memref<!tpu.dma_semaphore, #tpu.memory_space<semaphore_mem>>) src(%dma_wait3A_94 : memref<640x128xf32, #tpu.memory_space<vmem_shared>>) dst(%dma_wait3A_92 : memref<640x128xf32, #tpu.memory_space<hbm>>)
      tpu.yield
    }) : () -> ()
    return
  }
}

#map = affine_map<(d0, d1) -> (0, 0)>
#map1 = affine_map<(d0, d1) -> (0)>
module attributes {stable_mosaic.version = 14 : i64} {
  func.func @agg(%arg0: i32, %arg1: i32, %arg2: memref<20480x128xf32, #tpu.memory_space<hbm>>, %arg3: memref<323584xi32, #tpu.memory_space<hbm>>, %arg4: memref<2528x128xi32, #tpu.memory_space<hbm>>, %arg5: memref<20480x128xf32, #tpu.memory_space<hbm>>, %arg6: memref<128xi32, #tpu.memory_space<vmem>>, %arg7: memref<1x128xi32, #tpu.memory_space<vmem>>, %arg8: memref<128x128xf32, #tpu.memory_space<vmem>>, %arg9: memref<64x128xf32, #tpu.memory_space<vmem>>, %arg10: memref<10240x128xf32, #tpu.memory_space<vmem_shared>>, %arg11: memref<!tpu.dma_semaphore, #tpu.memory_space<semaphore_mem>>) attributes {dimension_semantics = [#tpu.dimension_semantics<core_parallel>, #tpu.dimension_semantics<subcore_parallel>], iteration_bounds = array<i64: 2, 16>, scalar_prefetch = 0 : i64, scratch_operands = 6 : i64, tpu.core_type = #tpu.core_type<sc_vector_subcore>, window_params = [{transform_indices = #map}, {transform_indices = #map1}, {transform_indices = #map}, {transform_indices = #map}]} {
    %eq3A = arith.constant 0 : i32
    %eq3A_0 = arith.cmpi eq, %arg0, %eq3A : i32
    %mul3A = arith.constant 12160 : i32
    %mul3A_1 = arith.muli %arg1, %mul3A : i32
    %mul3A_2 = arith.constant 8064 : i32
    %mul3A_3 = arith.muli %arg1, %mul3A_2 : i32
    %add3A = arith.constant 194560 : i32
    %add3A_4 = arith.addi %add3A, %mul3A_3 : i32
    %select_n3A = arith.select %eq3A_0, %mul3A_1, %add3A_4 : i32
    %eq3A_5 = arith.constant 0 : i32
    %eq3A_6 = arith.cmpi eq, %arg0, %eq3A_5 : i32
    %jit3A = arith.constant 12160 : i32
    %jit3A_7 = arith.constant 8064 : i32
    %select_n3A_8 = arith.select %eq3A_6, %jit3A, %jit3A_7 : i32
    %jit3A_9 = arith.constant 128 : i32
    %div3A = arith.divsi %select_n3A_8, %jit3A_9 : i32
    %sign3A = arith.constant 0 : i32
    %sign3A_10 = arith.cmpi sgt, %select_n3A_8, %sign3A : i32
    %sign3A_11 = arith.extui %sign3A_10 : i1 to i32
    %sign3A_12 = arith.constant 0 : i32
    %sign3A_13 = arith.cmpi slt, %select_n3A_8, %sign3A_12 : i32
    %sign3A_14 = arith.extui %sign3A_13 : i1 to i32
    %sign3A_15 = arith.subi %sign3A_11, %sign3A_14 : i32
    %sign3A_16 = arith.constant 0 : i32
    %sign3A_17 = arith.cmpi sgt, %jit3A_9, %sign3A_16 : i32
    %sign3A_18 = arith.extui %sign3A_17 : i1 to i32
    %sign3A_19 = arith.constant 0 : i32
    %sign3A_20 = arith.cmpi slt, %jit3A_9, %sign3A_19 : i32
    %sign3A_21 = arith.extui %sign3A_20 : i1 to i32
    %sign3A_22 = arith.subi %sign3A_18, %sign3A_21 : i32
    %ne3A = arith.cmpi ne, %sign3A_15, %sign3A_22 : i32
    %rem3A = arith.remsi %select_n3A_8, %jit3A_9 : i32
    %ne3A_23 = arith.constant 0 : i32
    %ne3A_24 = arith.cmpi ne, %rem3A, %ne3A_23 : i32
    %and3A = arith.andi %ne3A, %ne3A_24 : i1
    %sub3A = arith.constant 1 : i32
    %sub3A_25 = arith.subi %div3A, %sub3A : i32
    %select_n3A_26 = arith.select %and3A, %sub3A_25, %div3A : i32
    %scan3A = arith.constant 0 : i32
    %scan3A_27 = arith.constant 0 : i32
    %scan3A_28 = arith.constant 64 : i32
    %scan3A_29 = arith.addi %scan3A_27, %scan3A_28 : i32
    %scan3A_30 = arith.constant 1 : i32
    scf.for %scan3A_89 = %scan3A_27 to %scan3A_29 step %scan3A_30  : i32 {
      %broadcast_in_dim3A = arith.constant 0.000000e+00 : f32
      %broadcast_in_dim3A_90 = vector.broadcast %broadcast_in_dim3A : f32 to vector<16xf32>
      %swap3A = arith.index_cast %scan3A_89 : i32 to index
      %swap3A_91 = arith.constant 0 : index
      %swap3A_92 = tpu.vector_load %arg9[%swap3A, %swap3A_91] {strides = array<i32>} : memref<64x128xf32, #tpu.memory_space<vmem>>, vector<1x16xf32>,
      %swap3A_93 = vector.shape_cast %swap3A_92 : vector<1x16xf32> to vector<16xf32>
      %swap3A_94 = vector.shape_cast %broadcast_in_dim3A_90 : vector<16xf32> to vector<1x16xf32>
      tpu.vector_store %arg9[%swap3A, %swap3A_91], %swap3A_94 {strides = array<i32>} : memref<64x128xf32, #tpu.memory_space<vmem>>, vector<1x16xf32>,
      %broadcast_in_dim3A_95 = arith.constant 0.000000e+00 : f32
      %broadcast_in_dim3A_96 = vector.broadcast %broadcast_in_dim3A_95 : f32 to vector<16xf32>
      %swap3A_97 = arith.index_cast %scan3A_89 : i32 to index
      %swap3A_98 = arith.constant 16 : index
      %swap3A_99 = tpu.vector_load %arg9[%swap3A_97, %swap3A_98] {strides = array<i32>} : memref<64x128xf32, #tpu.memory_space<vmem>>, vector<1x16xf32>,
      %swap3A_100 = vector.shape_cast %swap3A_99 : vector<1x16xf32> to vector<16xf32>
      %swap3A_101 = vector.shape_cast %broadcast_in_dim3A_96 : vector<16xf32> to vector<1x16xf32>
      tpu.vector_store %arg9[%swap3A_97, %swap3A_98], %swap3A_101 {strides = array<i32>} : memref<64x128xf32, #tpu.memory_space<vmem>>, vector<1x16xf32>,
      %broadcast_in_dim3A_102 = arith.constant 0.000000e+00 : f32
      %broadcast_in_dim3A_103 = vector.broadcast %broadcast_in_dim3A_102 : f32 to vector<16xf32>
      %swap3A_104 = arith.index_cast %scan3A_89 : i32 to index
      %swap3A_105 = arith.constant 32 : index
      %swap3A_106 = tpu.vector_load %arg9[%swap3A_104, %swap3A_105] {strides = array<i32>} : memref<64x128xf32, #tpu.memory_space<vmem>>, vector<1x16xf32>,
      %swap3A_107 = vector.shape_cast %swap3A_106 : vector<1x16xf32> to vector<16xf32>
      %swap3A_108 = vector.shape_cast %broadcast_in_dim3A_103 : vector<16xf32> to vector<1x16xf32>
      tpu.vector_store %arg9[%swap3A_104, %swap3A_105], %swap3A_108 {strides = array<i32>} : memref<64x128xf32, #tpu.memory_space<vmem>>, vector<1x16xf32>,
      %broadcast_in_dim3A_109 = arith.constant 0.000000e+00 : f32
      %broadcast_in_dim3A_110 = vector.broadcast %broadcast_in_dim3A_109 : f32 to vector<16xf32>
      %swap3A_111 = arith.index_cast %scan3A_89 : i32 to index
      %swap3A_112 = arith.constant 48 : index
      %swap3A_113 = tpu.vector_load %arg9[%swap3A_111, %swap3A_112] {strides = array<i32>} : memref<64x128xf32, #tpu.memory_space<vmem>>, vector<1x16xf32>,
      %swap3A_114 = vector.shape_cast %swap3A_113 : vector<1x16xf32> to vector<16xf32>
      %swap3A_115 = vector.shape_cast %broadcast_in_dim3A_110 : vector<16xf32> to vector<1x16xf32>
      tpu.vector_store %arg9[%swap3A_111, %swap3A_112], %swap3A_115 {strides = array<i32>} : memref<64x128xf32, #tpu.memory_space<vmem>>, vector<1x16xf32>,
      %broadcast_in_dim3A_116 = arith.constant 0.000000e+00 : f32
      %broadcast_in_dim3A_117 = vector.broadcast %broadcast_in_dim3A_116 : f32 to vector<16xf32>
      %swap3A_118 = arith.index_cast %scan3A_89 : i32 to index
      %swap3A_119 = arith.constant 64 : index
      %swap3A_120 = tpu.vector_load %arg9[%swap3A_118, %swap3A_119] {strides = array<i32>} : memref<64x128xf32, #tpu.memory_space<vmem>>, vector<1x16xf32>,
      %swap3A_121 = vector.shape_cast %swap3A_120 : vector<1x16xf32> to vector<16xf32>
      %swap3A_122 = vector.shape_cast %broadcast_in_dim3A_117 : vector<16xf32> to vector<1x16xf32>
      tpu.vector_store %arg9[%swap3A_118, %swap3A_119], %swap3A_122 {strides = array<i32>} : memref<64x128xf32, #tpu.memory_space<vmem>>, vector<1x16xf32>,
      %broadcast_in_dim3A_123 = arith.constant 0.000000e+00 : f32
      %broadcast_in_dim3A_124 = vector.broadcast %broadcast_in_dim3A_123 : f32 to vector<16xf32>
      %swap3A_125 = arith.index_cast %scan3A_89 : i32 to index
      %swap3A_126 = arith.constant 80 : index
      %swap3A_127 = tpu.vector_load %arg9[%swap3A_125, %swap3A_126] {strides = array<i32>} : memref<64x128xf32, #tpu.memory_space<vmem>>, vector<1x16xf32>,
      %swap3A_128 = vector.shape_cast %swap3A_127 : vector<1x16xf32> to vector<16xf32>
      %swap3A_129 = vector.shape_cast %broadcast_in_dim3A_124 : vector<16xf32> to vector<1x16xf32>
      tpu.vector_store %arg9[%swap3A_125, %swap3A_126], %swap3A_129 {strides = array<i32>} : memref<64x128xf32, #tpu.memory_space<vmem>>, vector<1x16xf32>,
      %broadcast_in_dim3A_130 = arith.constant 0.000000e+00 : f32
      %broadcast_in_dim3A_131 = vector.broadcast %broadcast_in_dim3A_130 : f32 to vector<16xf32>
      %swap3A_132 = arith.index_cast %scan3A_89 : i32 to index
      %swap3A_133 = arith.constant 96 : index
      %swap3A_134 = tpu.vector_load %arg9[%swap3A_132, %swap3A_133] {strides = array<i32>} : memref<64x128xf32, #tpu.memory_space<vmem>>, vector<1x16xf32>,
      %swap3A_135 = vector.shape_cast %swap3A_134 : vector<1x16xf32> to vector<16xf32>
      %swap3A_136 = vector.shape_cast %broadcast_in_dim3A_131 : vector<16xf32> to vector<1x16xf32>
      tpu.vector_store %arg9[%swap3A_132, %swap3A_133], %swap3A_136 {strides = array<i32>} : memref<64x128xf32, #tpu.memory_space<vmem>>, vector<1x16xf32>,
      %broadcast_in_dim3A_137 = arith.constant 0.000000e+00 : f32
      %broadcast_in_dim3A_138 = vector.broadcast %broadcast_in_dim3A_137 : f32 to vector<16xf32>
      %swap3A_139 = arith.index_cast %scan3A_89 : i32 to index
      %swap3A_140 = arith.constant 112 : index
      %swap3A_141 = tpu.vector_load %arg9[%swap3A_139, %swap3A_140] {strides = array<i32>} : memref<64x128xf32, #tpu.memory_space<vmem>>, vector<1x16xf32>,
      %swap3A_142 = vector.shape_cast %swap3A_141 : vector<1x16xf32> to vector<16xf32>
      %swap3A_143 = vector.shape_cast %broadcast_in_dim3A_138 : vector<16xf32> to vector<1x16xf32>
      tpu.vector_store %arg9[%swap3A_139, %swap3A_140], %swap3A_143 {strides = array<i32>} : memref<64x128xf32, #tpu.memory_space<vmem>>, vector<1x16xf32>,
    }
    %scan3A_31 = arith.constant 64 : i32
    %mul3A_32 = arith.constant 640 : i32
    %mul3A_33 = arith.muli %arg1, %mul3A_32 : i32
    %add3A_34 = arith.constant 0 : i32
    %add3A_35 = arith.addi %mul3A_33, %add3A_34 : i32
    "tpu.region"() ({
      %run_scoped3A = tpu.sem_alloc : memref<!tpu.dma_semaphore, #tpu.memory_space<semaphore_mem>>
      %dma_start3A = arith.constant 0 : i32
      %dma_start3A_89 = tpu.memref_slice %arg10[%add3A_35, %dma_start3A] : memref<10240x128xf32, #tpu.memory_space<vmem_shared>> -> memref<64x128xf32, #tpu.memory_space<vmem_shared>>
      %dma_start3A_90 = arith.constant 0 : i32
      %dma_start3A_91 = tpu.memref_slice %arg10[%add3A_35, %dma_start3A_90] : memref<10240x128xf32, #tpu.memory_space<vmem_shared>> -> memref<64x128xf32, #tpu.memory_space<vmem_shared>>
      tpu.enqueue_dma source(%arg9 : memref<64x128xf32, #tpu.memory_space<vmem>>) target(%dma_start3A_91 : memref<64x128xf32, #tpu.memory_space<vmem_shared>>) target_semaphore(%run_scoped3A : memref<!tpu.dma_semaphore, #tpu.memory_space<semaphore_mem>>)
      %dma_wait3A = arith.constant 0 : i32
      %dma_wait3A_92 = tpu.memref_slice %arg10[%add3A_35, %dma_wait3A] : memref<10240x128xf32, #tpu.memory_space<vmem_shared>> -> memref<64x128xf32, #tpu.memory_space<vmem_shared>>
      %dma_wait3A_93 = arith.constant 0 : i32
      %dma_wait3A_94 = tpu.memref_slice %arg10[%add3A_35, %dma_wait3A_93] : memref<10240x128xf32, #tpu.memory_space<vmem_shared>> -> memref<64x128xf32, #tpu.memory_space<vmem_shared>>
      tpu.wait_dma2 semaphore(%run_scoped3A : memref<!tpu.dma_semaphore, #tpu.memory_space<semaphore_mem>>) src(%arg9 : memref<64x128xf32, #tpu.memory_space<vmem>>) dst(%dma_wait3A_94 : memref<64x128xf32, #tpu.memory_space<vmem_shared>>)
      tpu.yield
    }) : () -> ()
    %mul3A_36 = arith.constant 640 : i32
    %mul3A_37 = arith.muli %arg1, %mul3A_36 : i32
    %add3A_38 = arith.constant 64 : i32
    %add3A_39 = arith.addi %mul3A_37, %add3A_38 : i32
    "tpu.region"() ({
      %run_scoped3A = tpu.sem_alloc : memref<!tpu.dma_semaphore, #tpu.memory_space<semaphore_mem>>
      %dma_start3A = arith.constant 0 : i32
      %dma_start3A_89 = tpu.memref_slice %arg10[%add3A_39, %dma_start3A] : memref<10240x128xf32, #tpu.memory_space<vmem_shared>> -> memref<64x128xf32, #tpu.memory_space<vmem_shared>>
      %dma_start3A_90 = arith.constant 0 : i32
      %dma_start3A_91 = tpu.memref_slice %arg10[%add3A_39, %dma_start3A_90] : memref<10240x128xf32, #tpu.memory_space<vmem_shared>> -> memref<64x128xf32, #tpu.memory_space<vmem_shared>>
      tpu.enqueue_dma source(%arg9 : memref<64x128xf32, #tpu.memory_space<vmem>>) target(%dma_start3A_91 : memref<64x128xf32, #tpu.memory_space<vmem_shared>>) target_semaphore(%run_scoped3A : memref<!tpu.dma_semaphore, #tpu.memory_space<semaphore_mem>>)
      %dma_wait3A = arith.constant 0 : i32
      %dma_wait3A_92 = tpu.memref_slice %arg10[%add3A_39, %dma_wait3A] : memref<10240x128xf32, #tpu.memory_space<vmem_shared>> -> memref<64x128xf32, #tpu.memory_space<vmem_shared>>
      %dma_wait3A_93 = arith.constant 0 : i32
      %dma_wait3A_94 = tpu.memref_slice %arg10[%add3A_39, %dma_wait3A_93] : memref<10240x128xf32, #tpu.memory_space<vmem_shared>> -> memref<64x128xf32, #tpu.memory_space<vmem_shared>>
      tpu.wait_dma2 semaphore(%run_scoped3A : memref<!tpu.dma_semaphore, #tpu.memory_space<semaphore_mem>>) src(%arg9 : memref<64x128xf32, #tpu.memory_space<vmem>>) dst(%dma_wait3A_94 : memref<64x128xf32, #tpu.memory_space<vmem_shared>>)
      tpu.yield
    }) : () -> ()
    %mul3A_40 = arith.constant 640 : i32
    %mul3A_41 = arith.muli %arg1, %mul3A_40 : i32
    %add3A_42 = arith.constant 128 : i32
    %add3A_43 = arith.addi %mul3A_41, %add3A_42 : i32
    "tpu.region"() ({
      %run_scoped3A = tpu.sem_alloc : memref<!tpu.dma_semaphore, #tpu.memory_space<semaphore_mem>>
      %dma_start3A = arith.constant 0 : i32
      %dma_start3A_89 = tpu.memref_slice %arg10[%add3A_43, %dma_start3A] : memref<10240x128xf32, #tpu.memory_space<vmem_shared>> -> memref<64x128xf32, #tpu.memory_space<vmem_shared>>
      %dma_start3A_90 = arith.constant 0 : i32
      %dma_start3A_91 = tpu.memref_slice %arg10[%add3A_43, %dma_start3A_90] : memref<10240x128xf32, #tpu.memory_space<vmem_shared>> -> memref<64x128xf32, #tpu.memory_space<vmem_shared>>
      tpu.enqueue_dma source(%arg9 : memref<64x128xf32, #tpu.memory_space<vmem>>) target(%dma_start3A_91 : memref<64x128xf32, #tpu.memory_space<vmem_shared>>) target_semaphore(%run_scoped3A : memref<!tpu.dma_semaphore, #tpu.memory_space<semaphore_mem>>)
      %dma_wait3A = arith.constant 0 : i32
      %dma_wait3A_92 = tpu.memref_slice %arg10[%add3A_43, %dma_wait3A] : memref<10240x128xf32, #tpu.memory_space<vmem_shared>> -> memref<64x128xf32, #tpu.memory_space<vmem_shared>>
      %dma_wait3A_93 = arith.constant 0 : i32
      %dma_wait3A_94 = tpu.memref_slice %arg10[%add3A_43, %dma_wait3A_93] : memref<10240x128xf32, #tpu.memory_space<vmem_shared>> -> memref<64x128xf32, #tpu.memory_space<vmem_shared>>
      tpu.wait_dma2 semaphore(%run_scoped3A : memref<!tpu.dma_semaphore, #tpu.memory_space<semaphore_mem>>) src(%arg9 : memref<64x128xf32, #tpu.memory_space<vmem>>) dst(%dma_wait3A_94 : memref<64x128xf32, #tpu.memory_space<vmem_shared>>)
      tpu.yield
    }) : () -> ()
    %mul3A_44 = arith.constant 640 : i32
    %mul3A_45 = arith.muli %arg1, %mul3A_44 : i32
    %add3A_46 = arith.constant 192 : i32
    %add3A_47 = arith.addi %mul3A_45, %add3A_46 : i32
    "tpu.region"() ({
      %run_scoped3A = tpu.sem_alloc : memref<!tpu.dma_semaphore, #tpu.memory_space<semaphore_mem>>
      %dma_start3A = arith.constant 0 : i32
      %dma_start3A_89 = tpu.memref_slice %arg10[%add3A_47, %dma_start3A] : memref<10240x128xf32, #tpu.memory_space<vmem_shared>> -> memref<64x128xf32, #tpu.memory_space<vmem_shared>>
      %dma_start3A_90 = arith.constant 0 : i32
      %dma_start3A_91 = tpu.memref_slice %arg10[%add3A_47, %dma_start3A_90] : memref<10240x128xf32, #tpu.memory_space<vmem_shared>> -> memref<64x128xf32, #tpu.memory_space<vmem_shared>>
      tpu.enqueue_dma source(%arg9 : memref<64x128xf32, #tpu.memory_space<vmem>>) target(%dma_start3A_91 : memref<64x128xf32, #tpu.memory_space<vmem_shared>>) target_semaphore(%run_scoped3A : memref<!tpu.dma_semaphore, #tpu.memory_space<semaphore_mem>>)
      %dma_wait3A = arith.constant 0 : i32
      %dma_wait3A_92 = tpu.memref_slice %arg10[%add3A_47, %dma_wait3A] : memref<10240x128xf32, #tpu.memory_space<vmem_shared>> -> memref<64x128xf32, #tpu.memory_space<vmem_shared>>
      %dma_wait3A_93 = arith.constant 0 : i32
      %dma_wait3A_94 = tpu.memref_slice %arg10[%add3A_47, %dma_wait3A_93] : memref<10240x128xf32, #tpu.memory_space<vmem_shared>> -> memref<64x128xf32, #tpu.memory_space<vmem_shared>>
      tpu.wait_dma2 semaphore(%run_scoped3A : memref<!tpu.dma_semaphore, #tpu.memory_space<semaphore_mem>>) src(%arg9 : memref<64x128xf32, #tpu.memory_space<vmem>>) dst(%dma_wait3A_94 : memref<64x128xf32, #tpu.memory_space<vmem_shared>>)
      tpu.yield
    }) : () -> ()
    %mul3A_48 = arith.constant 640 : i32
    %mul3A_49 = arith.muli %arg1, %mul3A_48 : i32
    %add3A_50 = arith.constant 256 : i32
    %add3A_51 = arith.addi %mul3A_49, %add3A_50 : i32
    "tpu.region"() ({
      %run_scoped3A = tpu.sem_alloc : memref<!tpu.dma_semaphore, #tpu.memory_space<semaphore_mem>>
      %dma_start3A = arith.constant 0 : i32
      %dma_start3A_89 = tpu.memref_slice %arg10[%add3A_51, %dma_start3A] : memref<10240x128xf32, #tpu.memory_space<vmem_shared>> -> memref<64x128xf32, #tpu.memory_space<vmem_shared>>
      %dma_start3A_90 = arith.constant 0 : i32
      %dma_start3A_91 = tpu.memref_slice %arg10[%add3A_51, %dma_start3A_90] : memref<10240x128xf32, #tpu.memory_space<vmem_shared>> -> memref<64x128xf32, #tpu.memory_space<vmem_shared>>
      tpu.enqueue_dma source(%arg9 : memref<64x128xf32, #tpu.memory_space<vmem>>) target(%dma_start3A_91 : memref<64x128xf32, #tpu.memory_space<vmem_shared>>) target_semaphore(%run_scoped3A : memref<!tpu.dma_semaphore, #tpu.memory_space<semaphore_mem>>)
      %dma_wait3A = arith.constant 0 : i32
      %dma_wait3A_92 = tpu.memref_slice %arg10[%add3A_51, %dma_wait3A] : memref<10240x128xf32, #tpu.memory_space<vmem_shared>> -> memref<64x128xf32, #tpu.memory_space<vmem_shared>>
      %dma_wait3A_93 = arith.constant 0 : i32
      %dma_wait3A_94 = tpu.memref_slice %arg10[%add3A_51, %dma_wait3A_93] : memref<10240x128xf32, #tpu.memory_space<vmem_shared>> -> memref<64x128xf32, #tpu.memory_space<vmem_shared>>
      tpu.wait_dma2 semaphore(%run_scoped3A : memref<!tpu.dma_semaphore, #tpu.memory_space<semaphore_mem>>) src(%arg9 : memref<64x128xf32, #tpu.memory_space<vmem>>) dst(%dma_wait3A_94 : memref<64x128xf32, #tpu.memory_space<vmem_shared>>)
      tpu.yield
    }) : () -> ()
    %mul3A_52 = arith.constant 640 : i32
    %mul3A_53 = arith.muli %arg1, %mul3A_52 : i32
    %add3A_54 = arith.constant 320 : i32
    %add3A_55 = arith.addi %mul3A_53, %add3A_54 : i32
    "tpu.region"() ({
      %run_scoped3A = tpu.sem_alloc : memref<!tpu.dma_semaphore, #tpu.memory_space<semaphore_mem>>
      %dma_start3A = arith.constant 0 : i32
      %dma_start3A_89 = tpu.memref_slice %arg10[%add3A_55, %dma_start3A] : memref<10240x128xf32, #tpu.memory_space<vmem_shared>> -> memref<64x128xf32, #tpu.memory_space<vmem_shared>>
      %dma_start3A_90 = arith.constant 0 : i32
      %dma_start3A_91 = tpu.memref_slice %arg10[%add3A_55, %dma_start3A_90] : memref<10240x128xf32, #tpu.memory_space<vmem_shared>> -> memref<64x128xf32, #tpu.memory_space<vmem_shared>>
      tpu.enqueue_dma source(%arg9 : memref<64x128xf32, #tpu.memory_space<vmem>>) target(%dma_start3A_91 : memref<64x128xf32, #tpu.memory_space<vmem_shared>>) target_semaphore(%run_scoped3A : memref<!tpu.dma_semaphore, #tpu.memory_space<semaphore_mem>>)
      %dma_wait3A = arith.constant 0 : i32
      %dma_wait3A_92 = tpu.memref_slice %arg10[%add3A_55, %dma_wait3A] : memref<10240x128xf32, #tpu.memory_space<vmem_shared>> -> memref<64x128xf32, #tpu.memory_space<vmem_shared>>
      %dma_wait3A_93 = arith.constant 0 : i32
      %dma_wait3A_94 = tpu.memref_slice %arg10[%add3A_55, %dma_wait3A_93] : memref<10240x128xf32, #tpu.memory_space<vmem_shared>> -> memref<64x128xf32, #tpu.memory_space<vmem_shared>>
      tpu.wait_dma2 semaphore(%run_scoped3A : memref<!tpu.dma_semaphore, #tpu.memory_space<semaphore_mem>>) src(%arg9 : memref<64x128xf32, #tpu.memory_space<vmem>>) dst(%dma_wait3A_94 : memref<64x128xf32, #tpu.memory_space<vmem_shared>>)
      tpu.yield
    }) : () -> ()
    %mul3A_56 = arith.constant 640 : i32
    %mul3A_57 = arith.muli %arg1, %mul3A_56 : i32
    %add3A_58 = arith.constant 384 : i32
    %add3A_59 = arith.addi %mul3A_57, %add3A_58 : i32
    "tpu.region"() ({
      %run_scoped3A = tpu.sem_alloc : memref<!tpu.dma_semaphore, #tpu.memory_space<semaphore_mem>>
      %dma_start3A = arith.constant 0 : i32
      %dma_start3A_89 = tpu.memref_slice %arg10[%add3A_59, %dma_start3A] : memref<10240x128xf32, #tpu.memory_space<vmem_shared>> -> memref<64x128xf32, #tpu.memory_space<vmem_shared>>
      %dma_start3A_90 = arith.constant 0 : i32
      %dma_start3A_91 = tpu.memref_slice %arg10[%add3A_59, %dma_start3A_90] : memref<10240x128xf32, #tpu.memory_space<vmem_shared>> -> memref<64x128xf32, #tpu.memory_space<vmem_shared>>
      tpu.enqueue_dma source(%arg9 : memref<64x128xf32, #tpu.memory_space<vmem>>) target(%dma_start3A_91 : memref<64x128xf32, #tpu.memory_space<vmem_shared>>) target_semaphore(%run_scoped3A : memref<!tpu.dma_semaphore, #tpu.memory_space<semaphore_mem>>)
      %dma_wait3A = arith.constant 0 : i32
      %dma_wait3A_92 = tpu.memref_slice %arg10[%add3A_59, %dma_wait3A] : memref<10240x128xf32, #tpu.memory_space<vmem_shared>> -> memref<64x128xf32, #tpu.memory_space<vmem_shared>>
      %dma_wait3A_93 = arith.constant 0 : i32
      %dma_wait3A_94 = tpu.memref_slice %arg10[%add3A_59, %dma_wait3A_93] : memref<10240x128xf32, #tpu.memory_space<vmem_shared>> -> memref<64x128xf32, #tpu.memory_space<vmem_shared>>
      tpu.wait_dma2 semaphore(%run_scoped3A : memref<!tpu.dma_semaphore, #tpu.memory_space<semaphore_mem>>) src(%arg9 : memref<64x128xf32, #tpu.memory_space<vmem>>) dst(%dma_wait3A_94 : memref<64x128xf32, #tpu.memory_space<vmem_shared>>)
      tpu.yield
    }) : () -> ()
    %mul3A_60 = arith.constant 640 : i32
    %mul3A_61 = arith.muli %arg1, %mul3A_60 : i32
    %add3A_62 = arith.constant 448 : i32
    %add3A_63 = arith.addi %mul3A_61, %add3A_62 : i32
    "tpu.region"() ({
      %run_scoped3A = tpu.sem_alloc : memref<!tpu.dma_semaphore, #tpu.memory_space<semaphore_mem>>
      %dma_start3A = arith.constant 0 : i32
      %dma_start3A_89 = tpu.memref_slice %arg10[%add3A_63, %dma_start3A] : memref<10240x128xf32, #tpu.memory_space<vmem_shared>> -> memref<64x128xf32, #tpu.memory_space<vmem_shared>>
      %dma_start3A_90 = arith.constant 0 : i32
      %dma_start3A_91 = tpu.memref_slice %arg10[%add3A_63, %dma_start3A_90] : memref<10240x128xf32, #tpu.memory_space<vmem_shared>> -> memref<64x128xf32, #tpu.memory_space<vmem_shared>>
      tpu.enqueue_dma source(%arg9 : memref<64x128xf32, #tpu.memory_space<vmem>>) target(%dma_start3A_91 : memref<64x128xf32, #tpu.memory_space<vmem_shared>>) target_semaphore(%run_scoped3A : memref<!tpu.dma_semaphore, #tpu.memory_space<semaphore_mem>>)
      %dma_wait3A = arith.constant 0 : i32
      %dma_wait3A_92 = tpu.memref_slice %arg10[%add3A_63, %dma_wait3A] : memref<10240x128xf32, #tpu.memory_space<vmem_shared>> -> memref<64x128xf32, #tpu.memory_space<vmem_shared>>
      %dma_wait3A_93 = arith.constant 0 : i32
      %dma_wait3A_94 = tpu.memref_slice %arg10[%add3A_63, %dma_wait3A_93] : memref<10240x128xf32, #tpu.memory_space<vmem_shared>> -> memref<64x128xf32, #tpu.memory_space<vmem_shared>>
      tpu.wait_dma2 semaphore(%run_scoped3A : memref<!tpu.dma_semaphore, #tpu.memory_space<semaphore_mem>>) src(%arg9 : memref<64x128xf32, #tpu.memory_space<vmem>>) dst(%dma_wait3A_94 : memref<64x128xf32, #tpu.memory_space<vmem_shared>>)
      tpu.yield
    }) : () -> ()
    %mul3A_64 = arith.constant 640 : i32
    %mul3A_65 = arith.muli %arg1, %mul3A_64 : i32
    %add3A_66 = arith.constant 512 : i32
    %add3A_67 = arith.addi %mul3A_65, %add3A_66 : i32
    "tpu.region"() ({
      %run_scoped3A = tpu.sem_alloc : memref<!tpu.dma_semaphore, #tpu.memory_space<semaphore_mem>>
      %dma_start3A = arith.constant 0 : i32
      %dma_start3A_89 = tpu.memref_slice %arg10[%add3A_67, %dma_start3A] : memref<10240x128xf32, #tpu.memory_space<vmem_shared>> -> memref<64x128xf32, #tpu.memory_space<vmem_shared>>
      %dma_start3A_90 = arith.constant 0 : i32
      %dma_start3A_91 = tpu.memref_slice %arg10[%add3A_67, %dma_start3A_90] : memref<10240x128xf32, #tpu.memory_space<vmem_shared>> -> memref<64x128xf32, #tpu.memory_space<vmem_shared>>
      tpu.enqueue_dma source(%arg9 : memref<64x128xf32, #tpu.memory_space<vmem>>) target(%dma_start3A_91 : memref<64x128xf32, #tpu.memory_space<vmem_shared>>) target_semaphore(%run_scoped3A : memref<!tpu.dma_semaphore, #tpu.memory_space<semaphore_mem>>)
      %dma_wait3A = arith.constant 0 : i32
      %dma_wait3A_92 = tpu.memref_slice %arg10[%add3A_67, %dma_wait3A] : memref<10240x128xf32, #tpu.memory_space<vmem_shared>> -> memref<64x128xf32, #tpu.memory_space<vmem_shared>>
      %dma_wait3A_93 = arith.constant 0 : i32
      %dma_wait3A_94 = tpu.memref_slice %arg10[%add3A_67, %dma_wait3A_93] : memref<10240x128xf32, #tpu.memory_space<vmem_shared>> -> memref<64x128xf32, #tpu.memory_space<vmem_shared>>
      tpu.wait_dma2 semaphore(%run_scoped3A : memref<!tpu.dma_semaphore, #tpu.memory_space<semaphore_mem>>) src(%arg9 : memref<64x128xf32, #tpu.memory_space<vmem>>) dst(%dma_wait3A_94 : memref<64x128xf32, #tpu.memory_space<vmem_shared>>)
      tpu.yield
    }) : () -> ()
    %mul3A_68 = arith.constant 640 : i32
    %mul3A_69 = arith.muli %arg1, %mul3A_68 : i32
    %add3A_70 = arith.constant 576 : i32
    %add3A_71 = arith.addi %mul3A_69, %add3A_70 : i32
    "tpu.region"() ({
      %run_scoped3A = tpu.sem_alloc : memref<!tpu.dma_semaphore, #tpu.memory_space<semaphore_mem>>
      %dma_start3A = arith.constant 0 : i32
      %dma_start3A_89 = tpu.memref_slice %arg10[%add3A_71, %dma_start3A] : memref<10240x128xf32, #tpu.memory_space<vmem_shared>> -> memref<64x128xf32, #tpu.memory_space<vmem_shared>>
      %dma_start3A_90 = arith.constant 0 : i32
      %dma_start3A_91 = tpu.memref_slice %arg10[%add3A_71, %dma_start3A_90] : memref<10240x128xf32, #tpu.memory_space<vmem_shared>> -> memref<64x128xf32, #tpu.memory_space<vmem_shared>>
      tpu.enqueue_dma source(%arg9 : memref<64x128xf32, #tpu.memory_space<vmem>>) target(%dma_start3A_91 : memref<64x128xf32, #tpu.memory_space<vmem_shared>>) target_semaphore(%run_scoped3A : memref<!tpu.dma_semaphore, #tpu.memory_space<semaphore_mem>>)
      %dma_wait3A = arith.constant 0 : i32
      %dma_wait3A_92 = tpu.memref_slice %arg10[%add3A_71, %dma_wait3A] : memref<10240x128xf32, #tpu.memory_space<vmem_shared>> -> memref<64x128xf32, #tpu.memory_space<vmem_shared>>
      %dma_wait3A_93 = arith.constant 0 : i32
      %dma_wait3A_94 = tpu.memref_slice %arg10[%add3A_71, %dma_wait3A_93] : memref<10240x128xf32, #tpu.memory_space<vmem_shared>> -> memref<64x128xf32, #tpu.memory_space<vmem_shared>>
      tpu.wait_dma2 semaphore(%run_scoped3A : memref<!tpu.dma_semaphore, #tpu.memory_space<semaphore_mem>>) src(%arg9 : memref<64x128xf32, #tpu.memory_space<vmem>>) dst(%dma_wait3A_94 : memref<64x128xf32, #tpu.memory_space<vmem_shared>>)
      tpu.yield
    }) : () -> ()
    %barrier3A = arith.constant 0 : index
    tpu.barrier barrier_id(%barrier3A)
    %while3A = arith.constant 0 : i32
    %while3A_72 = arith.constant 0 : i32
    %while3A_73 = arith.subi %select_n3A_26, %while3A_72 : i32
    %while3A_74 = arith.addi %while3A_72, %while3A_73 : i32
    %while3A_75 = arith.constant 1 : i32
    %while3A_76 = arith.divsi %while3A_73, %while3A_75 : i32
    %while3A_77 = arith.muli %while3A_76, %while3A_75 : i32
    %while3A_78 = arith.addi %while3A_72, %while3A_77 : i32
    %while3A_79 = arith.constant 1 : i32
    scf.for %while3A_89 = %while3A_72 to %while3A_78 step %while3A_79  : i32 {
      %mul3A_90 = arith.constant 128 : i32
      %mul3A_91 = arith.muli %while3A_89, %mul3A_90 : i32
      %add3A_92 = arith.addi %select_n3A, %mul3A_91 : i32
      %multiple_of3A = tpu.assume_multiple %add3A_92, 128 : i32
      "tpu.region"() ({
        %run_scoped3A_122 = tpu.sem_alloc : memref<!tpu.dma_semaphore, #tpu.memory_space<semaphore_mem>>
        %dma_start3A_123 = tpu.memref_slice %arg3[%multiple_of3A] : memref<323584xi32, #tpu.memory_space<hbm>> -> memref<128xi32, #tpu.memory_space<hbm>>
        %dma_start3A_124 = tpu.memref_slice %arg3[%multiple_of3A] : memref<323584xi32, #tpu.memory_space<hbm>> -> memref<128xi32, #tpu.memory_space<hbm>>
        tpu.enqueue_dma source(%dma_start3A_124 : memref<128xi32, #tpu.memory_space<hbm>>) target(%arg6 : memref<128xi32, #tpu.memory_space<vmem>>) target_semaphore(%run_scoped3A_122 : memref<!tpu.dma_semaphore, #tpu.memory_space<semaphore_mem>>)
        %dma_wait3A_125 = tpu.memref_slice %arg3[%multiple_of3A] : memref<323584xi32, #tpu.memory_space<hbm>> -> memref<128xi32, #tpu.memory_space<hbm>>
        %dma_wait3A_126 = tpu.memref_slice %arg3[%multiple_of3A] : memref<323584xi32, #tpu.memory_space<hbm>> -> memref<128xi32, #tpu.memory_space<hbm>>
        tpu.wait_dma2 semaphore(%run_scoped3A_122 : memref<!tpu.dma_semaphore, #tpu.memory_space<semaphore_mem>>) src(%dma_wait3A_126 : memref<128xi32, #tpu.memory_space<hbm>>) dst(%arg6 : memref<128xi32, #tpu.memory_space<vmem>>)
        tpu.yield
      }) : () -> ()
      %jit3A_93 = arith.constant 128 : i32
      %div3A_94 = arith.divsi %multiple_of3A, %jit3A_93 : i32
      %sign3A_95 = arith.constant 0 : i32
      %sign3A_96 = arith.cmpi sgt, %multiple_of3A, %sign3A_95 : i32
      %sign3A_97 = arith.extui %sign3A_96 : i1 to i32
      %sign3A_98 = arith.constant 0 : i32
      %sign3A_99 = arith.cmpi slt, %multiple_of3A, %sign3A_98 : i32
      %sign3A_100 = arith.extui %sign3A_99 : i1 to i32
      %sign3A_101 = arith.subi %sign3A_97, %sign3A_100 : i32
      %sign3A_102 = arith.constant 0 : i32
      %sign3A_103 = arith.cmpi sgt, %jit3A_93, %sign3A_102 : i32
      %sign3A_104 = arith.extui %sign3A_103 : i1 to i32
      %sign3A_105 = arith.constant 0 : i32
      %sign3A_106 = arith.cmpi slt, %jit3A_93, %sign3A_105 : i32
      %sign3A_107 = arith.extui %sign3A_106 : i1 to i32
      %sign3A_108 = arith.subi %sign3A_104, %sign3A_107 : i32
      %ne3A_109 = arith.cmpi ne, %sign3A_101, %sign3A_108 : i32
      %rem3A_110 = arith.remsi %multiple_of3A, %jit3A_93 : i32
      %ne3A_111 = arith.constant 0 : i32
      %ne3A_112 = arith.cmpi ne, %rem3A_110, %ne3A_111 : i32
      %and3A_113 = arith.andi %ne3A_109, %ne3A_112 : i1
      %sub3A_114 = arith.constant 1 : i32
      %sub3A_115 = arith.subi %div3A_94, %sub3A_114 : i32
      %select_n3A_116 = arith.select %and3A_113, %sub3A_115, %div3A_94 : i32
      %multiple_of3A_117 = tpu.assume_multiple %select_n3A_116, 1 : i32
      "tpu.region"() ({
        %run_scoped3A_122 = tpu.sem_alloc : memref<!tpu.dma_semaphore, #tpu.memory_space<semaphore_mem>>
        %dma_start3A_123 = arith.constant 0 : i32
        %dma_start3A_124 = tpu.memref_slice %arg4[%multiple_of3A_117, %dma_start3A_123] : memref<2528x128xi32, #tpu.memory_space<hbm>> -> memref<1x128xi32, #tpu.memory_space<hbm>>
        %dma_start3A_125 = arith.constant 0 : i32
        %dma_start3A_126 = tpu.memref_slice %arg4[%multiple_of3A_117, %dma_start3A_125] : memref<2528x128xi32, #tpu.memory_space<hbm>> -> memref<1x128xi32, #tpu.memory_space<hbm>>
        tpu.enqueue_dma source(%dma_start3A_126 : memref<1x128xi32, #tpu.memory_space<hbm>>) target(%arg7 : memref<1x128xi32, #tpu.memory_space<vmem>>) target_semaphore(%run_scoped3A_122 : memref<!tpu.dma_semaphore, #tpu.memory_space<semaphore_mem>>)
        %dma_wait3A_127 = arith.constant 0 : i32
        %dma_wait3A_128 = tpu.memref_slice %arg4[%multiple_of3A_117, %dma_wait3A_127] : memref<2528x128xi32, #tpu.memory_space<hbm>> -> memref<1x128xi32, #tpu.memory_space<hbm>>
        %dma_wait3A_129 = arith.constant 0 : i32
        %dma_wait3A_130 = tpu.memref_slice %arg4[%multiple_of3A_117, %dma_wait3A_129] : memref<2528x128xi32, #tpu.memory_space<hbm>> -> memref<1x128xi32, #tpu.memory_space<hbm>>
        tpu.wait_dma2 semaphore(%run_scoped3A_122 : memref<!tpu.dma_semaphore, #tpu.memory_space<semaphore_mem>>) src(%dma_wait3A_130 : memref<1x128xi32, #tpu.memory_space<hbm>>) dst(%arg7 : memref<1x128xi32, #tpu.memory_space<vmem>>)
        tpu.yield
      }) : () -> ()
      %dma_start3A = arith.constant 0 : i32
      %dma_start3A_118 = arith.constant 0 : i32
      %dma_start3A_119 = tpu.memref_slice %arg2[%dma_start3A, %dma_start3A_118] : memref<20480x128xf32, #tpu.memory_space<hbm>> -> memref<20480x128xf32, #tpu.memory_space<hbm>>
      tpu.enqueue_indirect_dma source(%dma_start3A_119 : memref<20480x128xf32, #tpu.memory_space<hbm>>) target(%arg8 : memref<128x128xf32, #tpu.memory_space<vmem>>) offsets(%arg6 : memref<128xi32, #tpu.memory_space<vmem>>) semaphore(%arg11 : memref<!tpu.dma_semaphore, #tpu.memory_space<semaphore_mem>>)
      %dma_wait3A = arith.constant 0 : i32
      %dma_wait3A_120 = arith.constant 0 : i32
      %dma_wait3A_121 = tpu.memref_slice %arg2[%dma_wait3A, %dma_wait3A_120] : memref<20480x128xf32, #tpu.memory_space<hbm>> -> memref<20480x128xf32, #tpu.memory_space<hbm>>
      tpu.wait_indirect_dma semaphore(%arg11 : memref<!tpu.dma_semaphore, #tpu.memory_space<semaphore_mem>>) src(%dma_wait3A_121 : memref<20480x128xf32, #tpu.memory_space<hbm>>) dst(%arg8 : memref<128x128xf32, #tpu.memory_space<vmem>>)
      %run_scoped3A = arith.constant 0 : i32
      "tpu.region"() ({
        %run_scoped3A_122 = tpu.sem_alloc : memref<!tpu.dma_semaphore, #tpu.memory_space<semaphore_mem>>
        %dma_start3A_123 = arith.constant 0 : i32
        %dma_start3A_124 = arith.constant 0 : i32
        %dma_start3A_125 = tpu.memref_slice %arg8[%dma_start3A_123, %dma_start3A_124] : memref<128x128xf32, #tpu.memory_space<vmem>> -> memref<128x128xf32, #tpu.memory_space<vmem>>
        %dma_start3A_126 = arith.constant 0 : i32
        %dma_start3A_127 = tpu.memref_slice %arg7[%run_scoped3A, %dma_start3A_126] : memref<1x128xi32, #tpu.memory_space<vmem>> -> memref<1x128xi32, #tpu.memory_space<vmem>>
        %dma_start3A_128 = tpu.memref_squeeze %dma_start3A_127 : memref<1x128xi32, #tpu.memory_space<vmem>> -> memref<128xi32, #tpu.memory_space<vmem>>
        %dma_start3A_129 = arith.constant 0 : i32
        %dma_start3A_130 = arith.constant 0 : i32
        %dma_start3A_131 = tpu.memref_slice %arg10[%dma_start3A_129, %dma_start3A_130] : memref<10240x128xf32, #tpu.memory_space<vmem_shared>> -> memref<10240x128xf32, #tpu.memory_space<vmem_shared>>
        tpu.enqueue_indirect_dma source(%dma_start3A_125 : memref<128x128xf32, #tpu.memory_space<vmem>>) target(%dma_start3A_131 : memref<10240x128xf32, #tpu.memory_space<vmem_shared>>) offsets(%dma_start3A_128 : memref<128xi32, #tpu.memory_space<vmem>>) semaphore(%run_scoped3A_122 : memref<!tpu.dma_semaphore, #tpu.memory_space<semaphore_mem>>) {add = true}
        %dma_wait3A_132 = arith.constant 0 : i32
        %dma_wait3A_133 = arith.constant 0 : i32
        %dma_wait3A_134 = tpu.memref_slice %arg8[%dma_wait3A_132, %dma_wait3A_133] : memref<128x128xf32, #tpu.memory_space<vmem>> -> memref<128x128xf32, #tpu.memory_space<vmem>>
        %dma_wait3A_135 = arith.constant 0 : i32
        %dma_wait3A_136 = tpu.memref_slice %arg7[%run_scoped3A, %dma_wait3A_135] : memref<1x128xi32, #tpu.memory_space<vmem>> -> memref<1x128xi32, #tpu.memory_space<vmem>>
        %dma_wait3A_137 = tpu.memref_squeeze %dma_wait3A_136 : memref<1x128xi32, #tpu.memory_space<vmem>> -> memref<128xi32, #tpu.memory_space<vmem>>
        %dma_wait3A_138 = arith.constant 0 : i32
        %dma_wait3A_139 = arith.constant 0 : i32
        %dma_wait3A_140 = tpu.memref_slice %arg10[%dma_wait3A_138, %dma_wait3A_139] : memref<10240x128xf32, #tpu.memory_space<vmem_shared>> -> memref<10240x128xf32, #tpu.memory_space<vmem_shared>>
        tpu.wait_indirect_dma semaphore(%run_scoped3A_122 : memref<!tpu.dma_semaphore, #tpu.memory_space<semaphore_mem>>) src(%dma_wait3A_134 : memref<128x128xf32, #tpu.memory_space<vmem>>) dst(%dma_wait3A_140 : memref<10240x128xf32, #tpu.memory_space<vmem_shared>>)
        tpu.yield
      }) : () -> ()
    }
    %while3A_80 = arith.constant 1 : i32
    scf.for %while3A_89 = %while3A_78 to %while3A_74 step %while3A_80  : i32 {
      %mul3A_90 = arith.constant 128 : i32
      %mul3A_91 = arith.muli %while3A_89, %mul3A_90 : i32
      %add3A_92 = arith.addi %select_n3A, %mul3A_91 : i32
      %multiple_of3A = tpu.assume_multiple %add3A_92, 128 : i32
      "tpu.region"() ({
        %run_scoped3A_122 = tpu.sem_alloc : memref<!tpu.dma_semaphore, #tpu.memory_space<semaphore_mem>>
        %dma_start3A_123 = tpu.memref_slice %arg3[%multiple_of3A] : memref<323584xi32, #tpu.memory_space<hbm>> -> memref<128xi32, #tpu.memory_space<hbm>>
        %dma_start3A_124 = tpu.memref_slice %arg3[%multiple_of3A] : memref<323584xi32, #tpu.memory_space<hbm>> -> memref<128xi32, #tpu.memory_space<hbm>>
        tpu.enqueue_dma source(%dma_start3A_124 : memref<128xi32, #tpu.memory_space<hbm>>) target(%arg6 : memref<128xi32, #tpu.memory_space<vmem>>) target_semaphore(%run_scoped3A_122 : memref<!tpu.dma_semaphore, #tpu.memory_space<semaphore_mem>>)
        %dma_wait3A_125 = tpu.memref_slice %arg3[%multiple_of3A] : memref<323584xi32, #tpu.memory_space<hbm>> -> memref<128xi32, #tpu.memory_space<hbm>>
        %dma_wait3A_126 = tpu.memref_slice %arg3[%multiple_of3A] : memref<323584xi32, #tpu.memory_space<hbm>> -> memref<128xi32, #tpu.memory_space<hbm>>
        tpu.wait_dma2 semaphore(%run_scoped3A_122 : memref<!tpu.dma_semaphore, #tpu.memory_space<semaphore_mem>>) src(%dma_wait3A_126 : memref<128xi32, #tpu.memory_space<hbm>>) dst(%arg6 : memref<128xi32, #tpu.memory_space<vmem>>)
        tpu.yield
      }) : () -> ()
      %jit3A_93 = arith.constant 128 : i32
      %div3A_94 = arith.divsi %multiple_of3A, %jit3A_93 : i32
      %sign3A_95 = arith.constant 0 : i32
      %sign3A_96 = arith.cmpi sgt, %multiple_of3A, %sign3A_95 : i32
      %sign3A_97 = arith.extui %sign3A_96 : i1 to i32
      %sign3A_98 = arith.constant 0 : i32
      %sign3A_99 = arith.cmpi slt, %multiple_of3A, %sign3A_98 : i32
      %sign3A_100 = arith.extui %sign3A_99 : i1 to i32
      %sign3A_101 = arith.subi %sign3A_97, %sign3A_100 : i32
      %sign3A_102 = arith.constant 0 : i32
      %sign3A_103 = arith.cmpi sgt, %jit3A_93, %sign3A_102 : i32
      %sign3A_104 = arith.extui %sign3A_103 : i1 to i32
      %sign3A_105 = arith.constant 0 : i32
      %sign3A_106 = arith.cmpi slt, %jit3A_93, %sign3A_105 : i32
      %sign3A_107 = arith.extui %sign3A_106 : i1 to i32
      %sign3A_108 = arith.subi %sign3A_104, %sign3A_107 : i32
      %ne3A_109 = arith.cmpi ne, %sign3A_101, %sign3A_108 : i32
      %rem3A_110 = arith.remsi %multiple_of3A, %jit3A_93 : i32
      %ne3A_111 = arith.constant 0 : i32
      %ne3A_112 = arith.cmpi ne, %rem3A_110, %ne3A_111 : i32
      %and3A_113 = arith.andi %ne3A_109, %ne3A_112 : i1
      %sub3A_114 = arith.constant 1 : i32
      %sub3A_115 = arith.subi %div3A_94, %sub3A_114 : i32
      %select_n3A_116 = arith.select %and3A_113, %sub3A_115, %div3A_94 : i32
      %multiple_of3A_117 = tpu.assume_multiple %select_n3A_116, 1 : i32
      "tpu.region"() ({
        %run_scoped3A_122 = tpu.sem_alloc : memref<!tpu.dma_semaphore, #tpu.memory_space<semaphore_mem>>
        %dma_start3A_123 = arith.constant 0 : i32
        %dma_start3A_124 = tpu.memref_slice %arg4[%multiple_of3A_117, %dma_start3A_123] : memref<2528x128xi32, #tpu.memory_space<hbm>> -> memref<1x128xi32, #tpu.memory_space<hbm>>
        %dma_start3A_125 = arith.constant 0 : i32
        %dma_start3A_126 = tpu.memref_slice %arg4[%multiple_of3A_117, %dma_start3A_125] : memref<2528x128xi32, #tpu.memory_space<hbm>> -> memref<1x128xi32, #tpu.memory_space<hbm>>
        tpu.enqueue_dma source(%dma_start3A_126 : memref<1x128xi32, #tpu.memory_space<hbm>>) target(%arg7 : memref<1x128xi32, #tpu.memory_space<vmem>>) target_semaphore(%run_scoped3A_122 : memref<!tpu.dma_semaphore, #tpu.memory_space<semaphore_mem>>)
        %dma_wait3A_127 = arith.constant 0 : i32
        %dma_wait3A_128 = tpu.memref_slice %arg4[%multiple_of3A_117, %dma_wait3A_127] : memref<2528x128xi32, #tpu.memory_space<hbm>> -> memref<1x128xi32, #tpu.memory_space<hbm>>
        %dma_wait3A_129 = arith.constant 0 : i32
        %dma_wait3A_130 = tpu.memref_slice %arg4[%multiple_of3A_117, %dma_wait3A_129] : memref<2528x128xi32, #tpu.memory_space<hbm>> -> memref<1x128xi32, #tpu.memory_space<hbm>>
        tpu.wait_dma2 semaphore(%run_scoped3A_122 : memref<!tpu.dma_semaphore, #tpu.memory_space<semaphore_mem>>) src(%dma_wait3A_130 : memref<1x128xi32, #tpu.memory_space<hbm>>) dst(%arg7 : memref<1x128xi32, #tpu.memory_space<vmem>>)
        tpu.yield
      }) : () -> ()
      %dma_start3A = arith.constant 0 : i32
      %dma_start3A_118 = arith.constant 0 : i32
      %dma_start3A_119 = tpu.memref_slice %arg2[%dma_start3A, %dma_start3A_118] : memref<20480x128xf32, #tpu.memory_space<hbm>> -> memref<20480x128xf32, #tpu.memory_space<hbm>>
      tpu.enqueue_indirect_dma source(%dma_start3A_119 : memref<20480x128xf32, #tpu.memory_space<hbm>>) target(%arg8 : memref<128x128xf32, #tpu.memory_space<vmem>>) offsets(%arg6 : memref<128xi32, #tpu.memory_space<vmem>>) semaphore(%arg11 : memref<!tpu.dma_semaphore, #tpu.memory_space<semaphore_mem>>)
      %dma_wait3A = arith.constant 0 : i32
      %dma_wait3A_120 = arith.constant 0 : i32
      %dma_wait3A_121 = tpu.memref_slice %arg2[%dma_wait3A, %dma_wait3A_120] : memref<20480x128xf32, #tpu.memory_space<hbm>> -> memref<20480x128xf32, #tpu.memory_space<hbm>>
      tpu.wait_indirect_dma semaphore(%arg11 : memref<!tpu.dma_semaphore, #tpu.memory_space<semaphore_mem>>) src(%dma_wait3A_121 : memref<20480x128xf32, #tpu.memory_space<hbm>>) dst(%arg8 : memref<128x128xf32, #tpu.memory_space<vmem>>)
      %run_scoped3A = arith.constant 0 : i32
      "tpu.region"() ({
        %run_scoped3A_122 = tpu.sem_alloc : memref<!tpu.dma_semaphore, #tpu.memory_space<semaphore_mem>>
        %dma_start3A_123 = arith.constant 0 : i32
        %dma_start3A_124 = arith.constant 0 : i32
        %dma_start3A_125 = tpu.memref_slice %arg8[%dma_start3A_123, %dma_start3A_124] : memref<128x128xf32, #tpu.memory_space<vmem>> -> memref<128x128xf32, #tpu.memory_space<vmem>>
        %dma_start3A_126 = arith.constant 0 : i32
        %dma_start3A_127 = tpu.memref_slice %arg7[%run_scoped3A, %dma_start3A_126] : memref<1x128xi32, #tpu.memory_space<vmem>> -> memref<1x128xi32, #tpu.memory_space<vmem>>
        %dma_start3A_128 = tpu.memref_squeeze %dma_start3A_127 : memref<1x128xi32, #tpu.memory_space<vmem>> -> memref<128xi32, #tpu.memory_space<vmem>>
        %dma_start3A_129 = arith.constant 0 : i32
        %dma_start3A_130 = arith.constant 0 : i32
        %dma_start3A_131 = tpu.memref_slice %arg10[%dma_start3A_129, %dma_start3A_130] : memref<10240x128xf32, #tpu.memory_space<vmem_shared>> -> memref<10240x128xf32, #tpu.memory_space<vmem_shared>>
        tpu.enqueue_indirect_dma source(%dma_start3A_125 : memref<128x128xf32, #tpu.memory_space<vmem>>) target(%dma_start3A_131 : memref<10240x128xf32, #tpu.memory_space<vmem_shared>>) offsets(%dma_start3A_128 : memref<128xi32, #tpu.memory_space<vmem>>) semaphore(%run_scoped3A_122 : memref<!tpu.dma_semaphore, #tpu.memory_space<semaphore_mem>>) {add = true}
        %dma_wait3A_132 = arith.constant 0 : i32
        %dma_wait3A_133 = arith.constant 0 : i32
        %dma_wait3A_134 = tpu.memref_slice %arg8[%dma_wait3A_132, %dma_wait3A_133] : memref<128x128xf32, #tpu.memory_space<vmem>> -> memref<128x128xf32, #tpu.memory_space<vmem>>
        %dma_wait3A_135 = arith.constant 0 : i32
        %dma_wait3A_136 = tpu.memref_slice %arg7[%run_scoped3A, %dma_wait3A_135] : memref<1x128xi32, #tpu.memory_space<vmem>> -> memref<1x128xi32, #tpu.memory_space<vmem>>
        %dma_wait3A_137 = tpu.memref_squeeze %dma_wait3A_136 : memref<1x128xi32, #tpu.memory_space<vmem>> -> memref<128xi32, #tpu.memory_space<vmem>>
        %dma_wait3A_138 = arith.constant 0 : i32
        %dma_wait3A_139 = arith.constant 0 : i32
        %dma_wait3A_140 = tpu.memref_slice %arg10[%dma_wait3A_138, %dma_wait3A_139] : memref<10240x128xf32, #tpu.memory_space<vmem_shared>> -> memref<10240x128xf32, #tpu.memory_space<vmem_shared>>
        tpu.wait_indirect_dma semaphore(%run_scoped3A_122 : memref<!tpu.dma_semaphore, #tpu.memory_space<semaphore_mem>>) src(%dma_wait3A_134 : memref<128x128xf32, #tpu.memory_space<vmem>>) dst(%dma_wait3A_140 : memref<10240x128xf32, #tpu.memory_space<vmem_shared>>)
        tpu.yield
      }) : () -> ()
    }
    %barrier3A_81 = arith.constant 0 : index
    tpu.barrier barrier_id(%barrier3A_81)
    %mul3A_82 = arith.constant 640 : i32
    %mul3A_83 = arith.muli %arg1, %mul3A_82 : i32
    %mul3A_84 = arith.constant 10240 : i32
    %mul3A_85 = arith.muli %arg0, %mul3A_84 : i32
    %mul3A_86 = arith.constant 640 : i32
    %mul3A_87 = arith.muli %arg1, %mul3A_86 : i32
    %add3A_88 = arith.addi %mul3A_85, %mul3A_87 : i32
    "tpu.region"() ({
      %run_scoped3A = tpu.sem_alloc : memref<!tpu.dma_semaphore, #tpu.memory_space<semaphore_mem>>
      %dma_start3A = arith.constant 0 : i32
      %dma_start3A_89 = tpu.memref_slice %arg5[%add3A_88, %dma_start3A] : memref<20480x128xf32, #tpu.memory_space<hbm>> -> memref<640x128xf32, #tpu.memory_space<hbm>>
      %dma_start3A_90 = arith.constant 0 : i32
      %dma_start3A_91 = tpu.memref_slice %arg10[%mul3A_83, %dma_start3A_90] : memref<10240x128xf32, #tpu.memory_space<vmem_shared>> -> memref<640x128xf32, #tpu.memory_space<vmem_shared>>
      tpu.enqueue_dma source(%dma_start3A_91 : memref<640x128xf32, #tpu.memory_space<vmem_shared>>) target(%dma_start3A_89 : memref<640x128xf32, #tpu.memory_space<hbm>>) target_semaphore(%run_scoped3A : memref<!tpu.dma_semaphore, #tpu.memory_space<semaphore_mem>>)
      %dma_wait3A = arith.constant 0 : i32
      %dma_wait3A_92 = tpu.memref_slice %arg5[%add3A_88, %dma_wait3A] : memref<20480x128xf32, #tpu.memory_space<hbm>> -> memref<640x128xf32, #tpu.memory_space<hbm>>
      %dma_wait3A_93 = arith.constant 0 : i32
      %dma_wait3A_94 = tpu.memref_slice %arg10[%mul3A_83, %dma_wait3A_93] : memref<10240x128xf32, #tpu.memory_space<vmem_shared>> -> memref<640x128xf32, #tpu.memory_space<vmem_shared>>
      tpu.wait_dma2 semaphore(%run_scoped3A : memref<!tpu.dma_semaphore, #tpu.memory_space<semaphore_mem>>) src(%dma_wait3A_94 : memref<640x128xf32, #tpu.memory_space<vmem_shared>>) dst(%dma_wait3A_92 : memref<640x128xf32, #tpu.memory_space<hbm>>)
      tpu.yield
    }) : () -> ()
    return
  }
}

module attributes {stable_mosaic.version = 14 : i64} {
  func.func @_emb_body(%arg0: memref<10240x128xf32, #tpu.memory_space<vmem>>, %arg1: memref<128x128xf32, #tpu.memory_space<vmem>>, %arg2: memref<1x128xf32, #tpu.memory_space<vmem>>, %arg3: memref<10240x128xf32, #tpu.memory_space<vmem>>, %arg4: memref<20480x128xf32, #tpu.memory_space<vmem>>) attributes {dimension_semantics = [], scalar_prefetch = 0 : i64, scratch_operands = 0 : i64, tpu.core_type = #tpu.core_type<tc>} {
    %get3A = arith.constant 0 : index
    %get3A_0 = arith.constant 0 : index
    %get3A_1 = vector.load %arg0[%get3A, %get3A_0] : memref<10240x128xf32, #tpu.memory_space<vmem>>, vector<10240x128xf32>
    %get3A_2 = arith.constant 0 : index
    %get3A_3 = arith.constant 0 : index
    %get3A_4 = vector.load %arg1[%get3A_2, %get3A_3] : memref<128x128xf32, #tpu.memory_space<vmem>>, vector<128x128xf32>
    %dot_general3A = arith.constant dense<0.000000e+00> : vector<10240x128xf32>
    %dot_general3A_5 = tpu.matmul %get3A_1, %get3A_4, %dot_general3A {dimension_numbers = #tpu.dot_dimension_numbers<[1], [1], [0], [0], [0, 0, 1, 0], [], []>, transpose_lhs_hint = false} : vector<10240x128xf32>, vector<128x128xf32>, vector<10240x128xf32> -> vector<10240x128xf32>
    %get3A_6 = arith.constant 0 : index
    %get3A_7 = arith.constant 0 : index
    %get3A_8 = vector.load %arg2[%get3A_6, %get3A_7] : memref<1x128xf32, #tpu.memory_space<vmem>>, vector<1x128xf32>
    %add3A = vector.broadcast %get3A_8 : vector<1x128xf32> to vector<10240x128xf32>
    %add3A_9 = arith.addf %dot_general3A_5, %add3A : vector<10240x128xf32>
    %swap3A = arith.constant 0 : index
    %swap3A_10 = arith.constant 0 : index
    %swap3A_11 = vector.load %arg3[%swap3A, %swap3A_10] : memref<10240x128xf32, #tpu.memory_space<vmem>>, vector<10240x128xf32>
    tpu.vector_store %arg3[%swap3A, %swap3A_10], %add3A_9 {strides = array<i32>} : memref<10240x128xf32, #tpu.memory_space<vmem>>, vector<10240x128xf32>,
    %concatenate3A = tpu.concatenate %add3A_9, %add3A_9 in 0 : vector<10240x128xf32>, vector<10240x128xf32> -> vector<20480x128xf32>
    %swap3A_12 = arith.constant 0 : index
    %swap3A_13 = arith.constant 0 : index
    %swap3A_14 = vector.load %arg4[%swap3A_12, %swap3A_13] : memref<20480x128xf32, #tpu.memory_space<vmem>>, vector<20480x128xf32>
    tpu.vector_store %arg4[%swap3A_12, %swap3A_13], %concatenate3A {strides = array<i32>} : memref<20480x128xf32, #tpu.memory_space<vmem>>, vector<20480x128xf32>,
    return
  }
}

module attributes {stable_mosaic.version = 14 : i64} {
  func.func @_layer_body(%arg0: memref<10240x128xf32, #tpu.memory_space<vmem>>, %arg1: memref<20480x128xf32, #tpu.memory_space<vmem>>, %arg2: memref<128x128xf32, #tpu.memory_space<vmem>>, %arg3: memref<128x128xf32, #tpu.memory_space<vmem>>, %arg4: memref<1x128xf32, #tpu.memory_space<vmem>>, %arg5: memref<10240x128xf32, #tpu.memory_space<vmem>>, %arg6: memref<20480x128xf32, #tpu.memory_space<vmem>>) attributes {dimension_semantics = [], scalar_prefetch = 0 : i64, scratch_operands = 0 : i64, tpu.core_type = #tpu.core_type<tc>} {
    %get3A = arith.constant 0 : index
    %get3A_0 = arith.constant 0 : index
    %get3A_1 = vector.load %arg0[%get3A, %get3A_0] : memref<10240x128xf32, #tpu.memory_space<vmem>>, vector<10240x128xf32>
    %get3A_2 = arith.constant 0 : index
    %get3A_3 = arith.constant 0 : index
    %get3A_4 = vector.load %arg1[%get3A_2, %get3A_3] : memref<20480x128xf32, #tpu.memory_space<vmem>>, vector<20480x128xf32>
    %slice3A = vector.extract_strided_slice %get3A_4 {offsets = [0, 0], sizes = [10240, 128], strides = [1, 1]} : vector<20480x128xf32> to vector<10240x128xf32>
    %slice3A_5 = vector.extract_strided_slice %get3A_4 {offsets = [10240, 0], sizes = [10240, 128], strides = [1, 1]} : vector<20480x128xf32> to vector<10240x128xf32>
    %add3A = arith.addf %slice3A, %slice3A_5 : vector<10240x128xf32>
    %get3A_6 = arith.constant 0 : index
    %get3A_7 = arith.constant 0 : index
    %get3A_8 = vector.load %arg2[%get3A_6, %get3A_7] : memref<128x128xf32, #tpu.memory_space<vmem>>, vector<128x128xf32>
    %dot_general3A = arith.constant dense<0.000000e+00> : vector<10240x128xf32>
    %dot_general3A_9 = tpu.matmul %get3A_1, %get3A_8, %dot_general3A {dimension_numbers = #tpu.dot_dimension_numbers<[1], [1], [0], [0], [0, 0, 1, 0], [], []>, transpose_lhs_hint = false} : vector<10240x128xf32>, vector<128x128xf32>, vector<10240x128xf32> -> vector<10240x128xf32>
    %get3A_10 = arith.constant 0 : index
    %get3A_11 = arith.constant 0 : index
    %get3A_12 = vector.load %arg2[%get3A_10, %get3A_11] : memref<128x128xf32, #tpu.memory_space<vmem>>, vector<128x128xf32>
    %dot_general3A_13 = arith.constant dense<0.000000e+00> : vector<10240x128xf32>
    %dot_general3A_14 = tpu.matmul %get3A_1, %get3A_12, %dot_general3A_13 {dimension_numbers = #tpu.dot_dimension_numbers<[1], [0], [0], [1], [0, 0, 1, 1], [], []>, transpose_lhs_hint = false} : vector<10240x128xf32>, vector<128x128xf32>, vector<10240x128xf32> -> vector<10240x128xf32>
    %sub3A = arith.subf %dot_general3A_9, %dot_general3A_14 : vector<10240x128xf32>
    %mul3A = arith.constant 1.000000e-01 : f32
    %mul3A_15 = vector.broadcast %mul3A : f32 to vector<10240x128xf32>
    %mul3A_16 = arith.mulf %mul3A_15, %get3A_1 : vector<10240x128xf32>
    %sub3A_17 = arith.subf %sub3A, %mul3A_16 : vector<10240x128xf32>
    %get3A_18 = arith.constant 0 : index
    %get3A_19 = arith.constant 0 : index
    %get3A_20 = vector.load %arg3[%get3A_18, %get3A_19] : memref<128x128xf32, #tpu.memory_space<vmem>>, vector<128x128xf32>
    %dot_general3A_21 = arith.constant dense<0.000000e+00> : vector<10240x128xf32>
    %dot_general3A_22 = tpu.matmul %add3A, %get3A_20, %dot_general3A_21 {dimension_numbers = #tpu.dot_dimension_numbers<[1], [1], [0], [0], [0, 0, 1, 0], [], []>, transpose_lhs_hint = false} : vector<10240x128xf32>, vector<128x128xf32>, vector<10240x128xf32> -> vector<10240x128xf32>
    %add3A_23 = arith.addf %sub3A_17, %dot_general3A_22 : vector<10240x128xf32>
    %get3A_24 = arith.constant 0 : index
    %get3A_25 = arith.constant 0 : index
    %get3A_26 = vector.load %arg4[%get3A_24, %get3A_25] : memref<1x128xf32, #tpu.memory_space<vmem>>, vector<1x128xf32>
    %add3A_27 = vector.broadcast %get3A_26 : vector<1x128xf32> to vector<10240x128xf32>
    %add3A_28 = arith.addf %add3A_23, %add3A_27 : vector<10240x128xf32>
    %tanh3A = math.tanh %add3A_28 : vector<10240x128xf32>
    %mul3A_29 = arith.constant 1.000000e-01 : f32
    %mul3A_30 = vector.broadcast %mul3A_29 : f32 to vector<10240x128xf32>
    %mul3A_31 = arith.mulf %mul3A_30, %tanh3A : vector<10240x128xf32>
    %add3A_32 = arith.addf %get3A_1, %mul3A_31 : vector<10240x128xf32>
    %swap3A = arith.constant 0 : index
    %swap3A_33 = arith.constant 0 : index
    %swap3A_34 = vector.load %arg5[%swap3A, %swap3A_33] : memref<10240x128xf32, #tpu.memory_space<vmem>>, vector<10240x128xf32>
    tpu.vector_store %arg5[%swap3A, %swap3A_33], %add3A_32 {strides = array<i32>} : memref<10240x128xf32, #tpu.memory_space<vmem>>, vector<10240x128xf32>,
    %concatenate3A = tpu.concatenate %add3A_32, %add3A_32 in 0 : vector<10240x128xf32>, vector<10240x128xf32> -> vector<20480x128xf32>
    %swap3A_35 = arith.constant 0 : index
    %swap3A_36 = arith.constant 0 : index
    %swap3A_37 = vector.load %arg6[%swap3A_35, %swap3A_36] : memref<20480x128xf32, #tpu.memory_space<vmem>>, vector<20480x128xf32>
    tpu.vector_store %arg6[%swap3A_35, %swap3A_36], %concatenate3A {strides = array<i32>} : memref<20480x128xf32, #tpu.memory_space<vmem>>, vector<20480x128xf32>,
    return
  }
}

module attributes {stable_mosaic.version = 14 : i64} {
  func.func @_layer_body(%arg0: memref<10240x128xf32, #tpu.memory_space<vmem>>, %arg1: memref<20480x128xf32, #tpu.memory_space<vmem>>, %arg2: memref<128x128xf32, #tpu.memory_space<vmem>>, %arg3: memref<128x128xf32, #tpu.memory_space<vmem>>, %arg4: memref<1x128xf32, #tpu.memory_space<vmem>>, %arg5: memref<10240x128xf32, #tpu.memory_space<vmem>>, %arg6: memref<20480x128xf32, #tpu.memory_space<vmem>>) attributes {dimension_semantics = [], scalar_prefetch = 0 : i64, scratch_operands = 0 : i64, tpu.core_type = #tpu.core_type<tc>} {
    %get3A = arith.constant 0 : index
    %get3A_0 = arith.constant 0 : index
    %get3A_1 = vector.load %arg0[%get3A, %get3A_0] : memref<10240x128xf32, #tpu.memory_space<vmem>>, vector<10240x128xf32>
    %get3A_2 = arith.constant 0 : index
    %get3A_3 = arith.constant 0 : index
    %get3A_4 = vector.load %arg1[%get3A_2, %get3A_3] : memref<20480x128xf32, #tpu.memory_space<vmem>>, vector<20480x128xf32>
    %slice3A = vector.extract_strided_slice %get3A_4 {offsets = [0, 0], sizes = [10240, 128], strides = [1, 1]} : vector<20480x128xf32> to vector<10240x128xf32>
    %slice3A_5 = vector.extract_strided_slice %get3A_4 {offsets = [10240, 0], sizes = [10240, 128], strides = [1, 1]} : vector<20480x128xf32> to vector<10240x128xf32>
    %add3A = arith.addf %slice3A, %slice3A_5 : vector<10240x128xf32>
    %get3A_6 = arith.constant 0 : index
    %get3A_7 = arith.constant 0 : index
    %get3A_8 = vector.load %arg2[%get3A_6, %get3A_7] : memref<128x128xf32, #tpu.memory_space<vmem>>, vector<128x128xf32>
    %dot_general3A = arith.constant dense<0.000000e+00> : vector<10240x128xf32>
    %dot_general3A_9 = tpu.matmul %get3A_1, %get3A_8, %dot_general3A {dimension_numbers = #tpu.dot_dimension_numbers<[1], [1], [0], [0], [0, 0, 1, 0], [], []>, transpose_lhs_hint = false} : vector<10240x128xf32>, vector<128x128xf32>, vector<10240x128xf32> -> vector<10240x128xf32>
    %get3A_10 = arith.constant 0 : index
    %get3A_11 = arith.constant 0 : index
    %get3A_12 = vector.load %arg2[%get3A_10, %get3A_11] : memref<128x128xf32, #tpu.memory_space<vmem>>, vector<128x128xf32>
    %dot_general3A_13 = arith.constant dense<0.000000e+00> : vector<10240x128xf32>
    %dot_general3A_14 = tpu.matmul %get3A_1, %get3A_12, %dot_general3A_13 {dimension_numbers = #tpu.dot_dimension_numbers<[1], [0], [0], [1], [0, 0, 1, 1], [], []>, transpose_lhs_hint = false} : vector<10240x128xf32>, vector<128x128xf32>, vector<10240x128xf32> -> vector<10240x128xf32>
    %sub3A = arith.subf %dot_general3A_9, %dot_general3A_14 : vector<10240x128xf32>
    %mul3A = arith.constant 1.000000e-01 : f32
    %mul3A_15 = vector.broadcast %mul3A : f32 to vector<10240x128xf32>
    %mul3A_16 = arith.mulf %mul3A_15, %get3A_1 : vector<10240x128xf32>
    %sub3A_17 = arith.subf %sub3A, %mul3A_16 : vector<10240x128xf32>
    %get3A_18 = arith.constant 0 : index
    %get3A_19 = arith.constant 0 : index
    %get3A_20 = vector.load %arg3[%get3A_18, %get3A_19] : memref<128x128xf32, #tpu.memory_space<vmem>>, vector<128x128xf32>
    %dot_general3A_21 = arith.constant dense<0.000000e+00> : vector<10240x128xf32>
    %dot_general3A_22 = tpu.matmul %add3A, %get3A_20, %dot_general3A_21 {dimension_numbers = #tpu.dot_dimension_numbers<[1], [1], [0], [0], [0, 0, 1, 0], [], []>, transpose_lhs_hint = false} : vector<10240x128xf32>, vector<128x128xf32>, vector<10240x128xf32> -> vector<10240x128xf32>
    %add3A_23 = arith.addf %sub3A_17, %dot_general3A_22 : vector<10240x128xf32>
    %get3A_24 = arith.constant 0 : index
    %get3A_25 = arith.constant 0 : index
    %get3A_26 = vector.load %arg4[%get3A_24, %get3A_25] : memref<1x128xf32, #tpu.memory_space<vmem>>, vector<1x128xf32>
    %add3A_27 = vector.broadcast %get3A_26 : vector<1x128xf32> to vector<10240x128xf32>
    %add3A_28 = arith.addf %add3A_23, %add3A_27 : vector<10240x128xf32>
    %tanh3A = math.tanh %add3A_28 : vector<10240x128xf32>
    %mul3A_29 = arith.constant 1.000000e-01 : f32
    %mul3A_30 = vector.broadcast %mul3A_29 : f32 to vector<10240x128xf32>
    %mul3A_31 = arith.mulf %mul3A_30, %tanh3A : vector<10240x128xf32>
    %add3A_32 = arith.addf %get3A_1, %mul3A_31 : vector<10240x128xf32>
    %swap3A = arith.constant 0 : index
    %swap3A_33 = arith.constant 0 : index
    %swap3A_34 = vector.load %arg5[%swap3A, %swap3A_33] : memref<10240x128xf32, #tpu.memory_space<vmem>>, vector<10240x128xf32>
    tpu.vector_store %arg5[%swap3A, %swap3A_33], %add3A_32 {strides = array<i32>} : memref<10240x128xf32, #tpu.memory_space<vmem>>, vector<10240x128xf32>,
    %concatenate3A = tpu.concatenate %add3A_32, %add3A_32 in 0 : vector<10240x128xf32>, vector<10240x128xf32> -> vector<20480x128xf32>
    %swap3A_35 = arith.constant 0 : index
    %swap3A_36 = arith.constant 0 : index
    %swap3A_37 = vector.load %arg6[%swap3A_35, %swap3A_36] : memref<20480x128xf32, #tpu.memory_space<vmem>>, vector<20480x128xf32>
    tpu.vector_store %arg6[%swap3A_35, %swap3A_36], %concatenate3A {strides = array<i32>} : memref<20480x128xf32, #tpu.memory_space<vmem>>, vector<20480x128xf32>,
    return
  }
}

module attributes {stable_mosaic.version = 14 : i64} {
  func.func @_readout_body(%arg0: memref<10240x128xf32, #tpu.memory_space<vmem>>, %arg1: memref<64x128xf32, #tpu.memory_space<vmem>>, %arg2: memref<1x64xf32, #tpu.memory_space<vmem>>, %arg3: memref<128x64xf32, #tpu.memory_space<vmem>>, %arg4: memref<1x128xf32, #tpu.memory_space<vmem>>, %arg5: memref<10240x128xf32, #tpu.memory_space<vmem>>) attributes {dimension_semantics = [], scalar_prefetch = 0 : i64, scratch_operands = 0 : i64, tpu.core_type = #tpu.core_type<tc>} {
    %get3A = arith.constant 0 : index
    %get3A_0 = arith.constant 0 : index
    %get3A_1 = vector.load %arg0[%get3A, %get3A_0] : memref<10240x128xf32, #tpu.memory_space<vmem>>, vector<10240x128xf32>
    %get3A_2 = arith.constant 0 : index
    %get3A_3 = arith.constant 0 : index
    %get3A_4 = vector.load %arg1[%get3A_2, %get3A_3] : memref<64x128xf32, #tpu.memory_space<vmem>>, vector<64x128xf32>
    %dot_general3A = arith.constant dense<0.000000e+00> : vector<10240x64xf32>
    %dot_general3A_5 = tpu.matmul %get3A_1, %get3A_4, %dot_general3A {dimension_numbers = #tpu.dot_dimension_numbers<[1], [1], [0], [0], [0, 0, 1, 0], [], []>, transpose_lhs_hint = false} : vector<10240x128xf32>, vector<64x128xf32>, vector<10240x64xf32> -> vector<10240x64xf32>
    %get3A_6 = arith.constant 0 : index
    %get3A_7 = arith.constant 0 : index
    %get3A_8 = vector.load %arg2[%get3A_6, %get3A_7] : memref<1x64xf32, #tpu.memory_space<vmem>>, vector<1x64xf32>
    %add3A = vector.broadcast %get3A_8 : vector<1x64xf32> to vector<10240x64xf32>
    %add3A_9 = arith.addf %dot_general3A_5, %add3A : vector<10240x64xf32>
    %gt3A = arith.constant 0.000000e+00 : f32
    %gt3A_10 = vector.broadcast %gt3A : f32 to vector<10240x64xf32>
    %gt3A_11 = arith.cmpf ogt, %add3A_9, %gt3A_10 : vector<10240x64xf32>
    %mul3A = arith.constant 0.00999999977 : f32
    %mul3A_12 = vector.broadcast %mul3A : f32 to vector<10240x64xf32>
    %mul3A_13 = arith.mulf %mul3A_12, %add3A_9 : vector<10240x64xf32>
    %select_n3A = arith.select %gt3A_11, %add3A_9, %mul3A_13 : vector<10240x64xi1>, vector<10240x64xf32>
    %get3A_14 = arith.constant 0 : index
    %get3A_15 = arith.constant 0 : index
    %get3A_16 = vector.load %arg3[%get3A_14, %get3A_15] : memref<128x64xf32, #tpu.memory_space<vmem>>, vector<128x64xf32>
    %dot_general3A_17 = arith.constant dense<0.000000e+00> : vector<10240x128xf32>
    %dot_general3A_18 = tpu.matmul %select_n3A, %get3A_16, %dot_general3A_17 {dimension_numbers = #tpu.dot_dimension_numbers<[1], [1], [0], [0], [0, 0, 1, 0], [], []>, transpose_lhs_hint = false} : vector<10240x64xf32>, vector<128x64xf32>, vector<10240x128xf32> -> vector<10240x128xf32>
    %get3A_19 = arith.constant 0 : index
    %get3A_20 = arith.constant 0 : index
    %get3A_21 = vector.load %arg4[%get3A_19, %get3A_20] : memref<1x128xf32, #tpu.memory_space<vmem>>, vector<1x128xf32>
    %add3A_22 = vector.broadcast %get3A_21 : vector<1x128xf32> to vector<10240x128xf32>
    %add3A_23 = arith.addf %dot_general3A_18, %add3A_22 : vector<10240x128xf32>
    %gt3A_24 = arith.constant 0.000000e+00 : f32
    %gt3A_25 = vector.broadcast %gt3A_24 : f32 to vector<10240x128xf32>
    %gt3A_26 = arith.cmpf ogt, %add3A_23, %gt3A_25 : vector<10240x128xf32>
    %mul3A_27 = arith.constant 0.00999999977 : f32
    %mul3A_28 = vector.broadcast %mul3A_27 : f32 to vector<10240x128xf32>
    %mul3A_29 = arith.mulf %mul3A_28, %add3A_23 : vector<10240x128xf32>
    %select_n3A_30 = arith.select %gt3A_26, %add3A_23, %mul3A_29 : vector<10240x128xi1>, vector<10240x128xf32>
    %swap3A = arith.constant 0 : index
    %swap3A_31 = arith.constant 0 : index
    %swap3A_32 = vector.load %arg5[%swap3A, %swap3A_31] : memref<10240x128xf32, #tpu.memory_space<vmem>>, vector<10240x128xf32>
    tpu.vector_store %arg5[%swap3A, %swap3A_31], %select_n3A_30 {strides = array<i32>} : memref<10240x128xf32, #tpu.memory_space<vmem>>, vector<10240x128xf32>,
    return
  }
}

</mosaic_0001>

<sc_bundles>
// kernel: kernel.12.cloned.1.call-start
scs
__scs_entry_jumppad:
0x0: {  	(pc) =	sbr.rel $0x88, $3  }
0x1: {  	(tag) =	ssettag $0x0;
	lr =	simm.s32 $0x1  }
0x2: {  	[smem:$0x3F96] =	sst lr;
	_ =	strace $0xD0000000  }
0x3: {  	_ = 	snop  }
0x4: {  	_ = 	snop  }
0x5: {  	_ = 	snop  }
0x6: {  	_ = 	snop  }
0x7: {  	_ = 	snop  }
__scs_overlays_trampoline_lowered:
0x8: {  	[smem:$0x3FA5] =	sst s0  }
0x9: {  	[smem:$0x3FA6] =	sst s1  }
0xa: {  	[smem:$0x3FA7] =	sst s2  }
0xb: {  	[smem:$0x3FA8] =	sst s3  }
0xc: {  	[smem:$0x3FA9] =	sst s4  }
0xd: {  	[smem:$0x3FAA] =	sst s5  }
0xe: {  	[smem:$0x3FAB] =	sst s6  }
0xf: {  	[smem:$0x3FAC] =	sst s7  }
0x10: {  	[smem:$0x3FAD] =	sst s8  }
0x11: {  	[smem:$0x3FAE] =	sst s9;
	s0 =	simm.s32 @!p0 $0x0  }
0x12: {  	s1 =	sld [smem:$0x3F94];
	s0 =	simm.s32 @p0 $0x1  }
0x13: {  	[smem:$0x3FAF] =	sst s0;
	s0 =	simm.s32 @!p1 $0x0  }
0x14: {  	s2 =	sld [smem:$0x3F93];
	s0 =	simm.s32 @p1 $0x1  }
0x15: {  	[smem:$0x3FB0] =	sst s0;
	s0 =	simm.s32 @!p2 $0x0  }
0x16: {  	s3 =	sld [smem:$0x3FDB];
	s0 =	simm.s32 @p2 $0x1  }
0x17: {  	s4 =	simm.s32 $0x1BF5;
	[smem:$0x3FB2] =	sst s0  }
0x18: {  	s0 =	sld [smem:$0x3F95];
	_ =	swait.ge [sflag:s4], $0x0  }
0x19: {  	s7 =	sld [smem:$0x3F96]  }
0x1a: {  	s8 =	sadd.s32 $0xFFFFE003, lr  }
0x1b: {  	s9 =	sadd.s32 $0xFFFFFEF7, lr;
	s5 =	simm.s32 $0xFFFFFFFF;
	p2 =	slt.u32 s8, $0xFFFFF086  }
0x1c: {  	p1 =	slt.u32 s9, $0xF7A;
	s5 =	simm.s32 @!p2 $0x0  }
0x1d: {  	s5 =	simm.s32 @p1 $0x1;
	p0 =	seq.s32 s7, s2  }
0x1e: {  	s7 =	smul.u32 @!p0 $0xF7A, s2;
	p2 =	seq.s32 @!p0 s5, $0x0  }
0x1f: {  	s9 =	smul.u32 $0xF7A, s1;
	s8 =	simm.s32 @!p0 $0x1BF5;
	p2 =	por !p2, p0  }
0x20: {  	[sflag:s8] =	ssyncset.s32 @!p0 $0xFFFFF086;
	s6 =	sadd.s32 @!p0 s3, s7;
	s7 =	simm.s32 @!p0 $0x108  }
0x21: {  	s3 =	sadd.s32 s3, s9;
	s6 =	sadd.s32 @!p0 $0x88, s6;
	s7 =	simm.s32 @p2 $0x1082  }
0x22: {  	[simem:s7], [sflag:s8] =	dma.local @!p0 [hbm:s6], $0xF7A  }
0x23: {  	s9 =	sor.u32 $0xD0000000, s2;
	s6 =	simm.s32 $0x108;
	_ =	swait.ge @!p0 [sflag:s8], $0x0  }
0x24: {  	s3 =	sadd.s32 $0x88, s3;
	s6 =	simm.s32 @!p1 $0x1082;
	[sflag:s4] =	ssyncset.s32 $0xFFFFF086  }
0x25: {  	[simem:s6], [sflag:s4] =	dma.local [hbm:s3], $0xF7A  }
0x26: {  	[smem:$0x3F96] =	sst s1;
	(tag) =	ssettag s2;
	_ =	strace s9  }
0x27: {  	s1 =	sld [smem:$0x3FA6]  }
0x28: {  	s2 =	sld [smem:$0x3FA7]  }
0x29: {  	s4 =	sld [smem:$0x3FA9]  }
0x2a: {  	p0 =	seq.s32 s5, $0x0;
	s5 =	sld [smem:$0x3FAA]  }
0x2b: {  	s6 =	sld [smem:$0x3FAB]  }
0x2c: {  	s7 =	sld [smem:$0x3FAC]  }
0x2d: {  	s3 =	simm.s32 $0x108;
	s8 =	sld [smem:$0x3FAD]  }
0x2e: {  	s3 =	simm.s32 @!p0 $0x1082;
	s9 =	sld [smem:$0x3FAE]  }
0x2f: {  	lr =	sadd.s32 s0, s3;
	s0 =	sld [smem:$0x3FA5]  }
0x30: {  	s3 =	sld [smem:$0x3FA8]  }
0x31: {  	[smem:$0x3FB1] =	sst s10  }
0x32: {  	s10 =	sld [smem:$0x3FAF];
	_ =	sdelay $0x3  }
0x33: {  	p0 =	seq.s32 s10, $0x1;
	s10 =	sld [smem:$0x3FB1];
	_ =	sdelay $0x3  }
0x34: {  	[smem:$0x3FB1] =	sst s10  }
0x35: {  	s10 =	sld [smem:$0x3FB0];
	_ =	sdelay $0x3  }
0x36: {  	p1 =	seq.s32 s10, $0x1;
	s10 =	sld [smem:$0x3FB1];
	_ =	sdelay $0x3  }
0x37: {  	[smem:$0x3FB1] =	sst s10  }
0x38: {  	s10 =	sld [smem:$0x3FB2]  }
0x39: {  	_ = 	snop;
	(pc) =	sbr.ind lr, $3  }
0x3a: {  	_ = 	snop  }
0x3b: {  	_ = 	snop  }
0x3c: {  	p2 =	seq.s32 s10, $0x1;
	s10 =	sld [smem:$0x3FB1]  }
0x3d: {  	_ =	shalt  }
0x3e: {  	_ =	shalt  }
0x3f: {  	_ =	shalt  }
0x40: {  	_ =	shalt  }
0x41: {  	_ =	shalt  }
0x42: {  	_ =	shalt  }
0x43: {  	_ =	shalt  }
0x44: {  	_ =	shalt  }
0x45: {  	_ =	shalt  }
0x46: {  	_ =	shalt  }
0x47: {  	_ =	shalt  }
0x48: {  	_ =	shalt  }
0x49: {  	_ =	shalt  }
0x4a: {  	_ =	shalt  }
0x4b: {  	_ =	shalt  }
0x4c: {  	_ =	shalt  }
0x4d: {  	_ =	shalt  }
0x4e: {  	_ =	shalt  }
0x4f: {  	_ =	shalt  }
0x50: {  	_ =	shalt  }
0x51: {  	_ =	shalt  }
0x52: {  	_ =	shalt  }
0x53: {  	_ =	shalt  }
0x54: {  	_ =	shalt  }
0x55: {  	_ =	shalt  }
0x56: {  	_ =	shalt  }
0x57: {  	_ =	shalt  }
0x58: {  	_ =	shalt  }
0x59: {  	_ =	shalt  }
0x5a: {  	_ =	shalt  }
0x5b: {  	_ =	shalt  }
0x5c: {  	_ =	shalt  }
0x5d: {  	_ =	shalt  }
0x5e: {  	_ =	shalt  }
0x5f: {  	_ =	shalt  }
0x60: {  	_ =	shalt  }
0x61: {  	_ =	shalt  }
0x62: {  	_ =	shalt  }
0x63: {  	_ =	shalt  }
0x64: {  	_ =	shalt  }
0x65: {  	_ =	shalt  }
0x66: {  	_ =	shalt  }
0x67: {  	_ =	shalt  }
0x68: {  	_ =	shalt  }
0x69: {  	_ =	shalt  }
0x6a: {  	_ =	shalt  }
0x6b: {  	_ =	shalt  }
0x6c: {  	_ =	shalt  }
0x6d: {  	_ =	shalt  }
0x6e: {  	_ =	shalt  }
0x6f: {  	_ =	shalt  }
0x70: {  	_ =	shalt  }
0x71: {  	_ =	shalt  }
0x72: {  	_ =	shalt  }
0x73: {  	_ =	shalt  }
0x74: {  	_ =	shalt  }
0x75: {  	_ =	shalt  }
0x76: {  	_ =	shalt  }
0x77: {  	_ =	shalt  }
0x78: {  	_ =	shalt  }
0x79: {  	_ =	shalt  }
0x7a: {  	_ =	shalt  }
0x7b: {  	_ =	shalt  }
0x7c: {  	_ =	shalt  }
0x7d: {  	_ =	shalt  }
0x7e: {  	_ =	shalt  }
0x7f: {  	_ =	shalt  }
0x80: {  	_ =	shalt  }
0x81: {  	_ =	shalt  }
0x82: {  	_ =	shalt  }
0x83: {  	_ =	shalt  }
0x84: {  	_ =	shalt  }
0x85: {  	_ =	shalt  }
0x86: {  	_ =	shalt  }
0x87: {  	_ =	shalt  }
.Lfunc_end0:
.L_simem_size_0:
called_computation_lowered:
.L_overlay_start_0:
0x88: {  	s2 =	sld [smem:$0x3FD9]  }
0x89: {  	s3 =	sld [smem:$0x3FFE];
	_ =	sdelay $0x1  }
0x8a: {  	s1 =	srdreg.scid  }
0x8b: {  	s0 =	sand.u32 $0x1, s1  }
0x8c: {  	s17 =	sshll.u32 s0, $0xA;
	s2 =	sadd.s32 s3, s2  }
0x8d: {  	s2 =	sadd.s32 s2, s17  }
0x8e: {  	[smem:$0x3FBD] =	sst s2  }
0x8f: {  	_ = 	snop  }
0x90: {  	s2 =	sld [smem:$0x3FD0];
	(tm) =	ssettm $0x1  }
0x91: {  	s18 =	sld [smem:$0x3FFB];
	_ =	sdelay $0x3  }
0x92: {  	_ =	strace s18  }
0x93: {  	s3 =	sld [smem:$0x3FFC];
	_ =	sdelay $0x3  }
0x94: {  	_ =	strace s3  }
0x95: {  	s3 =	sld [smem:$0x3FFD];
	_ =	sdelay $0x3  }
0x96: {  	_ =	strace s3  }
0x97: {  	_ =	strace $0x8FFFFFFF  }
0x98: {  	s19 =	sld [smem:$0x3FDB];
	_ =	sdelay $0x1  }
0x99: {  	s4 =	simm.s32 $_scs_section_size  }
0x9a: {  	s5 =	simm.s32 $_size__tile_overlayer_lowered;
	s6 =	simm.s32 $_tile_overlayer_lowered  }
0x9b: {  	s22 =	simm.s32 $0x1BFF;
	s21 =	sshll.u32 s6, $0x1;
	s3 =	sadd.s32 s4, s19  }
0x9c: {  	s7 =	simm.s32 $0x0;
	s20 =	sshll.u32 s5, $0x1;
	s5 =	sadd.s32 s21, s3  }
0x9d: {  	[timem:s7], [sflag:s22] =	dma.local [hbm:s5], s20  }
0x9e: {  	_ =	swait.ge [sflag:s22], s20  }
0x9f: {  	s4 =	ssub.s32 $0x0, s20;
	[sflag:s22] =	ssyncset.done $0x0  }
0xa0: {  	[sflag:s22] =	ssyncadd.s32 s4;
	_ =	sdelay $0x1  }
0xa1: {  	s23 =	simm.s32 $0x1B8B  }
0xa2: {  	_ =	swait.ge [sflag:s23], $0x1  }
0xa3: {  	[sflag:s23] =	ssyncset.done $0x0  }
0xa4: {  	s25 =	simm.s32 $0x1B8E;
	s24 =	sld [smem:$0x3FFE];
	[sflag:s23] =	ssyncadd.s32 $0xFFFFFFFF  }
0xa5: {  	s26 =	simm.s32 $execute0_lowered;
	[smem:$0x3FD2] =	sst s25  }
0xa6: {  	s5 =	sshll.u32 s26, $0x1;
	_ =	strace $0x80000046;
	[dreg:$0x1] =	wrdreg $0xFFFFFFFF  }
0xa7: {  	s28 =	simm.s32 $_size_execute0_lowered;
	s3 =	sadd.s32 s3, s5;
	[dreg:$0x0] =	wrdreg $0x0  }
0xa8: {  	s5 =	sshll.u32 s28, $0x1;
	[dreg:$0x2] =	wrdreg s3  }
0xa9: {  	[dreg:$0x3] =	wrdreg s5  }
0xaa: {  	[dreg:$0x4] =	wrdreg $0xC0  }
0xab: {  	_ =	task [dreg:s7], $0x5FFFF  }
0xac: {  	[dreg:$0x1] =	wrdreg $0xFFFFFFFF  }
0xad: {  	[dreg:$0x0] =	wrdreg $0x60  }
0xae: {  	[dreg:$0x2] =	wrdreg s24  }
0xaf: {  	[dreg:$0x3] =	wrdreg s2  }
0xb0: {  	[dreg:$0x4] =	wrdreg $0x61000  }
0xb1: {  	[dreg:$0x5] =	wrdreg $0x9  }
0xb2: {  	_ =	task.clear_ibuf [dreg:s7], $0x6FFFF;
	_ =	strace $0x90000046  }
0xb3: {  	s29 =	simm.s32 $0x9;
	_ =	strace $0x80000048  }
0xb4: {  	_ =	swait.ge [sflag:s29], $0x1  }
0xb5: {  	[sflag:s29] =	ssyncadd.s32 $0xFFFFFFFF  }
0xb6: {  	_ =	strace $0x90000048  }
0xb7: {  	_ =	sfence  }
0xb8: {  	s30 =	sld [smem:$0x0];
	_ =	sdelay $0x2  }
0xb9: {  	s31 =	sshll.u32 s1, $0xD;
	s1 =	sshrl.u32 s1, $0x2  }
0xba: {  	s3 =	sand.u32 $0x4000, s31;
	s1 =	sadd.s32 s1, s30  }
0xbb: {  	s0 =	sor.u32 s3, s0;
	s1 =	sshll.u32 s1, $0x11  }
0xbc: {  	s0 =	sor.u32 s1, s0  }
0xbd: {  	s0 =	sadd.s32 $0x8F2B, s0  }
0xbe: {  	[sflag:s0] =	ssyncadd.remote.s32 $0x1  }
0xbf: {  	_ =	sfence.sel $0xFFFF  }
0xc0: {  	[dreg:$0x0] =	wrdreg $0xFFFFFFFF;
	(pc) =	sbr.abs _section_cstart, $3  }
0xc1: {  	[dreg:$0x1] =	wrdreg $0xFFFFFFFF  }
0xc2: {  	_ =	task.clear_ibuf [dreg:s7], $0x2FFFF;
	_ =	strace $0x9FFFFFFF  }
0xc3: {  	(tm) =	ssettm $0x7FFFFFFF  }
tec
execute0_lowered:
.L_overlay_start_1:
0x0: {  	(tag) =	ssettag $0x1  }
0x1: {  	s5 =	rddreg [dreg:$0x0]  }
0x2: {  	s19 =	rddreg [dreg:$0x1]  }
0x3: {  	s2 =	rddreg [dreg:$0x2]  }
0x4: {  	s0 =	rddreg [dreg:$0x3]  }
0x5: {  	s1 =	stileid.u32;
	s3 =	simm.s32 $0x0;
	s4 =	srdreg.scid  }
0x6: {  	s21 =	simm.s32 $0x2;
	s22 =	simm.s32 $0x80;
	s6 =	smul.u32 $0x1F80, s1  }
0x7: {  	s23 =	simm.s32 $0x100;
	s7 =	sand.u32 $0x1, s4;
	s4 =	smul.u32 $0x2F80, s1  }
0x8: {  	s24 =	simm.s32 $0x1;
	s25 =	simm.s32 $0x0;
	s8 =	smul.u32 $0x2800, s1  }
0x9: {  	[smem:$0x7FF] =	sst s3;
	s30 =	smul.u32 $0x50000, s1;
	p0 =	seq.s32 s7, $0x0  }
0xa: {  	s9 =	smul.u32 $0x28000, s7;
	s7 =	ssub.s32 $0x2, s7;
	s6 =	sadd.s32 $0x2F800, s6  }
0xb: {  	_ =	strace $0x80000047;
	s31 =	sshrl.u32 s7, $0x1;
	s6 =	smov.u32 @p0 s4  }
0xc: {  	s4 =	sadd.s32 $0xCC00, s5;
	s8 =	sadd.s32 s8, s9;
	s17 =	ssub.s32 s7, s31  }
0xd: {  	s20 =	sshrl.u32 s6, $0x3;
	s16 =	sadd.s32 s8, s5;
	s6 =	sshrl.u32 s30, $0x2  }
0xe: {  	s17 =	smax.u32 s17, $0x1;
	s18 =	sadd.s32 s20, s5;
	s5 =	simm.s32 $0x5F  }
0xf: {  	s6 =	sadd.s32 s6, s2;
	s16 =	sadd.s32 $0x5CC00, s16;
	s19 =	sadd.s32 s20, s19  }
0x10: {  	s20 =	simm.s32 $0x4100;
	s5 =	simm.s32 @!p0 $0x3F;
	s7 =	sadd.s32 $0x2000, s6  }
0x11: {  	s8 =	sadd.s32 $0x4000, s6;
	s9 =	sadd.s32 $0x6000, s6;
	s10 =	sadd.s32 $0x8000, s6  }
0x12: {  	s11 =	sadd.s32 $0xA000, s6;
	s12 =	sadd.s32 $0xC000, s6;
	s13 =	sadd.s32 $0xE000, s6  }
0x13: {  	v0 =	vimm.f32 $0.0e+00;
	s14 =	sadd.s32 $0x10000, s6;
	s15 =	sadd.s32 $0x12000, s6;
	s18 =	sadd.s32 $0x2E00, s18  }
.LBB2_1:
0x14: {  	s26 =	simm.s32 $0x0;
	s28 =	simm.s32 $0x200  }
.LBB2_2:
0x15: {  	p0 =	sne.s32 s28, $0x7E00;
	[tilespmem:s26+$0x4170] =	vst v0  }
0x16: {  	[tilespmem:s26+$0x4100] =	vst v0  }
0x17: {  	[tilespmem:s26+$0x4110] =	vst v0  }
.Ltmp0:
0x18: {  	[tilespmem:s26+$0x4120] =	vst v0;
	(pc) =	sbr.rel @p0 .LBB2_2-.Ltmp0, $4  }
0x19: {  	[tilespmem:s26+$0x4130] =	vst v0  }
0x1a: {  	[tilespmem:s26+$0x4140] =	vst v0  }
0x1b: {  	[tilespmem:s26+$0x4150] =	vst v0  }
0x1c: {  	[tilespmem:s26+$0x4160] =	vst v0;
	s26 =	sshra.s32 s28, $0x2;
	s28 =	sadd.s32 $0x200, s28  }
0x1d: {  	[tilespmem:s26+$0x4170] =	vst v0  }
0x1e: {  	[tilespmem:s26+$0x4100] =	vst v0  }
0x1f: {  	[tilespmem:s26+$0x4110] =	vst v0  }
0x20: {  	[tilespmem:s26+$0x4120] =	vst v0  }
0x21: {  	[tilespmem:s26+$0x4130] =	vst v0  }
0x22: {  	[tilespmem:s26+$0x4140] =	vst v0  }
0x23: {  	[tilespmem:s26+$0x4150] =	vst v0  }
0x24: {  	[tilespmem:s26+$0x4160] =	vst v0  }
0x25: {  	[spmem:s6] =	stream.linear.scatter [tilespmem:s20], [sflag:$0x2], $0x2000, $0x38;
	[tilespmem:$0x1A100] =	vst v63  }
0x26: {  	_ =	swait.ge [sflag:s21], $0x2000  }
0x27: {  	[sflag:s21] =	ssyncset.done $0x0  }
0x28: {  	[sflag:s21] =	ssyncadd.s32 $0xFFFFE000  }
0x29: {  	[spmem:s7] =	stream.linear.scatter [tilespmem:s20], [sflag:$0x2], $0x2000, $0x38;
	[tilespmem:$0x1A100] =	vst v63  }
0x2a: {  	_ =	swait.ge [sflag:s21], $0x2000  }
0x2b: {  	[sflag:s21] =	ssyncset.done $0x0  }
0x2c: {  	[sflag:s21] =	ssyncadd.s32 $0xFFFFE000  }
0x2d: {  	[spmem:s8] =	stream.linear.scatter [tilespmem:s20], [sflag:$0x2], $0x2000, $0x38;
	[tilespmem:$0x1A100] =	vst v63  }
0x2e: {  	_ =	swait.ge [sflag:s21], $0x2000  }
0x2f: {  	[sflag:s21] =	ssyncset.done $0x0  }
0x30: {  	[sflag:s21] =	ssyncadd.s32 $0xFFFFE000  }
0x31: {  	[spmem:s9] =	stream.linear.scatter [tilespmem:s20], [sflag:$0x2], $0x2000, $0x38;
	[tilespmem:$0x1A100] =	vst v63  }
0x32: {  	_ =	swait.ge [sflag:s21], $0x2000  }
0x33: {  	[sflag:s21] =	ssyncset.done $0x0  }
0x34: {  	[sflag:s21] =	ssyncadd.s32 $0xFFFFE000  }
0x35: {  	[spmem:s10] =	stream.linear.scatter [tilespmem:s20], [sflag:$0x2], $0x2000, $0x38;
	[tilespmem:$0x1A100] =	vst v63  }
0x36: {  	_ =	swait.ge [sflag:s21], $0x2000  }
0x37: {  	[sflag:s21] =	ssyncset.done $0x0  }
0x38: {  	[sflag:s21] =	ssyncadd.s32 $0xFFFFE000  }
0x39: {  	[spmem:s11] =	stream.linear.scatter [tilespmem:s20], [sflag:$0x2], $0x2000, $0x38;
	[tilespmem:$0x1A100] =	vst v63  }
0x3a: {  	_ =	swait.ge [sflag:s21], $0x2000  }
0x3b: {  	[sflag:s21] =	ssyncset.done $0x0  }
0x3c: {  	[sflag:s21] =	ssyncadd.s32 $0xFFFFE000  }
0x3d: {  	[spmem:s12] =	stream.linear.scatter [tilespmem:s20], [sflag:$0x2], $0x2000, $0x38;
	[tilespmem:$0x1A100] =	vst v63  }
0x3e: {  	_ =	swait.ge [sflag:s21], $0x2000  }
0x3f: {  	[sflag:s21] =	ssyncset.done $0x0  }
0x40: {  	[sflag:s21] =	ssyncadd.s32 $0xFFFFE000  }
0x41: {  	[spmem:s13] =	stream.linear.scatter [tilespmem:s20], [sflag:$0x2], $0x2000, $0x38;
	[tilespmem:$0x1A100] =	vst v63  }
0x42: {  	_ =	swait.ge [sflag:s21], $0x2000  }
0x43: {  	[sflag:s21] =	ssyncset.done $0x0  }
0x44: {  	[sflag:s21] =	ssyncadd.s32 $0xFFFFE000  }
0x45: {  	[spmem:s14] =	stream.linear.scatter [tilespmem:s20], [sflag:$0x2], $0x2000, $0x38;
	[tilespmem:$0x1A100] =	vst v63  }
0x46: {  	_ =	swait.ge [sflag:s21], $0x2000  }
0x47: {  	[sflag:s21] =	ssyncset.done $0x0  }
0x48: {  	[sflag:s21] =	ssyncadd.s32 $0xFFFFE000  }
0x49: {  	[spmem:s15] =	stream.linear.scatter [tilespmem:s20], [sflag:$0x2], $0x2000, $0x38;
	[tilespmem:$0x1A100] =	vst v63  }
0x4a: {  	_ =	swait.ge [sflag:s21], $0x2000  }
0x4b: {  	[sflag:s21] =	ssyncset.done $0x0  }
0x4c: {  	[sflag:s21] =	ssyncadd.s32 $0xFFFFE000  }
0x4d: {  	[bflag:$0x0] =	sbarrier.arrive $0xFFFF  }
0x4e: {  	[tilespmem:s3], [sflag:$0x2] =	stream.linear.gather [hbm4b:s19+s3], $0x80, $0x38;
	[tilespmem:$0x1A100] =	vst v63  }
0x4f: {  	_ =	swait.ge [sflag:s21], $0x80  }
0x50: {  	[sflag:s21] =	ssyncset.done $0x0  }
0x51: {  	[sflag:s21] =	ssyncadd.s32 $0xFFFFFF80  }
0x52: {  	[tilespmem:s22], [sflag:$0x2] =	stream.linear.gather [hbm4b:s18+s3], $0x80, $0x38;
	[tilespmem:$0x1A100] =	vst v63  }
0x53: {  	_ =	swait.ge [sflag:s21], $0x80  }
0x54: {  	[sflag:s21] =	ssyncset.done $0x0  }
0x55: {  	[sflag:s21] =	ssyncadd.s32 $0xFFFFFF80  }
0x56: {  	[tilespmem:s23], [sflag:$0x1] =	stream.indirect.gather [hbm4b:s4+s22], $0x80, s3, s22, $0xb8;
	[tilespmem:$0x1A100] =	vst v63  }
0x57: {  	p0 =	sne.s32 s5, $0x1;
	_ =	swait.ge [sflag:s24], $0x4000  }
.Ltmp1:
0x58: {  	[sflag:s24] =	ssyncset.done $0x0;
	(pc) =	sbr.rel @!p0 .LBB2_5-.Ltmp1, $4  }
0x59: {  	[sflag:s24] =	ssyncadd.s32 $0xFFFFC000  }
0x5a: {  	[spmem:s2] =	stream.indirect.scatter.add.f32 [tilespmem:s23], [sflag:$0x2], $0x80, s22, s22, $0xb8;
	[tilespmem:$0x1A100] =	vst v63  }
0x5b: {  	s26 =	sadd.s32 $0xFFFFFFFF, s5;
	_ =	swait.ge [sflag:s21], $0x4000  }
0x5c: {  	s28 =	smov.u32 s18;
	s29 =	smov.u32 s19;
	[sflag:s21] =	ssyncset.done $0x0  }
.LBB2_4:
0x5d: {  	[sflag:s21] =	ssyncadd.s32 $0xFFFFC000;
	s28 =	sadd.s32 $0x10, s28;
	s29 =	sadd.s32 $0x10, s29  }
0x5e: {  	[tilespmem:s3], [sflag:$0x2] =	stream.linear.gather [hbm4b:s29+s3], $0x80, $0x38;
	[tilespmem:$0x1A100] =	vst v63  }
0x5f: {  	p0 =	sne.s32 s26, $0x1;
	s26 =	sadd.s32 $0xFFFFFFFF, s26;
	_ =	swait.ge [sflag:s21], $0x80  }
0x60: {  	[sflag:s21] =	ssyncset.done $0x0  }
0x61: {  	[sflag:s21] =	ssyncadd.s32 $0xFFFFFF80  }
0x62: {  	[tilespmem:s22], [sflag:$0x2] =	stream.linear.gather [hbm4b:s28+s3], $0x80, $0x38;
	[tilespmem:$0x1A100] =	vst v63  }
0x63: {  	_ =	swait.ge [sflag:s21], $0x80  }
0x64: {  	[sflag:s21] =	ssyncset.done $0x0  }
0x65: {  	[sflag:s21] =	ssyncadd.s32 $0xFFFFFF80  }
0x66: {  	[tilespmem:s23], [sflag:$0x1] =	stream.indirect.gather [hbm4b:s4+s22], $0x80, s3, s22, $0xb8;
	[tilespmem:$0x1A100] =	vst v63  }
0x67: {  	_ =	swait.ge [sflag:s24], $0x4000  }
.Ltmp2:
0x68: {  	[sflag:s24] =	ssyncset.done $0x0;
	(pc) =	sbr.rel @p0 .LBB2_4-.Ltmp2, $4  }
0x69: {  	[sflag:s24] =	ssyncadd.s32 $0xFFFFC000  }
0x6a: {  	[spmem:s2] =	stream.indirect.scatter.add.f32 [tilespmem:s23], [sflag:$0x2], $0x80, s22, s22, $0xb8;
	[tilespmem:$0x1A100] =	vst v63  }
0x6b: {  	_ =	swait.ge [sflag:s21], $0x4000  }
0x6c: {  	[sflag:s21] =	ssyncset.done $0x0  }
.LBB2_5:
0x6d: {  	[sflag:s21] =	ssyncadd.s32 $0xFFFFC000;
	s25 =	sadd.s32 $0x1, s25  }
0x6e: {  	s26 =	sshll.u32 s1, $0x6;
	s28 =	sshrl.u32 s6, $0x3;
	p0 =	sne.s32 s25, s17  }
.Ltmp3:
0x6f: {  	[bflag:$0x0] =	sbarrier.arrive $0xFFFF;
	s26 =	sor.u32 $0x1C02, s26;
	(pc) =	sbr.rel @p0 .LBB2_1-.Ltmp3, $4  }
0x70: {  	[hbm:s16], [sflag:s26] =	dma.local [spmem:s28], $0x2800  }
0x71: {  	_ =	swait.ge [sflag:s21], $0x2800  }
0x72: {  	[sflag:s21] =	ssyncset.done $0x0  }
0x73: {  	[sflag:s21] =	ssyncadd.s32 $0xFFFFD800  }
0x74: {  	_ =	sfence.sel $0x180000  }
0x75: {  	[bflag:$0x0] =	sbarrier.arrive $0xFFFF  }
0x76: {  	p0 =	sne.s32 s1, $0x0;
	_ =	strace $0x90000047  }
0x77: {  	s0 =	sadd.s32 @!p0 $0x100000, s0;
	[bflag:$0x2] =	sbarrier.arrive $0xFFFF  }
0x78: {  	[sflag:s0] =	ssyncadd.tile.s32 @!p0 $0x1;
	_ =	shalt  }
.Lfunc_end2:
_tile_overlayer_lowered:
.L_overlay_start_2:
0x79: {  	(tag) =	ssettag $0x2  }
0x7a: {  	s0 =	rddreg [dreg:$0x0];
	s2 =	stileid.u32  }
0x7b: {  	s1 =	rddreg [dreg:$0x1];
	p0 =	sne.s32 s2, $0x0  }
0x7c: {  	s3 =	rddreg [dreg:$0x2];
	[bflag:$0x3] =	sbarrier.arrive $0xFFFF;
	s2 =	simm.s32 @!p0 $0x1C02  }
0x7d: {  	[timem:s3], [sflag:s2] =	dma.local @!p0 [hbm:s0], s1  }
0x7e: {  	s0 =	simm.s32 @!p0 $0x2  }
0x7f: {  	_ =	swait.ge @!p0 [sflag:s0], s1  }
0x80: {  	s1 =	ssub.s32 @!p0 $0x0, s1;
	[sflag:s0] =	ssyncset.done @!p0 $0x0  }
0x81: {  	[sflag:s0] =	ssyncadd.s32 @!p0 s1  }
0x82: {  	[bflag:$0x3] =	sbarrier.arrive $0xFFFF  }
0x83: {  	_ =	shalt  }

// kernel: kernel.15.cloned.1.call-start
scs
__scs_entry_jumppad:
0x0: {  	(pc) =	sbr.rel $0x88, $3  }
0x1: {  	(tag) =	ssettag $0x0;
	lr =	simm.s32 $0x1  }
0x2: {  	[smem:$0x3F96] =	sst lr;
	_ =	strace $0xD0000000  }
0x3: {  	_ = 	snop  }
0x4: {  	_ = 	snop  }
0x5: {  	_ = 	snop  }
0x6: {  	_ = 	snop  }
0x7: {  	_ = 	snop  }
__scs_overlays_trampoline_lowered:
0x8: {  	[smem:$0x3FA5] =	sst s0  }
0x9: {  	[smem:$0x3FA6] =	sst s1  }
0xa: {  	[smem:$0x3FA7] =	sst s2  }
0xb: {  	[smem:$0x3FA8] =	sst s3  }
0xc: {  	[smem:$0x3FA9] =	sst s4  }
0xd: {  	[smem:$0x3FAA] =	sst s5  }
0xe: {  	[smem:$0x3FAB] =	sst s6  }
0xf: {  	[smem:$0x3FAC] =	sst s7  }
0x10: {  	[smem:$0x3FAD] =	sst s8  }
0x11: {  	[smem:$0x3FAE] =	sst s9;
	s0 =	simm.s32 @!p0 $0x0  }
0x12: {  	s1 =	sld [smem:$0x3F94];
	s0 =	simm.s32 @p0 $0x1  }
0x13: {  	[smem:$0x3FAF] =	sst s0;
	s0 =	simm.s32 @!p1 $0x0  }
0x14: {  	s2 =	sld [smem:$0x3F93];
	s0 =	simm.s32 @p1 $0x1  }
0x15: {  	[smem:$0x3FB0] =	sst s0;
	s0 =	simm.s32 @!p2 $0x0  }
0x16: {  	s3 =	sld [smem:$0x3FDB];
	s0 =	simm.s32 @p2 $0x1  }
0x17: {  	s4 =	simm.s32 $0x1BF5;
	[smem:$0x3FB2] =	sst s0  }
0x18: {  	s0 =	sld [smem:$0x3F95];
	_ =	swait.ge [sflag:s4], $0x0  }
0x19: {  	s7 =	sld [smem:$0x3F96]  }
0x1a: {  	s8 =	sadd.s32 $0xFFFFE003, lr  }
0x1b: {  	s9 =	sadd.s32 $0xFFFFFEF7, lr;
	s5 =	simm.s32 $0xFFFFFFFF;
	p2 =	slt.u32 s8, $0xFFFFF086  }
0x1c: {  	p1 =	slt.u32 s9, $0xF7A;
	s5 =	simm.s32 @!p2 $0x0  }
0x1d: {  	s5 =	simm.s32 @p1 $0x1;
	p0 =	seq.s32 s7, s2  }
0x1e: {  	s7 =	smul.u32 @!p0 $0xF7A, s2;
	p2 =	seq.s32 @!p0 s5, $0x0  }
0x1f: {  	s9 =	smul.u32 $0xF7A, s1;
	s8 =	simm.s32 @!p0 $0x1BF5;
	p2 =	por !p2, p0  }
0x20: {  	[sflag:s8] =	ssyncset.s32 @!p0 $0xFFFFF086;
	s6 =	sadd.s32 @!p0 s3, s7;
	s7 =	simm.s32 @!p0 $0x108  }
0x21: {  	s3 =	sadd.s32 s3, s9;
	s6 =	sadd.s32 @!p0 $0x88, s6;
	s7 =	simm.s32 @p2 $0x1082  }
0x22: {  	[simem:s7], [sflag:s8] =	dma.local @!p0 [hbm:s6], $0xF7A  }
0x23: {  	s9 =	sor.u32 $0xD0000000, s2;
	s6 =	simm.s32 $0x108;
	_ =	swait.ge @!p0 [sflag:s8], $0x0  }
0x24: {  	s3 =	sadd.s32 $0x88, s3;
	s6 =	simm.s32 @!p1 $0x1082;
	[sflag:s4] =	ssyncset.s32 $0xFFFFF086  }
0x25: {  	[simem:s6], [sflag:s4] =	dma.local [hbm:s3], $0xF7A  }
0x26: {  	[smem:$0x3F96] =	sst s1;
	(tag) =	ssettag s2;
	_ =	strace s9  }
0x27: {  	s1 =	sld [smem:$0x3FA6]  }
0x28: {  	s2 =	sld [smem:$0x3FA7]  }
0x29: {  	s4 =	sld [smem:$0x3FA9]  }
0x2a: {  	p0 =	seq.s32 s5, $0x0;
	s5 =	sld [smem:$0x3FAA]  }
0x2b: {  	s6 =	sld [smem:$0x3FAB]  }
0x2c: {  	s7 =	sld [smem:$0x3FAC]  }
0x2d: {  	s3 =	simm.s32 $0x108;
	s8 =	sld [smem:$0x3FAD]  }
0x2e: {  	s3 =	simm.s32 @!p0 $0x1082;
	s9 =	sld [smem:$0x3FAE]  }
0x2f: {  	lr =	sadd.s32 s0, s3;
	s0 =	sld [smem:$0x3FA5]  }
0x30: {  	s3 =	sld [smem:$0x3FA8]  }
0x31: {  	[smem:$0x3FB1] =	sst s10  }
0x32: {  	s10 =	sld [smem:$0x3FAF];
	_ =	sdelay $0x3  }
0x33: {  	p0 =	seq.s32 s10, $0x1;
	s10 =	sld [smem:$0x3FB1];
	_ =	sdelay $0x3  }
0x34: {  	[smem:$0x3FB1] =	sst s10  }
0x35: {  	s10 =	sld [smem:$0x3FB0];
	_ =	sdelay $0x3  }
0x36: {  	p1 =	seq.s32 s10, $0x1;
	s10 =	sld [smem:$0x3FB1];
	_ =	sdelay $0x3  }
0x37: {  	[smem:$0x3FB1] =	sst s10  }
0x38: {  	s10 =	sld [smem:$0x3FB2]  }
0x39: {  	_ = 	snop;
	(pc) =	sbr.ind lr, $3  }
0x3a: {  	_ = 	snop  }
0x3b: {  	_ = 	snop  }
0x3c: {  	p2 =	seq.s32 s10, $0x1;
	s10 =	sld [smem:$0x3FB1]  }
0x3d: {  	_ =	shalt  }
0x3e: {  	_ =	shalt  }
0x3f: {  	_ =	shalt  }
0x40: {  	_ =	shalt  }
0x41: {  	_ =	shalt  }
0x42: {  	_ =	shalt  }
0x43: {  	_ =	shalt  }
0x44: {  	_ =	shalt  }
0x45: {  	_ =	shalt  }
0x46: {  	_ =	shalt  }
0x47: {  	_ =	shalt  }
0x48: {  	_ =	shalt  }
0x49: {  	_ =	shalt  }
0x4a: {  	_ =	shalt  }
0x4b: {  	_ =	shalt  }
0x4c: {  	_ =	shalt  }
0x4d: {  	_ =	shalt  }
0x4e: {  	_ =	shalt  }
0x4f: {  	_ =	shalt  }
0x50: {  	_ =	shalt  }
0x51: {  	_ =	shalt  }
0x52: {  	_ =	shalt  }
0x53: {  	_ =	shalt  }
0x54: {  	_ =	shalt  }
0x55: {  	_ =	shalt  }
0x56: {  	_ =	shalt  }
0x57: {  	_ =	shalt  }
0x58: {  	_ =	shalt  }
0x59: {  	_ =	shalt  }
0x5a: {  	_ =	shalt  }
0x5b: {  	_ =	shalt  }
0x5c: {  	_ =	shalt  }
0x5d: {  	_ =	shalt  }
0x5e: {  	_ =	shalt  }
0x5f: {  	_ =	shalt  }
0x60: {  	_ =	shalt  }
0x61: {  	_ =	shalt  }
0x62: {  	_ =	shalt  }
0x63: {  	_ =	shalt  }
0x64: {  	_ =	shalt  }
0x65: {  	_ =	shalt  }
0x66: {  	_ =	shalt  }
0x67: {  	_ =	shalt  }
0x68: {  	_ =	shalt  }
0x69: {  	_ =	shalt  }
0x6a: {  	_ =	shalt  }
0x6b: {  	_ =	shalt  }
0x6c: {  	_ =	shalt  }
0x6d: {  	_ =	shalt  }
0x6e: {  	_ =	shalt  }
0x6f: {  	_ =	shalt  }
0x70: {  	_ =	shalt  }
0x71: {  	_ =	shalt  }
0x72: {  	_ =	shalt  }
0x73: {  	_ =	shalt  }
0x74: {  	_ =	shalt  }
0x75: {  	_ =	shalt  }
0x76: {  	_ =	shalt  }
0x77: {  	_ =	shalt  }
0x78: {  	_ =	shalt  }
0x79: {  	_ =	shalt  }
0x7a: {  	_ =	shalt  }
0x7b: {  	_ =	shalt  }
0x7c: {  	_ =	shalt  }
0x7d: {  	_ =	shalt  }
0x7e: {  	_ =	shalt  }
0x7f: {  	_ =	shalt  }
0x80: {  	_ =	shalt  }
0x81: {  	_ =	shalt  }
0x82: {  	_ =	shalt  }
0x83: {  	_ =	shalt  }
0x84: {  	_ =	shalt  }
0x85: {  	_ =	shalt  }
0x86: {  	_ =	shalt  }
0x87: {  	_ =	shalt  }
.Lfunc_end0:
.L_simem_size_0:
called_computation.1_lowered:
.L_overlay_start_0:
0x88: {  	s2 =	sld [smem:$0x3FD9]  }
0x89: {  	s3 =	sld [smem:$0x3FFE];
	_ =	sdelay $0x1  }
0x8a: {  	s1 =	srdreg.scid  }
0x8b: {  	s0 =	sand.u32 $0x1, s1  }
0x8c: {  	s17 =	sshll.u32 s0, $0xA;
	s2 =	sadd.s32 s3, s2  }
0x8d: {  	s2 =	sadd.s32 s2, s17  }
0x8e: {  	[smem:$0x3FBD] =	sst s2  }
0x8f: {  	_ = 	snop  }
0x90: {  	s2 =	sld [smem:$0x3FD0];
	(tm) =	ssettm $0x1  }
0x91: {  	s18 =	sld [smem:$0x3FFB];
	_ =	sdelay $0x3  }
0x92: {  	_ =	strace s18  }
0x93: {  	s3 =	sld [smem:$0x3FFC];
	_ =	sdelay $0x3  }
0x94: {  	_ =	strace s3  }
0x95: {  	s3 =	sld [smem:$0x3FFD];
	_ =	sdelay $0x3  }
0x96: {  	_ =	strace s3  }
0x97: {  	_ =	strace $0x8FFFFFFF  }
0x98: {  	s19 =	sld [smem:$0x3FDB];
	_ =	sdelay $0x1  }
0x99: {  	s4 =	simm.s32 $_scs_section_size  }
0x9a: {  	s5 =	simm.s32 $_size__tile_overlayer_lowered;
	s6 =	simm.s32 $_tile_overlayer_lowered  }
0x9b: {  	s22 =	simm.s32 $0x1BFF;
	s21 =	sshll.u32 s6, $0x1;
	s3 =	sadd.s32 s4, s19  }
0x9c: {  	s7 =	simm.s32 $0x0;
	s20 =	sshll.u32 s5, $0x1;
	s5 =	sadd.s32 s21, s3  }
0x9d: {  	[timem:s7], [sflag:s22] =	dma.local [hbm:s5], s20  }
0x9e: {  	_ =	swait.ge [sflag:s22], s20  }
0x9f: {  	s4 =	ssub.s32 $0x0, s20;
	[sflag:s22] =	ssyncset.done $0x0  }
0xa0: {  	[sflag:s22] =	ssyncadd.s32 s4;
	_ =	sdelay $0x1  }
0xa1: {  	s23 =	simm.s32 $0x1B8B  }
0xa2: {  	_ =	swait.ge [sflag:s23], $0x1  }
0xa3: {  	[sflag:s23] =	ssyncset.done $0x0  }
0xa4: {  	s25 =	simm.s32 $0x1B8E;
	s24 =	sld [smem:$0x3FFE];
	[sflag:s23] =	ssyncadd.s32 $0xFFFFFFFF  }
0xa5: {  	s26 =	simm.s32 $execute0_lowered;
	[smem:$0x3FD2] =	sst s25  }
0xa6: {  	s5 =	sshll.u32 s26, $0x1;
	_ =	strace $0x80000049;
	[dreg:$0x1] =	wrdreg $0xFFFFFFFF  }
0xa7: {  	s28 =	simm.s32 $_size_execute0_lowered;
	s3 =	sadd.s32 s3, s5;
	[dreg:$0x0] =	wrdreg $0x0  }
0xa8: {  	s5 =	sshll.u32 s28, $0x1;
	[dreg:$0x2] =	wrdreg s3  }
0xa9: {  	[dreg:$0x3] =	wrdreg s5  }
0xaa: {  	[dreg:$0x4] =	wrdreg $0xC0  }
0xab: {  	_ =	task [dreg:s7], $0x5FFFF  }
0xac: {  	[dreg:$0x1] =	wrdreg $0xFFFFFFFF  }
0xad: {  	[dreg:$0x0] =	wrdreg $0x60  }
0xae: {  	[dreg:$0x2] =	wrdreg s24  }
0xaf: {  	[dreg:$0x3] =	wrdreg s2  }
0xb0: {  	[dreg:$0x4] =	wrdreg $0x61000  }
0xb1: {  	[dreg:$0x5] =	wrdreg $0x9  }
0xb2: {  	_ =	task.clear_ibuf [dreg:s7], $0x6FFFF;
	_ =	strace $0x90000049  }
0xb3: {  	s29 =	simm.s32 $0x9;
	_ =	strace $0x8000004B  }
0xb4: {  	_ =	swait.ge [sflag:s29], $0x1  }
0xb5: {  	[sflag:s29] =	ssyncadd.s32 $0xFFFFFFFF  }
0xb6: {  	_ =	strace $0x9000004B  }
0xb7: {  	_ =	sfence  }
0xb8: {  	s30 =	sld [smem:$0x0];
	_ =	sdelay $0x2  }
0xb9: {  	s31 =	sshll.u32 s1, $0xD;
	s1 =	sshrl.u32 s1, $0x2  }
0xba: {  	s3 =	sand.u32 $0x4000, s31;
	s1 =	sadd.s32 s1, s30  }
0xbb: {  	s0 =	sor.u32 s3, s0;
	s1 =	sshll.u32 s1, $0x11  }
0xbc: {  	s0 =	sor.u32 s1, s0  }
0xbd: {  	s0 =	sadd.s32 $0x8F2B, s0  }
0xbe: {  	[sflag:s0] =	ssyncadd.remote.s32 $0x1  }
0xbf: {  	_ =	sfence.sel $0xFFFF  }
0xc0: {  	[dreg:$0x0] =	wrdreg $0xFFFFFFFF;
	(pc) =	sbr.abs _section_cstart, $3  }
0xc1: {  	[dreg:$0x1] =	wrdreg $0xFFFFFFFF  }
0xc2: {  	_ =	task.clear_ibuf [dreg:s7], $0x2FFFF;
	_ =	strace $0x9FFFFFFF  }
0xc3: {  	(tm) =	ssettm $0x7FFFFFFF  }
tec
execute0_lowered:
.L_overlay_start_1:
0x0: {  	(tag) =	ssettag $0x1  }
0x1: {  	s5 =	rddreg [dreg:$0x0]  }
0x2: {  	s19 =	rddreg [dreg:$0x1]  }
0x3: {  	s2 =	rddreg [dreg:$0x2]  }
0x4: {  	s0 =	rddreg [dreg:$0x3]  }
0x5: {  	s1 =	stileid.u32;
	s3 =	simm.s32 $0x0;
	s4 =	srdreg.scid  }
0x6: {  	s21 =	simm.s32 $0x2;
	s22 =	simm.s32 $0x80;
	s6 =	smul.u32 $0x1F80, s1  }
0x7: {  	s23 =	simm.s32 $0x100;
	s7 =	sand.u32 $0x1, s4;
	s4 =	smul.u32 $0x2F80, s1  }
0x8: {  	s24 =	simm.s32 $0x1;
	s25 =	simm.s32 $0x0;
	s8 =	smul.u32 $0x2800, s1  }
0x9: {  	[smem:$0x7FF] =	sst s3;
	s30 =	smul.u32 $0x50000, s1;
	p0 =	seq.s32 s7, $0x0  }
0xa: {  	s9 =	smul.u32 $0x28000, s7;
	s7 =	ssub.s32 $0x2, s7;
	s6 =	sadd.s32 $0x2F800, s6  }
0xb: {  	_ =	strace $0x8000004A;
	s31 =	sshrl.u32 s7, $0x1;
	s6 =	smov.u32 @p0 s4  }
0xc: {  	s4 =	sadd.s32 $0xCC00, s5;
	s8 =	sadd.s32 s8, s9;
	s17 =	ssub.s32 s7, s31  }
0xd: {  	s20 =	sshrl.u32 s6, $0x3;
	s16 =	sadd.s32 s8, s5;
	s6 =	sshrl.u32 s30, $0x2  }
0xe: {  	s17 =	smax.u32 s17, $0x1;
	s18 =	sadd.s32 s20, s5;
	s5 =	simm.s32 $0x5F  }
0xf: {  	s6 =	sadd.s32 s6, s2;
	s16 =	sadd.s32 $0x5CC00, s16;
	s19 =	sadd.s32 s20, s19  }
0x10: {  	s20 =	simm.s32 $0x4100;
	s5 =	simm.s32 @!p0 $0x3F;
	s7 =	sadd.s32 $0x2000, s6  }
0x11: {  	s8 =	sadd.s32 $0x4000, s6;
	s9 =	sadd.s32 $0x6000, s6;
	s10 =	sadd.s32 $0x8000, s6  }
0x12: {  	s11 =	sadd.s32 $0xA000, s6;
	s12 =	sadd.s32 $0xC000, s6;
	s13 =	sadd.s32 $0xE000, s6  }
0x13: {  	v0 =	vimm.f32 $0.0e+00;
	s14 =	sadd.s32 $0x10000, s6;
	s15 =	sadd.s32 $0x12000, s6;
	s18 =	sadd.s32 $0x2E00, s18  }
.LBB2_1:
0x14: {  	s26 =	simm.s32 $0x0;
	s28 =	simm.s32 $0x200  }
.LBB2_2:
0x15: {  	p0 =	sne.s32 s28, $0x7E00;
	[tilespmem:s26+$0x4170] =	vst v0  }
0x16: {  	[tilespmem:s26+$0x4100] =	vst v0  }
0x17: {  	[tilespmem:s26+$0x4110] =	vst v0  }
.Ltmp0:
0x18: {  	[tilespmem:s26+$0x4120] =	vst v0;
	(pc) =	sbr.rel @p0 .LBB2_2-.Ltmp0, $4  }
0x19: {  	[tilespmem:s26+$0x4130] =	vst v0  }
0x1a: {  	[tilespmem:s26+$0x4140] =	vst v0  }
0x1b: {  	[tilespmem:s26+$0x4150] =	vst v0  }
0x1c: {  	[tilespmem:s26+$0x4160] =	vst v0;
	s26 =	sshra.s32 s28, $0x2;
	s28 =	sadd.s32 $0x200, s28  }
0x1d: {  	[tilespmem:s26+$0x4170] =	vst v0  }
0x1e: {  	[tilespmem:s26+$0x4100] =	vst v0  }
0x1f: {  	[tilespmem:s26+$0x4110] =	vst v0  }
0x20: {  	[tilespmem:s26+$0x4120] =	vst v0  }
0x21: {  	[tilespmem:s26+$0x4130] =	vst v0  }
0x22: {  	[tilespmem:s26+$0x4140] =	vst v0  }
0x23: {  	[tilespmem:s26+$0x4150] =	vst v0  }
0x24: {  	[tilespmem:s26+$0x4160] =	vst v0  }
0x25: {  	[spmem:s6] =	stream.linear.scatter [tilespmem:s20], [sflag:$0x2], $0x2000, $0x38;
	[tilespmem:$0x1A100] =	vst v63  }
0x26: {  	_ =	swait.ge [sflag:s21], $0x2000  }
0x27: {  	[sflag:s21] =	ssyncset.done $0x0  }
0x28: {  	[sflag:s21] =	ssyncadd.s32 $0xFFFFE000  }
0x29: {  	[spmem:s7] =	stream.linear.scatter [tilespmem:s20], [sflag:$0x2], $0x2000, $0x38;
	[tilespmem:$0x1A100] =	vst v63  }
0x2a: {  	_ =	swait.ge [sflag:s21], $0x2000  }
0x2b: {  	[sflag:s21] =	ssyncset.done $0x0  }
0x2c: {  	[sflag:s21] =	ssyncadd.s32 $0xFFFFE000  }
0x2d: {  	[spmem:s8] =	stream.linear.scatter [tilespmem:s20], [sflag:$0x2], $0x2000, $0x38;
	[tilespmem:$0x1A100] =	vst v63  }
0x2e: {  	_ =	swait.ge [sflag:s21], $0x2000  }
0x2f: {  	[sflag:s21] =	ssyncset.done $0x0  }
0x30: {  	[sflag:s21] =	ssyncadd.s32 $0xFFFFE000  }
0x31: {  	[spmem:s9] =	stream.linear.scatter [tilespmem:s20], [sflag:$0x2], $0x2000, $0x38;
	[tilespmem:$0x1A100] =	vst v63  }
0x32: {  	_ =	swait.ge [sflag:s21], $0x2000  }
0x33: {  	[sflag:s21] =	ssyncset.done $0x0  }
0x34: {  	[sflag:s21] =	ssyncadd.s32 $0xFFFFE000  }
0x35: {  	[spmem:s10] =	stream.linear.scatter [tilespmem:s20], [sflag:$0x2], $0x2000, $0x38;
	[tilespmem:$0x1A100] =	vst v63  }
0x36: {  	_ =	swait.ge [sflag:s21], $0x2000  }
0x37: {  	[sflag:s21] =	ssyncset.done $0x0  }
0x38: {  	[sflag:s21] =	ssyncadd.s32 $0xFFFFE000  }
0x39: {  	[spmem:s11] =	stream.linear.scatter [tilespmem:s20], [sflag:$0x2], $0x2000, $0x38;
	[tilespmem:$0x1A100] =	vst v63  }
0x3a: {  	_ =	swait.ge [sflag:s21], $0x2000  }
0x3b: {  	[sflag:s21] =	ssyncset.done $0x0  }
0x3c: {  	[sflag:s21] =	ssyncadd.s32 $0xFFFFE000  }
0x3d: {  	[spmem:s12] =	stream.linear.scatter [tilespmem:s20], [sflag:$0x2], $0x2000, $0x38;
	[tilespmem:$0x1A100] =	vst v63  }
0x3e: {  	_ =	swait.ge [sflag:s21], $0x2000  }
0x3f: {  	[sflag:s21] =	ssyncset.done $0x0  }
0x40: {  	[sflag:s21] =	ssyncadd.s32 $0xFFFFE000  }
0x41: {  	[spmem:s13] =	stream.linear.scatter [tilespmem:s20], [sflag:$0x2], $0x2000, $0x38;
	[tilespmem:$0x1A100] =	vst v63  }
0x42: {  	_ =	swait.ge [sflag:s21], $0x2000  }
0x43: {  	[sflag:s21] =	ssyncset.done $0x0  }
0x44: {  	[sflag:s21] =	ssyncadd.s32 $0xFFFFE000  }
0x45: {  	[spmem:s14] =	stream.linear.scatter [tilespmem:s20], [sflag:$0x2], $0x2000, $0x38;
	[tilespmem:$0x1A100] =	vst v63  }
0x46: {  	_ =	swait.ge [sflag:s21], $0x2000  }
0x47: {  	[sflag:s21] =	ssyncset.done $0x0  }
0x48: {  	[sflag:s21] =	ssyncadd.s32 $0xFFFFE000  }
0x49: {  	[spmem:s15] =	stream.linear.scatter [tilespmem:s20], [sflag:$0x2], $0x2000, $0x38;
	[tilespmem:$0x1A100] =	vst v63  }
0x4a: {  	_ =	swait.ge [sflag:s21], $0x2000  }
0x4b: {  	[sflag:s21] =	ssyncset.done $0x0  }
0x4c: {  	[sflag:s21] =	ssyncadd.s32 $0xFFFFE000  }
0x4d: {  	[bflag:$0x0] =	sbarrier.arrive $0xFFFF  }
0x4e: {  	[tilespmem:s3], [sflag:$0x2] =	stream.linear.gather [hbm4b:s19+s3], $0x80, $0x38;
	[tilespmem:$0x1A100] =	vst v63  }
0x4f: {  	_ =	swait.ge [sflag:s21], $0x80  }
0x50: {  	[sflag:s21] =	ssyncset.done $0x0  }
0x51: {  	[sflag:s21] =	ssyncadd.s32 $0xFFFFFF80  }
0x52: {  	[tilespmem:s22], [sflag:$0x2] =	stream.linear.gather [hbm4b:s18+s3], $0x80, $0x38;
	[tilespmem:$0x1A100] =	vst v63  }
0x53: {  	_ =	swait.ge [sflag:s21], $0x80  }
0x54: {  	[sflag:s21] =	ssyncset.done $0x0  }
0x55: {  	[sflag:s21] =	ssyncadd.s32 $0xFFFFFF80  }
0x56: {  	[tilespmem:s23], [sflag:$0x1] =	stream.indirect.gather [hbm4b:s4+s22], $0x80, s3, s22, $0xb8;
	[tilespmem:$0x1A100] =	vst v63  }
0x57: {  	p0 =	sne.s32 s5, $0x1;
	_ =	swait.ge [sflag:s24], $0x4000  }
.Ltmp1:
0x58: {  	[sflag:s24] =	ssyncset.done $0x0;
	(pc) =	sbr.rel @!p0 .LBB2_5-.Ltmp1, $4  }
0x59: {  	[sflag:s24] =	ssyncadd.s32 $0xFFFFC000  }
0x5a: {  	[spmem:s2] =	stream.indirect.scatter.add.f32 [tilespmem:s23], [sflag:$0x2], $0x80, s22, s22, $0xb8;
	[tilespmem:$0x1A100] =	vst v63  }
0x5b: {  	s26 =	sadd.s32 $0xFFFFFFFF, s5;
	_ =	swait.ge [sflag:s21], $0x4000  }
0x5c: {  	s28 =	smov.u32 s18;
	s29 =	smov.u32 s19;
	[sflag:s21] =	ssyncset.done $0x0  }
.LBB2_4:
0x5d: {  	[sflag:s21] =	ssyncadd.s32 $0xFFFFC000;
	s28 =	sadd.s32 $0x10, s28;
	s29 =	sadd.s32 $0x10, s29  }
0x5e: {  	[tilespmem:s3], [sflag:$0x2] =	stream.linear.gather [hbm4b:s29+s3], $0x80, $0x38;
	[tilespmem:$0x1A100] =	vst v63  }
0x5f: {  	p0 =	sne.s32 s26, $0x1;
	s26 =	sadd.s32 $0xFFFFFFFF, s26;
	_ =	swait.ge [sflag:s21], $0x80  }
0x60: {  	[sflag:s21] =	ssyncset.done $0x0  }
0x61: {  	[sflag:s21] =	ssyncadd.s32 $0xFFFFFF80  }
0x62: {  	[tilespmem:s22], [sflag:$0x2] =	stream.linear.gather [hbm4b:s28+s3], $0x80, $0x38;
	[tilespmem:$0x1A100] =	vst v63  }
0x63: {  	_ =	swait.ge [sflag:s21], $0x80  }
0x64: {  	[sflag:s21] =	ssyncset.done $0x0  }
0x65: {  	[sflag:s21] =	ssyncadd.s32 $0xFFFFFF80  }
0x66: {  	[tilespmem:s23], [sflag:$0x1] =	stream.indirect.gather [hbm4b:s4+s22], $0x80, s3, s22, $0xb8;
	[tilespmem:$0x1A100] =	vst v63  }
0x67: {  	_ =	swait.ge [sflag:s24], $0x4000  }
.Ltmp2:
0x68: {  	[sflag:s24] =	ssyncset.done $0x0;
	(pc) =	sbr.rel @p0 .LBB2_4-.Ltmp2, $4  }
0x69: {  	[sflag:s24] =	ssyncadd.s32 $0xFFFFC000  }
0x6a: {  	[spmem:s2] =	stream.indirect.scatter.add.f32 [tilespmem:s23], [sflag:$0x2], $0x80, s22, s22, $0xb8;
	[tilespmem:$0x1A100] =	vst v63  }
0x6b: {  	_ =	swait.ge [sflag:s21], $0x4000  }
0x6c: {  	[sflag:s21] =	ssyncset.done $0x0  }
.LBB2_5:
0x6d: {  	[sflag:s21] =	ssyncadd.s32 $0xFFFFC000;
	s25 =	sadd.s32 $0x1, s25  }
0x6e: {  	s26 =	sshll.u32 s1, $0x6;
	s28 =	sshrl.u32 s6, $0x3;
	p0 =	sne.s32 s25, s17  }
.Ltmp3:
0x6f: {  	[bflag:$0x0] =	sbarrier.arrive $0xFFFF;
	s26 =	sor.u32 $0x1C02, s26;
	(pc) =	sbr.rel @p0 .LBB2_1-.Ltmp3, $4  }
0x70: {  	[hbm:s16], [sflag:s26] =	dma.local [spmem:s28], $0x2800  }
0x71: {  	_ =	swait.ge [sflag:s21], $0x2800  }
0x72: {  	[sflag:s21] =	ssyncset.done $0x0  }
0x73: {  	[sflag:s21] =	ssyncadd.s32 $0xFFFFD800  }
0x74: {  	_ =	sfence.sel $0x180000  }
0x75: {  	[bflag:$0x0] =	sbarrier.arrive $0xFFFF  }
0x76: {  	p0 =	sne.s32 s1, $0x0;
	_ =	strace $0x9000004A  }
0x77: {  	s0 =	sadd.s32 @!p0 $0x100000, s0;
	[bflag:$0x2] =	sbarrier.arrive $0xFFFF  }
0x78: {  	[sflag:s0] =	ssyncadd.tile.s32 @!p0 $0x1;
	_ =	shalt  }
.Lfunc_end2:
_tile_overlayer_lowered:
.L_overlay_start_2:
0x79: {  	(tag) =	ssettag $0x2  }
0x7a: {  	s0 =	rddreg [dreg:$0x0];
	s2 =	stileid.u32  }
0x7b: {  	s1 =	rddreg [dreg:$0x1];
	p0 =	sne.s32 s2, $0x0  }
0x7c: {  	s3 =	rddreg [dreg:$0x2];
	[bflag:$0x3] =	sbarrier.arrive $0xFFFF;
	s2 =	simm.s32 @!p0 $0x1C02  }
0x7d: {  	[timem:s3], [sflag:s2] =	dma.local @!p0 [hbm:s0], s1  }
0x7e: {  	s0 =	simm.s32 @!p0 $0x2  }
0x7f: {  	_ =	swait.ge @!p0 [sflag:s0], s1  }
0x80: {  	s1 =	ssub.s32 @!p0 $0x0, s1;
	[sflag:s0] =	ssyncset.done @!p0 $0x0  }
0x81: {  	[sflag:s0] =	ssyncadd.s32 @!p0 s1  }
0x82: {  	[bflag:$0x3] =	sbarrier.arrive $0xFFFF  }
0x83: {  	_ =	shalt  }

// kernel: kernel.18.cloned.1.call-start
scs
__scs_entry_jumppad:
0x0: {  	(pc) =	sbr.rel $0x88, $3  }
0x1: {  	(tag) =	ssettag $0x0;
	lr =	simm.s32 $0x1  }
0x2: {  	[smem:$0x3F96] =	sst lr;
	_ =	strace $0xD0000000  }
0x3: {  	_ = 	snop  }
0x4: {  	_ = 	snop  }
0x5: {  	_ = 	snop  }
0x6: {  	_ = 	snop  }
0x7: {  	_ = 	snop  }
__scs_overlays_trampoline_lowered:
0x8: {  	[smem:$0x3FA5] =	sst s0  }
0x9: {  	[smem:$0x3FA6] =	sst s1  }
0xa: {  	[smem:$0x3FA7] =	sst s2  }
0xb: {  	[smem:$0x3FA8] =	sst s3  }
0xc: {  	[smem:$0x3FA9] =	sst s4  }
0xd: {  	[smem:$0x3FAA] =	sst s5  }
0xe: {  	[smem:$0x3FAB] =	sst s6  }
0xf: {  	[smem:$0x3FAC] =	sst s7  }
0x10: {  	[smem:$0x3FAD] =	sst s8  }
0x11: {  	[smem:$0x3FAE] =	sst s9;
	s0 =	simm.s32 @!p0 $0x0  }
0x12: {  	s1 =	sld [smem:$0x3F94];
	s0 =	simm.s32 @p0 $0x1  }
0x13: {  	[smem:$0x3FAF] =	sst s0;
	s0 =	simm.s32 @!p1 $0x0  }
0x14: {  	s2 =	sld [smem:$0x3F93];
	s0 =	simm.s32 @p1 $0x1  }
0x15: {  	[smem:$0x3FB0] =	sst s0;
	s0 =	simm.s32 @!p2 $0x0  }
0x16: {  	s3 =	sld [smem:$0x3FDB];
	s0 =	simm.s32 @p2 $0x1  }
0x17: {  	s4 =	simm.s32 $0x1BF5;
	[smem:$0x3FB2] =	sst s0  }
0x18: {  	s0 =	sld [smem:$0x3F95];
	_ =	swait.ge [sflag:s4], $0x0  }
0x19: {  	s7 =	sld [smem:$0x3F96]  }
0x1a: {  	s8 =	sadd.s32 $0xFFFFE003, lr  }
0x1b: {  	s9 =	sadd.s32 $0xFFFFFEF7, lr;
	s5 =	simm.s32 $0xFFFFFFFF;
	p2 =	slt.u32 s8, $0xFFFFF086  }
0x1c: {  	p1 =	slt.u32 s9, $0xF7A;
	s5 =	simm.s32 @!p2 $0x0  }
0x1d: {  	s5 =	simm.s32 @p1 $0x1;
	p0 =	seq.s32 s7, s2  }
0x1e: {  	s7 =	smul.u32 @!p0 $0xF7A, s2;
	p2 =	seq.s32 @!p0 s5, $0x0  }
0x1f: {  	s9 =	smul.u32 $0xF7A, s1;
	s8 =	simm.s32 @!p0 $0x1BF5;
	p2 =	por !p2, p0  }
0x20: {  	[sflag:s8] =	ssyncset.s32 @!p0 $0xFFFFF086;
	s6 =	sadd.s32 @!p0 s3, s7;
	s7 =	simm.s32 @!p0 $0x108  }
0x21: {  	s3 =	sadd.s32 s3, s9;
	s6 =	sadd.s32 @!p0 $0x88, s6;
	s7 =	simm.s32 @p2 $0x1082  }
0x22: {  	[simem:s7], [sflag:s8] =	dma.local @!p0 [hbm:s6], $0xF7A  }
0x23: {  	s9 =	sor.u32 $0xD0000000, s2;
	s6 =	simm.s32 $0x108;
	_ =	swait.ge @!p0 [sflag:s8], $0x0  }
0x24: {  	s3 =	sadd.s32 $0x88, s3;
	s6 =	simm.s32 @!p1 $0x1082;
	[sflag:s4] =	ssyncset.s32 $0xFFFFF086  }
0x25: {  	[simem:s6], [sflag:s4] =	dma.local [hbm:s3], $0xF7A  }
0x26: {  	[smem:$0x3F96] =	sst s1;
	(tag) =	ssettag s2;
	_ =	strace s9  }
0x27: {  	s1 =	sld [smem:$0x3FA6]  }
0x28: {  	s2 =	sld [smem:$0x3FA7]  }
0x29: {  	s4 =	sld [smem:$0x3FA9]  }
0x2a: {  	p0 =	seq.s32 s5, $0x0;
	s5 =	sld [smem:$0x3FAA]  }
0x2b: {  	s6 =	sld [smem:$0x3FAB]  }
0x2c: {  	s7 =	sld [smem:$0x3FAC]  }
0x2d: {  	s3 =	simm.s32 $0x108;
	s8 =	sld [smem:$0x3FAD]  }
0x2e: {  	s3 =	simm.s32 @!p0 $0x1082;
	s9 =	sld [smem:$0x3FAE]  }
0x2f: {  	lr =	sadd.s32 s0, s3;
	s0 =	sld [smem:$0x3FA5]  }
0x30: {  	s3 =	sld [smem:$0x3FA8]  }
0x31: {  	[smem:$0x3FB1] =	sst s10  }
0x32: {  	s10 =	sld [smem:$0x3FAF];
	_ =	sdelay $0x3  }
0x33: {  	p0 =	seq.s32 s10, $0x1;
	s10 =	sld [smem:$0x3FB1];
	_ =	sdelay $0x3  }
0x34: {  	[smem:$0x3FB1] =	sst s10  }
0x35: {  	s10 =	sld [smem:$0x3FB0];
	_ =	sdelay $0x3  }
0x36: {  	p1 =	seq.s32 s10, $0x1;
	s10 =	sld [smem:$0x3FB1];
	_ =	sdelay $0x3  }
0x37: {  	[smem:$0x3FB1] =	sst s10  }
0x38: {  	s10 =	sld [smem:$0x3FB2]  }
0x39: {  	_ = 	snop;
	(pc) =	sbr.ind lr, $3  }
0x3a: {  	_ = 	snop  }
0x3b: {  	_ = 	snop  }
0x3c: {  	p2 =	seq.s32 s10, $0x1;
	s10 =	sld [smem:$0x3FB1]  }
0x3d: {  	_ =	shalt  }
0x3e: {  	_ =	shalt  }
0x3f: {  	_ =	shalt  }
0x40: {  	_ =	shalt  }
0x41: {  	_ =	shalt  }
0x42: {  	_ =	shalt  }
0x43: {  	_ =	shalt  }
0x44: {  	_ =	shalt  }
0x45: {  	_ =	shalt  }
0x46: {  	_ =	shalt  }
0x47: {  	_ =	shalt  }
0x48: {  	_ =	shalt  }
0x49: {  	_ =	shalt  }
0x4a: {  	_ =	shalt  }
0x4b: {  	_ =	shalt  }
0x4c: {  	_ =	shalt  }
0x4d: {  	_ =	shalt  }
0x4e: {  	_ =	shalt  }
0x4f: {  	_ =	shalt  }
0x50: {  	_ =	shalt  }
0x51: {  	_ =	shalt  }
0x52: {  	_ =	shalt  }
0x53: {  	_ =	shalt  }
0x54: {  	_ =	shalt  }
0x55: {  	_ =	shalt  }
0x56: {  	_ =	shalt  }
0x57: {  	_ =	shalt  }
0x58: {  	_ =	shalt  }
0x59: {  	_ =	shalt  }
0x5a: {  	_ =	shalt  }
0x5b: {  	_ =	shalt  }
0x5c: {  	_ =	shalt  }
0x5d: {  	_ =	shalt  }
0x5e: {  	_ =	shalt  }
0x5f: {  	_ =	shalt  }
0x60: {  	_ =	shalt  }
0x61: {  	_ =	shalt  }
0x62: {  	_ =	shalt  }
0x63: {  	_ =	shalt  }
0x64: {  	_ =	shalt  }
0x65: {  	_ =	shalt  }
0x66: {  	_ =	shalt  }
0x67: {  	_ =	shalt  }
0x68: {  	_ =	shalt  }
0x69: {  	_ =	shalt  }
0x6a: {  	_ =	shalt  }
0x6b: {  	_ =	shalt  }
0x6c: {  	_ =	shalt  }
0x6d: {  	_ =	shalt  }
0x6e: {  	_ =	shalt  }
0x6f: {  	_ =	shalt  }
0x70: {  	_ =	shalt  }
0x71: {  	_ =	shalt  }
0x72: {  	_ =	shalt  }
0x73: {  	_ =	shalt  }
0x74: {  	_ =	shalt  }
0x75: {  	_ =	shalt  }
0x76: {  	_ =	shalt  }
0x77: {  	_ =	shalt  }
0x78: {  	_ =	shalt  }
0x79: {  	_ =	shalt  }
0x7a: {  	_ =	shalt  }
0x7b: {  	_ =	shalt  }
0x7c: {  	_ =	shalt  }
0x7d: {  	_ =	shalt  }
0x7e: {  	_ =	shalt  }
0x7f: {  	_ =	shalt  }
0x80: {  	_ =	shalt  }
0x81: {  	_ =	shalt  }
0x82: {  	_ =	shalt  }
0x83: {  	_ =	shalt  }
0x84: {  	_ =	shalt  }
0x85: {  	_ =	shalt  }
0x86: {  	_ =	shalt  }
0x87: {  	_ =	shalt  }
.Lfunc_end0:
.L_simem_size_0:
called_computation.2_lowered:
.L_overlay_start_0:
0x88: {  	s2 =	sld [smem:$0x3FD9]  }
0x89: {  	s3 =	sld [smem:$0x3FFE];
	_ =	sdelay $0x1  }
0x8a: {  	s1 =	srdreg.scid  }
0x8b: {  	s0 =	sand.u32 $0x1, s1  }
0x8c: {  	s17 =	sshll.u32 s0, $0xA;
	s2 =	sadd.s32 s3, s2  }
0x8d: {  	s2 =	sadd.s32 s2, s17  }
0x8e: {  	[smem:$0x3FBD] =	sst s2  }
0x8f: {  	_ = 	snop  }
0x90: {  	s2 =	sld [smem:$0x3FD0];
	(tm) =	ssettm $0x1  }
0x91: {  	s18 =	sld [smem:$0x3FFB];
	_ =	sdelay $0x3  }
0x92: {  	_ =	strace s18  }
0x93: {  	s3 =	sld [smem:$0x3FFC];
	_ =	sdelay $0x3  }
0x94: {  	_ =	strace s3  }
0x95: {  	s3 =	sld [smem:$0x3FFD];
	_ =	sdelay $0x3  }
0x96: {  	_ =	strace s3  }
0x97: {  	_ =	strace $0x8FFFFFFF  }
0x98: {  	s19 =	sld [smem:$0x3FDB];
	_ =	sdelay $0x1  }
0x99: {  	s4 =	simm.s32 $_scs_section_size  }
0x9a: {  	s5 =	simm.s32 $_size__tile_overlayer_lowered;
	s6 =	simm.s32 $_tile_overlayer_lowered  }
0x9b: {  	s22 =	simm.s32 $0x1BFF;
	s21 =	sshll.u32 s6, $0x1;
	s3 =	sadd.s32 s4, s19  }
0x9c: {  	s7 =	simm.s32 $0x0;
	s20 =	sshll.u32 s5, $0x1;
	s5 =	sadd.s32 s21, s3  }
0x9d: {  	[timem:s7], [sflag:s22] =	dma.local [hbm:s5], s20  }
0x9e: {  	_ =	swait.ge [sflag:s22], s20  }
0x9f: {  	s4 =	ssub.s32 $0x0, s20;
	[sflag:s22] =	ssyncset.done $0x0  }
0xa0: {  	[sflag:s22] =	ssyncadd.s32 s4;
	_ =	sdelay $0x1  }
0xa1: {  	s23 =	simm.s32 $0x1B8B  }
0xa2: {  	_ =	swait.ge [sflag:s23], $0x1  }
0xa3: {  	[sflag:s23] =	ssyncset.done $0x0  }
0xa4: {  	s25 =	simm.s32 $0x1B8E;
	s24 =	sld [smem:$0x3FFE];
	[sflag:s23] =	ssyncadd.s32 $0xFFFFFFFF  }
0xa5: {  	s26 =	simm.s32 $execute0_lowered;
	[smem:$0x3FD2] =	sst s25  }
0xa6: {  	s5 =	sshll.u32 s26, $0x1;
	_ =	strace $0x8000004C;
	[dreg:$0x1] =	wrdreg $0xFFFFFFFF  }
0xa7: {  	s28 =	simm.s32 $_size_execute0_lowered;
	s3 =	sadd.s32 s3, s5;
	[dreg:$0x0] =	wrdreg $0x0  }
0xa8: {  	s5 =	sshll.u32 s28, $0x1;
	[dreg:$0x2] =	wrdreg s3  }
0xa9: {  	[dreg:$0x3] =	wrdreg s5  }
0xaa: {  	[dreg:$0x4] =	wrdreg $0xC0  }
0xab: {  	_ =	task [dreg:s7], $0x5FFFF  }
0xac: {  	[dreg:$0x1] =	wrdreg $0xFFFFFFFF  }
0xad: {  	[dreg:$0x0] =	wrdreg $0x60  }
0xae: {  	[dreg:$0x2] =	wrdreg s24  }
0xaf: {  	[dreg:$0x3] =	wrdreg s2  }
0xb0: {  	[dreg:$0x4] =	wrdreg $0x61000  }
0xb1: {  	[dreg:$0x5] =	wrdreg $0x9  }
0xb2: {  	_ =	task.clear_ibuf [dreg:s7], $0x6FFFF;
	_ =	strace $0x9000004C  }
0xb3: {  	s29 =	simm.s32 $0x9;
	_ =	strace $0x8000004E  }
0xb4: {  	_ =	swait.ge [sflag:s29], $0x1  }
0xb5: {  	[sflag:s29] =	ssyncadd.s32 $0xFFFFFFFF  }
0xb6: {  	_ =	strace $0x9000004E  }
0xb7: {  	_ =	sfence  }
0xb8: {  	s30 =	sld [smem:$0x0];
	_ =	sdelay $0x2  }
0xb9: {  	s31 =	sshll.u32 s1, $0xD;
	s1 =	sshrl.u32 s1, $0x2  }
0xba: {  	s3 =	sand.u32 $0x4000, s31;
	s1 =	sadd.s32 s1, s30  }
0xbb: {  	s0 =	sor.u32 s3, s0;
	s1 =	sshll.u32 s1, $0x11  }
0xbc: {  	s0 =	sor.u32 s1, s0  }
0xbd: {  	s0 =	sadd.s32 $0x8F2B, s0  }
0xbe: {  	[sflag:s0] =	ssyncadd.remote.s32 $0x1  }
0xbf: {  	_ =	sfence.sel $0xFFFF  }
0xc0: {  	[dreg:$0x0] =	wrdreg $0xFFFFFFFF;
	(pc) =	sbr.abs _section_cstart, $3  }
0xc1: {  	[dreg:$0x1] =	wrdreg $0xFFFFFFFF  }
0xc2: {  	_ =	task.clear_ibuf [dreg:s7], $0x2FFFF;
	_ =	strace $0x9FFFFFFF  }
0xc3: {  	(tm) =	ssettm $0x7FFFFFFF  }
tec
execute0_lowered:
.L_overlay_start_1:
0x0: {  	(tag) =	ssettag $0x1  }
0x1: {  	s5 =	rddreg [dreg:$0x0]  }
0x2: {  	s19 =	rddreg [dreg:$0x1]  }
0x3: {  	s2 =	rddreg [dreg:$0x2]  }
0x4: {  	s0 =	rddreg [dreg:$0x3]  }
0x5: {  	s1 =	stileid.u32;
	s3 =	simm.s32 $0x0;
	s4 =	srdreg.scid  }
0x6: {  	s21 =	simm.s32 $0x2;
	s22 =	simm.s32 $0x80;
	s6 =	smul.u32 $0x1F80, s1  }
0x7: {  	s23 =	simm.s32 $0x100;
	s7 =	sand.u32 $0x1, s4;
	s4 =	smul.u32 $0x2F80, s1  }
0x8: {  	s24 =	simm.s32 $0x1;
	s25 =	simm.s32 $0x0;
	s8 =	smul.u32 $0x2800, s1  }
0x9: {  	[smem:$0x7FF] =	sst s3;
	s30 =	smul.u32 $0x50000, s1;
	p0 =	seq.s32 s7, $0x0  }
0xa: {  	s9 =	smul.u32 $0x28000, s7;
	s7 =	ssub.s32 $0x2, s7;
	s6 =	sadd.s32 $0x2F800, s6  }
0xb: {  	_ =	strace $0x8000004D;
	s31 =	sshrl.u32 s7, $0x1;
	s6 =	smov.u32 @p0 s4  }
0xc: {  	s4 =	sadd.s32 $0xCC00, s5;
	s8 =	sadd.s32 s8, s9;
	s17 =	ssub.s32 s7, s31  }
0xd: {  	s20 =	sshrl.u32 s6, $0x3;
	s16 =	sadd.s32 s8, s5;
	s6 =	sshrl.u32 s30, $0x2  }
0xe: {  	s17 =	smax.u32 s17, $0x1;
	s18 =	sadd.s32 s20, s5;
	s5 =	simm.s32 $0x5F  }
0xf: {  	s6 =	sadd.s32 s6, s2;
	s16 =	sadd.s32 $0x5CC00, s16;
	s19 =	sadd.s32 s20, s19  }
0x10: {  	s20 =	simm.s32 $0x4100;
	s5 =	simm.s32 @!p0 $0x3F;
	s7 =	sadd.s32 $0x2000, s6  }
0x11: {  	s8 =	sadd.s32 $0x4000, s6;
	s9 =	sadd.s32 $0x6000, s6;
	s10 =	sadd.s32 $0x8000, s6  }
0x12: {  	s11 =	sadd.s32 $0xA000, s6;
	s12 =	sadd.s32 $0xC000, s6;
	s13 =	sadd.s32 $0xE000, s6  }
0x13: {  	v0 =	vimm.f32 $0.0e+00;
	s14 =	sadd.s32 $0x10000, s6;
	s15 =	sadd.s32 $0x12000, s6;
	s18 =	sadd.s32 $0x2E00, s18  }
.LBB2_1:
0x14: {  	s26 =	simm.s32 $0x0;
	s28 =	simm.s32 $0x200  }
.LBB2_2:
0x15: {  	p0 =	sne.s32 s28, $0x7E00;
	[tilespmem:s26+$0x4170] =	vst v0  }
0x16: {  	[tilespmem:s26+$0x4100] =	vst v0  }
0x17: {  	[tilespmem:s26+$0x4110] =	vst v0  }
.Ltmp0:
0x18: {  	[tilespmem:s26+$0x4120] =	vst v0;
	(pc) =	sbr.rel @p0 .LBB2_2-.Ltmp0, $4  }
0x19: {  	[tilespmem:s26+$0x4130] =	vst v0  }
0x1a: {  	[tilespmem:s26+$0x4140] =	vst v0  }
0x1b: {  	[tilespmem:s26+$0x4150] =	vst v0  }
0x1c: {  	[tilespmem:s26+$0x4160] =	vst v0;
	s26 =	sshra.s32 s28, $0x2;
	s28 =	sadd.s32 $0x200, s28  }
0x1d: {  	[tilespmem:s26+$0x4170] =	vst v0  }
0x1e: {  	[tilespmem:s26+$0x4100] =	vst v0  }
0x1f: {  	[tilespmem:s26+$0x4110] =	vst v0  }
0x20: {  	[tilespmem:s26+$0x4120] =	vst v0  }
0x21: {  	[tilespmem:s26+$0x4130] =	vst v0  }
0x22: {  	[tilespmem:s26+$0x4140] =	vst v0  }
0x23: {  	[tilespmem:s26+$0x4150] =	vst v0  }
0x24: {  	[tilespmem:s26+$0x4160] =	vst v0  }
0x25: {  	[spmem:s6] =	stream.linear.scatter [tilespmem:s20], [sflag:$0x2], $0x2000, $0x38;
	[tilespmem:$0x1A100] =	vst v63  }
0x26: {  	_ =	swait.ge [sflag:s21], $0x2000  }
0x27: {  	[sflag:s21] =	ssyncset.done $0x0  }
0x28: {  	[sflag:s21] =	ssyncadd.s32 $0xFFFFE000  }
0x29: {  	[spmem:s7] =	stream.linear.scatter [tilespmem:s20], [sflag:$0x2], $0x2000, $0x38;
	[tilespmem:$0x1A100] =	vst v63  }
0x2a: {  	_ =	swait.ge [sflag:s21], $0x2000  }
0x2b: {  	[sflag:s21] =	ssyncset.done $0x0  }
0x2c: {  	[sflag:s21] =	ssyncadd.s32 $0xFFFFE000  }
0x2d: {  	[spmem:s8] =	stream.linear.scatter [tilespmem:s20], [sflag:$0x2], $0x2000, $0x38;
	[tilespmem:$0x1A100] =	vst v63  }
0x2e: {  	_ =	swait.ge [sflag:s21], $0x2000  }
0x2f: {  	[sflag:s21] =	ssyncset.done $0x0  }
0x30: {  	[sflag:s21] =	ssyncadd.s32 $0xFFFFE000  }
0x31: {  	[spmem:s9] =	stream.linear.scatter [tilespmem:s20], [sflag:$0x2], $0x2000, $0x38;
	[tilespmem:$0x1A100] =	vst v63  }
0x32: {  	_ =	swait.ge [sflag:s21], $0x2000  }
0x33: {  	[sflag:s21] =	ssyncset.done $0x0  }
0x34: {  	[sflag:s21] =	ssyncadd.s32 $0xFFFFE000  }
0x35: {  	[spmem:s10] =	stream.linear.scatter [tilespmem:s20], [sflag:$0x2], $0x2000, $0x38;
	[tilespmem:$0x1A100] =	vst v63  }
0x36: {  	_ =	swait.ge [sflag:s21], $0x2000  }
0x37: {  	[sflag:s21] =	ssyncset.done $0x0  }
0x38: {  	[sflag:s21] =	ssyncadd.s32 $0xFFFFE000  }
0x39: {  	[spmem:s11] =	stream.linear.scatter [tilespmem:s20], [sflag:$0x2], $0x2000, $0x38;
	[tilespmem:$0x1A100] =	vst v63  }
0x3a: {  	_ =	swait.ge [sflag:s21], $0x2000  }
0x3b: {  	[sflag:s21] =	ssyncset.done $0x0  }
0x3c: {  	[sflag:s21] =	ssyncadd.s32 $0xFFFFE000  }
0x3d: {  	[spmem:s12] =	stream.linear.scatter [tilespmem:s20], [sflag:$0x2], $0x2000, $0x38;
	[tilespmem:$0x1A100] =	vst v63  }
0x3e: {  	_ =	swait.ge [sflag:s21], $0x2000  }
0x3f: {  	[sflag:s21] =	ssyncset.done $0x0  }
0x40: {  	[sflag:s21] =	ssyncadd.s32 $0xFFFFE000  }
0x41: {  	[spmem:s13] =	stream.linear.scatter [tilespmem:s20], [sflag:$0x2], $0x2000, $0x38;
	[tilespmem:$0x1A100] =	vst v63  }
0x42: {  	_ =	swait.ge [sflag:s21], $0x2000  }
0x43: {  	[sflag:s21] =	ssyncset.done $0x0  }
0x44: {  	[sflag:s21] =	ssyncadd.s32 $0xFFFFE000  }
0x45: {  	[spmem:s14] =	stream.linear.scatter [tilespmem:s20], [sflag:$0x2], $0x2000, $0x38;
	[tilespmem:$0x1A100] =	vst v63  }
0x46: {  	_ =	swait.ge [sflag:s21], $0x2000  }
0x47: {  	[sflag:s21] =	ssyncset.done $0x0  }
0x48: {  	[sflag:s21] =	ssyncadd.s32 $0xFFFFE000  }
0x49: {  	[spmem:s15] =	stream.linear.scatter [tilespmem:s20], [sflag:$0x2], $0x2000, $0x38;
	[tilespmem:$0x1A100] =	vst v63  }
0x4a: {  	_ =	swait.ge [sflag:s21], $0x2000  }
0x4b: {  	[sflag:s21] =	ssyncset.done $0x0  }
0x4c: {  	[sflag:s21] =	ssyncadd.s32 $0xFFFFE000  }
0x4d: {  	[bflag:$0x0] =	sbarrier.arrive $0xFFFF  }
0x4e: {  	[tilespmem:s3], [sflag:$0x2] =	stream.linear.gather [hbm4b:s19+s3], $0x80, $0x38;
	[tilespmem:$0x1A100] =	vst v63  }
0x4f: {  	_ =	swait.ge [sflag:s21], $0x80  }
0x50: {  	[sflag:s21] =	ssyncset.done $0x0  }
0x51: {  	[sflag:s21] =	ssyncadd.s32 $0xFFFFFF80  }
0x52: {  	[tilespmem:s22], [sflag:$0x2] =	stream.linear.gather [hbm4b:s18+s3], $0x80, $0x38;
	[tilespmem:$0x1A100] =	vst v63  }
0x53: {  	_ =	swait.ge [sflag:s21], $0x80  }
0x54: {  	[sflag:s21] =	ssyncset.done $0x0  }
0x55: {  	[sflag:s21] =	ssyncadd.s32 $0xFFFFFF80  }
0x56: {  	[tilespmem:s23], [sflag:$0x1] =	stream.indirect.gather [hbm4b:s4+s22], $0x80, s3, s22, $0xb8;
	[tilespmem:$0x1A100] =	vst v63  }
0x57: {  	p0 =	sne.s32 s5, $0x1;
	_ =	swait.ge [sflag:s24], $0x4000  }
.Ltmp1:
0x58: {  	[sflag:s24] =	ssyncset.done $0x0;
	(pc) =	sbr.rel @!p0 .LBB2_5-.Ltmp1, $4  }
0x59: {  	[sflag:s24] =	ssyncadd.s32 $0xFFFFC000  }
0x5a: {  	[spmem:s2] =	stream.indirect.scatter.add.f32 [tilespmem:s23], [sflag:$0x2], $0x80, s22, s22, $0xb8;
	[tilespmem:$0x1A100] =	vst v63  }
0x5b: {  	s26 =	sadd.s32 $0xFFFFFFFF, s5;
	_ =	swait.ge [sflag:s21], $0x4000  }
0x5c: {  	s28 =	smov.u32 s18;
	s29 =	smov.u32 s19;
	[sflag:s21] =	ssyncset.done $0x0  }
.LBB2_4:
0x5d: {  	[sflag:s21] =	ssyncadd.s32 $0xFFFFC000;
	s28 =	sadd.s32 $0x10, s28;
	s29 =	sadd.s32 $0x10, s29  }
0x5e: {  	[tilespmem:s3], [sflag:$0x2] =	stream.linear.gather [hbm4b:s29+s3], $0x80, $0x38;
	[tilespmem:$0x1A100] =	vst v63  }
0x5f: {  	p0 =	sne.s32 s26, $0x1;
	s26 =	sadd.s32 $0xFFFFFFFF, s26;
	_ =	swait.ge [sflag:s21], $0x80  }
0x60: {  	[sflag:s21] =	ssyncset.done $0x0  }
0x61: {  	[sflag:s21] =	ssyncadd.s32 $0xFFFFFF80  }
0x62: {  	[tilespmem:s22], [sflag:$0x2] =	stream.linear.gather [hbm4b:s28+s3], $0x80, $0x38;
	[tilespmem:$0x1A100] =	vst v63  }
0x63: {  	_ =	swait.ge [sflag:s21], $0x80  }
0x64: {  	[sflag:s21] =	ssyncset.done $0x0  }
0x65: {  	[sflag:s21] =	ssyncadd.s32 $0xFFFFFF80  }
0x66: {  	[tilespmem:s23], [sflag:$0x1] =	stream.indirect.gather [hbm4b:s4+s22], $0x80, s3, s22, $0xb8;
	[tilespmem:$0x1A100] =	vst v63  }
0x67: {  	_ =	swait.ge [sflag:s24], $0x4000  }
.Ltmp2:
0x68: {  	[sflag:s24] =	ssyncset.done $0x0;
	(pc) =	sbr.rel @p0 .LBB2_4-.Ltmp2, $4  }
0x69: {  	[sflag:s24] =	ssyncadd.s32 $0xFFFFC000  }
0x6a: {  	[spmem:s2] =	stream.indirect.scatter.add.f32 [tilespmem:s23], [sflag:$0x2], $0x80, s22, s22, $0xb8;
	[tilespmem:$0x1A100] =	vst v63  }
0x6b: {  	_ =	swait.ge [sflag:s21], $0x4000  }
0x6c: {  	[sflag:s21] =	ssyncset.done $0x0  }
.LBB2_5:
0x6d: {  	[sflag:s21] =	ssyncadd.s32 $0xFFFFC000;
	s25 =	sadd.s32 $0x1, s25  }
0x6e: {  	s26 =	sshll.u32 s1, $0x6;
	s28 =	sshrl.u32 s6, $0x3;
	p0 =	sne.s32 s25, s17  }
.Ltmp3:
0x6f: {  	[bflag:$0x0] =	sbarrier.arrive $0xFFFF;
	s26 =	sor.u32 $0x1C02, s26;
	(pc) =	sbr.rel @p0 .LBB2_1-.Ltmp3, $4  }
0x70: {  	[hbm:s16], [sflag:s26] =	dma.local [spmem:s28], $0x2800  }
0x71: {  	_ =	swait.ge [sflag:s21], $0x2800  }
0x72: {  	[sflag:s21] =	ssyncset.done $0x0  }
0x73: {  	[sflag:s21] =	ssyncadd.s32 $0xFFFFD800  }
0x74: {  	_ =	sfence.sel $0x180000  }
0x75: {  	[bflag:$0x0] =	sbarrier.arrive $0xFFFF  }
0x76: {  	p0 =	sne.s32 s1, $0x0;
	_ =	strace $0x9000004D  }
0x77: {  	s0 =	sadd.s32 @!p0 $0x100000, s0;
	[bflag:$0x2] =	sbarrier.arrive $0xFFFF  }
0x78: {  	[sflag:s0] =	ssyncadd.tile.s32 @!p0 $0x1;
	_ =	shalt  }
.Lfunc_end2:
_tile_overlayer_lowered:
.L_overlay_start_2:
0x79: {  	(tag) =	ssettag $0x2  }
0x7a: {  	s0 =	rddreg [dreg:$0x0];
	s2 =	stileid.u32  }
0x7b: {  	s1 =	rddreg [dreg:$0x1];
	p0 =	sne.s32 s2, $0x0  }
0x7c: {  	s3 =	rddreg [dreg:$0x2];
	[bflag:$0x3] =	sbarrier.arrive $0xFFFF;
	s2 =	simm.s32 @!p0 $0x1C02  }
0x7d: {  	[timem:s3], [sflag:s2] =	dma.local @!p0 [hbm:s0], s1  }
0x7e: {  	s0 =	simm.s32 @!p0 $0x2  }
0x7f: {  	_ =	swait.ge @!p0 [sflag:s0], s1  }
0x80: {  	s1 =	ssub.s32 @!p0 $0x0, s1;
	[sflag:s0] =	ssyncset.done @!p0 $0x0  }
0x81: {  	[sflag:s0] =	ssyncadd.s32 @!p0 s1  }
0x82: {  	[bflag:$0x3] =	sbarrier.arrive $0xFFFF  }
0x83: {  	_ =	shalt  }

// kernel: kernel.21.cloned.1.call-start
scs
__scs_entry_jumppad:
0x0: {  	(pc) =	sbr.rel $0x88, $3  }
0x1: {  	(tag) =	ssettag $0x0;
	lr =	simm.s32 $0x1  }
0x2: {  	[smem:$0x3F96] =	sst lr;
	_ =	strace $0xD0000000  }
0x3: {  	_ = 	snop  }
0x4: {  	_ = 	snop  }
0x5: {  	_ = 	snop  }
0x6: {  	_ = 	snop  }
0x7: {  	_ = 	snop  }
__scs_overlays_trampoline_lowered:
0x8: {  	[smem:$0x3FA5] =	sst s0  }
0x9: {  	[smem:$0x3FA6] =	sst s1  }
0xa: {  	[smem:$0x3FA7] =	sst s2  }
0xb: {  	[smem:$0x3FA8] =	sst s3  }
0xc: {  	[smem:$0x3FA9] =	sst s4  }
0xd: {  	[smem:$0x3FAA] =	sst s5  }
0xe: {  	[smem:$0x3FAB] =	sst s6  }
0xf: {  	[smem:$0x3FAC] =	sst s7  }
0x10: {  	[smem:$0x3FAD] =	sst s8  }
0x11: {  	[smem:$0x3FAE] =	sst s9;
	s0 =	simm.s32 @!p0 $0x0  }
0x12: {  	s1 =	sld [smem:$0x3F94];
	s0 =	simm.s32 @p0 $0x1  }
0x13: {  	[smem:$0x3FAF] =	sst s0;
	s0 =	simm.s32 @!p1 $0x0  }
0x14: {  	s2 =	sld [smem:$0x3F93];
	s0 =	simm.s32 @p1 $0x1  }
0x15: {  	[smem:$0x3FB0] =	sst s0;
	s0 =	simm.s32 @!p2 $0x0  }
0x16: {  	s3 =	sld [smem:$0x3FDB];
	s0 =	simm.s32 @p2 $0x1  }
0x17: {  	s4 =	simm.s32 $0x1BF5;
	[smem:$0x3FB2] =	sst s0  }
0x18: {  	s0 =	sld [smem:$0x3F95];
	_ =	swait.ge [sflag:s4], $0x0  }
0x19: {  	s7 =	sld [smem:$0x3F96]  }
0x1a: {  	s8 =	sadd.s32 $0xFFFFE003, lr  }
0x1b: {  	s9 =	sadd.s32 $0xFFFFFEF7, lr;
	s5 =	simm.s32 $0xFFFFFFFF;
	p2 =	slt.u32 s8, $0xFFFFF086  }
0x1c: {  	p1 =	slt.u32 s9, $0xF7A;
	s5 =	simm.s32 @!p2 $0x0  }
0x1d: {  	s5 =	simm.s32 @p1 $0x1;
	p0 =	seq.s32 s7, s2  }
0x1e: {  	s7 =	smul.u32 @!p0 $0xF7A, s2;
	p2 =	seq.s32 @!p0 s5, $0x0  }
0x1f: {  	s9 =	smul.u32 $0xF7A, s1;
	s8 =	simm.s32 @!p0 $0x1BF5;
	p2 =	por !p2, p0  }
0x20: {  	[sflag:s8] =	ssyncset.s32 @!p0 $0xFFFFF086;
	s6 =	sadd.s32 @!p0 s3, s7;
	s7 =	simm.s32 @!p0 $0x108  }
0x21: {  	s3 =	sadd.s32 s3, s9;
	s6 =	sadd.s32 @!p0 $0x88, s6;
	s7 =	simm.s32 @p2 $0x1082  }
0x22: {  	[simem:s7], [sflag:s8] =	dma.local @!p0 [hbm:s6], $0xF7A  }
0x23: {  	s9 =	sor.u32 $0xD0000000, s2;
	s6 =	simm.s32 $0x108;
	_ =	swait.ge @!p0 [sflag:s8], $0x0  }
0x24: {  	s3 =	sadd.s32 $0x88, s3;
	s6 =	simm.s32 @!p1 $0x1082;
	[sflag:s4] =	ssyncset.s32 $0xFFFFF086  }
0x25: {  	[simem:s6], [sflag:s4] =	dma.local [hbm:s3], $0xF7A  }
0x26: {  	[smem:$0x3F96] =	sst s1;
	(tag) =	ssettag s2;
	_ =	strace s9  }
0x27: {  	s1 =	sld [smem:$0x3FA6]  }
0x28: {  	s2 =	sld [smem:$0x3FA7]  }
0x29: {  	s4 =	sld [smem:$0x3FA9]  }
0x2a: {  	p0 =	seq.s32 s5, $0x0;
	s5 =	sld [smem:$0x3FAA]  }
0x2b: {  	s6 =	sld [smem:$0x3FAB]  }
0x2c: {  	s7 =	sld [smem:$0x3FAC]  }
0x2d: {  	s3 =	simm.s32 $0x108;
	s8 =	sld [smem:$0x3FAD]  }
0x2e: {  	s3 =	simm.s32 @!p0 $0x1082;
	s9 =	sld [smem:$0x3FAE]  }
0x2f: {  	lr =	sadd.s32 s0, s3;
	s0 =	sld [smem:$0x3FA5]  }
0x30: {  	s3 =	sld [smem:$0x3FA8]  }
0x31: {  	[smem:$0x3FB1] =	sst s10  }
0x32: {  	s10 =	sld [smem:$0x3FAF];
	_ =	sdelay $0x3  }
0x33: {  	p0 =	seq.s32 s10, $0x1;
	s10 =	sld [smem:$0x3FB1];
	_ =	sdelay $0x3  }
0x34: {  	[smem:$0x3FB1] =	sst s10  }
0x35: {  	s10 =	sld [smem:$0x3FB0];
	_ =	sdelay $0x3  }
0x36: {  	p1 =	seq.s32 s10, $0x1;
	s10 =	sld [smem:$0x3FB1];
	_ =	sdelay $0x3  }
0x37: {  	[smem:$0x3FB1] =	sst s10  }
0x38: {  	s10 =	sld [smem:$0x3FB2]  }
0x39: {  	_ = 	snop;
	(pc) =	sbr.ind lr, $3  }
0x3a: {  	_ = 	snop  }
0x3b: {  	_ = 	snop  }
0x3c: {  	p2 =	seq.s32 s10, $0x1;
	s10 =	sld [smem:$0x3FB1]  }
0x3d: {  	_ =	shalt  }
0x3e: {  	_ =	shalt  }
0x3f: {  	_ =	shalt  }
0x40: {  	_ =	shalt  }
0x41: {  	_ =	shalt  }
0x42: {  	_ =	shalt  }
0x43: {  	_ =	shalt  }
0x44: {  	_ =	shalt  }
0x45: {  	_ =	shalt  }
0x46: {  	_ =	shalt  }
0x47: {  	_ =	shalt  }
0x48: {  	_ =	shalt  }
0x49: {  	_ =	shalt  }
0x4a: {  	_ =	shalt  }
0x4b: {  	_ =	shalt  }
0x4c: {  	_ =	shalt  }
0x4d: {  	_ =	shalt  }
0x4e: {  	_ =	shalt  }
0x4f: {  	_ =	shalt  }
0x50: {  	_ =	shalt  }
0x51: {  	_ =	shalt  }
0x52: {  	_ =	shalt  }
0x53: {  	_ =	shalt  }
0x54: {  	_ =	shalt  }
0x55: {  	_ =	shalt  }
0x56: {  	_ =	shalt  }
0x57: {  	_ =	shalt  }
0x58: {  	_ =	shalt  }
0x59: {  	_ =	shalt  }
0x5a: {  	_ =	shalt  }
0x5b: {  	_ =	shalt  }
0x5c: {  	_ =	shalt  }
0x5d: {  	_ =	shalt  }
0x5e: {  	_ =	shalt  }
0x5f: {  	_ =	shalt  }
0x60: {  	_ =	shalt  }
0x61: {  	_ =	shalt  }
0x62: {  	_ =	shalt  }
0x63: {  	_ =	shalt  }
0x64: {  	_ =	shalt  }
0x65: {  	_ =	shalt  }
0x66: {  	_ =	shalt  }
0x67: {  	_ =	shalt  }
0x68: {  	_ =	shalt  }
0x69: {  	_ =	shalt  }
0x6a: {  	_ =	shalt  }
0x6b: {  	_ =	shalt  }
0x6c: {  	_ =	shalt  }
0x6d: {  	_ =	shalt  }
0x6e: {  	_ =	shalt  }
0x6f: {  	_ =	shalt  }
0x70: {  	_ =	shalt  }
0x71: {  	_ =	shalt  }
0x72: {  	_ =	shalt  }
0x73: {  	_ =	shalt  }
0x74: {  	_ =	shalt  }
0x75: {  	_ =	shalt  }
0x76: {  	_ =	shalt  }
0x77: {  	_ =	shalt  }
0x78: {  	_ =	shalt  }
0x79: {  	_ =	shalt  }
0x7a: {  	_ =	shalt  }
0x7b: {  	_ =	shalt  }
0x7c: {  	_ =	shalt  }
0x7d: {  	_ =	shalt  }
0x7e: {  	_ =	shalt  }
0x7f: {  	_ =	shalt  }
0x80: {  	_ =	shalt  }
0x81: {  	_ =	shalt  }
0x82: {  	_ =	shalt  }
0x83: {  	_ =	shalt  }
0x84: {  	_ =	shalt  }
0x85: {  	_ =	shalt  }
0x86: {  	_ =	shalt  }
0x87: {  	_ =	shalt  }
.Lfunc_end0:
.L_simem_size_0:
called_computation.3_lowered:
.L_overlay_start_0:
0x88: {  	s2 =	sld [smem:$0x3FD9]  }
0x89: {  	s3 =	sld [smem:$0x3FFE];
	_ =	sdelay $0x1  }
0x8a: {  	s1 =	srdreg.scid  }
0x8b: {  	s0 =	sand.u32 $0x1, s1  }
0x8c: {  	s17 =	sshll.u32 s0, $0xA;
	s2 =	sadd.s32 s3, s2  }
0x8d: {  	s2 =	sadd.s32 s2, s17  }
0x8e: {  	[smem:$0x3FBD] =	sst s2  }
0x8f: {  	_ = 	snop  }
0x90: {  	s2 =	sld [smem:$0x3FD0];
	(tm) =	ssettm $0x1  }
0x91: {  	s18 =	sld [smem:$0x3FFB];
	_ =	sdelay $0x3  }
0x92: {  	_ =	strace s18  }
0x93: {  	s3 =	sld [smem:$0x3FFC];
	_ =	sdelay $0x3  }
0x94: {  	_ =	strace s3  }
0x95: {  	s3 =	sld [smem:$0x3FFD];
	_ =	sdelay $0x3  }
0x96: {  	_ =	strace s3  }
0x97: {  	_ =	strace $0x8FFFFFFF  }
0x98: {  	s19 =	sld [smem:$0x3FDB];
	_ =	sdelay $0x1  }
0x99: {  	s4 =	simm.s32 $_scs_section_size  }
0x9a: {  	s5 =	simm.s32 $_size__tile_overlayer_lowered;
	s6 =	simm.s32 $_tile_overlayer_lowered  }
0x9b: {  	s22 =	simm.s32 $0x1BFF;
	s21 =	sshll.u32 s6, $0x1;
	s3 =	sadd.s32 s4, s19  }
0x9c: {  	s7 =	simm.s32 $0x0;
	s20 =	sshll.u32 s5, $0x1;
	s5 =	sadd.s32 s21, s3  }
0x9d: {  	[timem:s7], [sflag:s22] =	dma.local [hbm:s5], s20  }
0x9e: {  	_ =	swait.ge [sflag:s22], s20  }
0x9f: {  	s4 =	ssub.s32 $0x0, s20;
	[sflag:s22] =	ssyncset.done $0x0  }
0xa0: {  	[sflag:s22] =	ssyncadd.s32 s4;
	_ =	sdelay $0x1  }
0xa1: {  	s23 =	simm.s32 $0x1B8B  }
0xa2: {  	_ =	swait.ge [sflag:s23], $0x1  }
0xa3: {  	[sflag:s23] =	ssyncset.done $0x0  }
0xa4: {  	s25 =	simm.s32 $0x1B8E;
	s24 =	sld [smem:$0x3FFE];
	[sflag:s23] =	ssyncadd.s32 $0xFFFFFFFF  }
0xa5: {  	s26 =	simm.s32 $execute0_lowered;
	[smem:$0x3FD2] =	sst s25  }
0xa6: {  	s5 =	sshll.u32 s26, $0x1;
	_ =	strace $0x8000004F;
	[dreg:$0x1] =	wrdreg $0xFFFFFFFF  }
0xa7: {  	s28 =	simm.s32 $_size_execute0_lowered;
	s3 =	sadd.s32 s3, s5;
	[dreg:$0x0] =	wrdreg $0x0  }
0xa8: {  	s5 =	sshll.u32 s28, $0x1;
	[dreg:$0x2] =	wrdreg s3  }
0xa9: {  	[dreg:$0x3] =	wrdreg s5  }
0xaa: {  	[dreg:$0x4] =	wrdreg $0xC0  }
0xab: {  	_ =	task [dreg:s7], $0x5FFFF  }
0xac: {  	[dreg:$0x1] =	wrdreg $0xFFFFFFFF  }
0xad: {  	[dreg:$0x0] =	wrdreg $0x60  }
0xae: {  	[dreg:$0x2] =	wrdreg s24  }
0xaf: {  	[dreg:$0x3] =	wrdreg s2  }
0xb0: {  	[dreg:$0x4] =	wrdreg $0x61000  }
0xb1: {  	[dreg:$0x5] =	wrdreg $0x9  }
0xb2: {  	_ =	task.clear_ibuf [dreg:s7], $0x6FFFF;
	_ =	strace $0x9000004F  }
0xb3: {  	s29 =	simm.s32 $0x9;
	_ =	strace $0x80000051  }
0xb4: {  	_ =	swait.ge [sflag:s29], $0x1  }
0xb5: {  	[sflag:s29] =	ssyncadd.s32 $0xFFFFFFFF  }
0xb6: {  	_ =	strace $0x90000051  }
0xb7: {  	_ =	sfence  }
0xb8: {  	s30 =	sld [smem:$0x0];
	_ =	sdelay $0x2  }
0xb9: {  	s31 =	sshll.u32 s1, $0xD;
	s1 =	sshrl.u32 s1, $0x2  }
0xba: {  	s3 =	sand.u32 $0x4000, s31;
	s1 =	sadd.s32 s1, s30  }
0xbb: {  	s0 =	sor.u32 s3, s0;
	s1 =	sshll.u32 s1, $0x11  }
0xbc: {  	s0 =	sor.u32 s1, s0  }
0xbd: {  	s0 =	sadd.s32 $0x8F2B, s0  }
0xbe: {  	[sflag:s0] =	ssyncadd.remote.s32 $0x1  }
0xbf: {  	_ =	sfence.sel $0xFFFF  }
0xc0: {  	[dreg:$0x0] =	wrdreg $0xFFFFFFFF;
	(pc) =	sbr.abs _section_cstart, $3  }
0xc1: {  	[dreg:$0x1] =	wrdreg $0xFFFFFFFF  }
0xc2: {  	_ =	task.clear_ibuf [dreg:s7], $0x2FFFF;
	_ =	strace $0x9FFFFFFF  }
0xc3: {  	(tm) =	ssettm $0x7FFFFFFF  }
tec
execute0_lowered:
.L_overlay_start_1:
0x0: {  	(tag) =	ssettag $0x1  }
0x1: {  	s5 =	rddreg [dreg:$0x0]  }
0x2: {  	s19 =	rddreg [dreg:$0x1]  }
0x3: {  	s2 =	rddreg [dreg:$0x2]  }
0x4: {  	s0 =	rddreg [dreg:$0x3]  }
0x5: {  	s1 =	stileid.u32;
	s3 =	simm.s32 $0x0;
	s4 =	srdreg.scid  }
0x6: {  	s21 =	simm.s32 $0x2;
	s22 =	simm.s32 $0x80;
	s6 =	smul.u32 $0x1F80, s1  }
0x7: {  	s23 =	simm.s32 $0x100;
	s7 =	sand.u32 $0x1, s4;
	s4 =	smul.u32 $0x2F80, s1  }
0x8: {  	s24 =	simm.s32 $0x1;
	s25 =	simm.s32 $0x0;
	s8 =	smul.u32 $0x2800, s1  }
0x9: {  	[smem:$0x7FF] =	sst s3;
	s30 =	smul.u32 $0x50000, s1;
	p0 =	seq.s32 s7, $0x0  }
0xa: {  	s9 =	smul.u32 $0x28000, s7;
	s7 =	ssub.s32 $0x2, s7;
	s6 =	sadd.s32 $0x2F800, s6  }
0xb: {  	_ =	strace $0x80000050;
	s31 =	sshrl.u32 s7, $0x1;
	s6 =	smov.u32 @p0 s4  }
0xc: {  	s4 =	sadd.s32 $0xCC00, s5;
	s8 =	sadd.s32 s8, s9;
	s17 =	ssub.s32 s7, s31  }
0xd: {  	s20 =	sshrl.u32 s6, $0x3;
	s16 =	sadd.s32 s8, s5;
	s6 =	sshrl.u32 s30, $0x2  }
0xe: {  	s17 =	smax.u32 s17, $0x1;
	s18 =	sadd.s32 s20, s5;
	s5 =	simm.s32 $0x5F  }
0xf: {  	s6 =	sadd.s32 s6, s2;
	s16 =	sadd.s32 $0x5CC00, s16;
	s19 =	sadd.s32 s20, s19  }
0x10: {  	s20 =	simm.s32 $0x4100;
	s5 =	simm.s32 @!p0 $0x3F;
	s7 =	sadd.s32 $0x2000, s6  }
0x11: {  	s8 =	sadd.s32 $0x4000, s6;
	s9 =	sadd.s32 $0x6000, s6;
	s10 =	sadd.s32 $0x8000, s6  }
0x12: {  	s11 =	sadd.s32 $0xA000, s6;
	s12 =	sadd.s32 $0xC000, s6;
	s13 =	sadd.s32 $0xE000, s6  }
0x13: {  	v0 =	vimm.f32 $0.0e+00;
	s14 =	sadd.s32 $0x10000, s6;
	s15 =	sadd.s32 $0x12000, s6;
	s18 =	sadd.s32 $0x2E00, s18  }
.LBB2_1:
0x14: {  	s26 =	simm.s32 $0x0;
	s28 =	simm.s32 $0x200  }
.LBB2_2:
0x15: {  	p0 =	sne.s32 s28, $0x7E00;
	[tilespmem:s26+$0x4170] =	vst v0  }
0x16: {  	[tilespmem:s26+$0x4100] =	vst v0  }
0x17: {  	[tilespmem:s26+$0x4110] =	vst v0  }
.Ltmp0:
0x18: {  	[tilespmem:s26+$0x4120] =	vst v0;
	(pc) =	sbr.rel @p0 .LBB2_2-.Ltmp0, $4  }
0x19: {  	[tilespmem:s26+$0x4130] =	vst v0  }
0x1a: {  	[tilespmem:s26+$0x4140] =	vst v0  }
0x1b: {  	[tilespmem:s26+$0x4150] =	vst v0  }
0x1c: {  	[tilespmem:s26+$0x4160] =	vst v0;
	s26 =	sshra.s32 s28, $0x2;
	s28 =	sadd.s32 $0x200, s28  }
0x1d: {  	[tilespmem:s26+$0x4170] =	vst v0  }
0x1e: {  	[tilespmem:s26+$0x4100] =	vst v0  }
0x1f: {  	[tilespmem:s26+$0x4110] =	vst v0  }
0x20: {  	[tilespmem:s26+$0x4120] =	vst v0  }
0x21: {  	[tilespmem:s26+$0x4130] =	vst v0  }
0x22: {  	[tilespmem:s26+$0x4140] =	vst v0  }
0x23: {  	[tilespmem:s26+$0x4150] =	vst v0  }
0x24: {  	[tilespmem:s26+$0x4160] =	vst v0  }
0x25: {  	[spmem:s6] =	stream.linear.scatter [tilespmem:s20], [sflag:$0x2], $0x2000, $0x38;
	[tilespmem:$0x1A100] =	vst v63  }
0x26: {  	_ =	swait.ge [sflag:s21], $0x2000  }
0x27: {  	[sflag:s21] =	ssyncset.done $0x0  }
0x28: {  	[sflag:s21] =	ssyncadd.s32 $0xFFFFE000  }
0x29: {  	[spmem:s7] =	stream.linear.scatter [tilespmem:s20], [sflag:$0x2], $0x2000, $0x38;
	[tilespmem:$0x1A100] =	vst v63  }
0x2a: {  	_ =	swait.ge [sflag:s21], $0x2000  }
0x2b: {  	[sflag:s21] =	ssyncset.done $0x0  }
0x2c: {  	[sflag:s21] =	ssyncadd.s32 $0xFFFFE000  }
0x2d: {  	[spmem:s8] =	stream.linear.scatter [tilespmem:s20], [sflag:$0x2], $0x2000, $0x38;
	[tilespmem:$0x1A100] =	vst v63  }
0x2e: {  	_ =	swait.ge [sflag:s21], $0x2000  }
0x2f: {  	[sflag:s21] =	ssyncset.done $0x0  }
0x30: {  	[sflag:s21] =	ssyncadd.s32 $0xFFFFE000  }
0x31: {  	[spmem:s9] =	stream.linear.scatter [tilespmem:s20], [sflag:$0x2], $0x2000, $0x38;
	[tilespmem:$0x1A100] =	vst v63  }
0x32: {  	_ =	swait.ge [sflag:s21], $0x2000  }
0x33: {  	[sflag:s21] =	ssyncset.done $0x0  }
0x34: {  	[sflag:s21] =	ssyncadd.s32 $0xFFFFE000  }
0x35: {  	[spmem:s10] =	stream.linear.scatter [tilespmem:s20], [sflag:$0x2], $0x2000, $0x38;
	[tilespmem:$0x1A100] =	vst v63  }
0x36: {  	_ =	swait.ge [sflag:s21], $0x2000  }
0x37: {  	[sflag:s21] =	ssyncset.done $0x0  }
0x38: {  	[sflag:s21] =	ssyncadd.s32 $0xFFFFE000  }
0x39: {  	[spmem:s11] =	stream.linear.scatter [tilespmem:s20], [sflag:$0x2], $0x2000, $0x38;
	[tilespmem:$0x1A100] =	vst v63  }
0x3a: {  	_ =	swait.ge [sflag:s21], $0x2000  }
0x3b: {  	[sflag:s21] =	ssyncset.done $0x0  }
0x3c: {  	[sflag:s21] =	ssyncadd.s32 $0xFFFFE000  }
0x3d: {  	[spmem:s12] =	stream.linear.scatter [tilespmem:s20], [sflag:$0x2], $0x2000, $0x38;
	[tilespmem:$0x1A100] =	vst v63  }
0x3e: {  	_ =	swait.ge [sflag:s21], $0x2000  }
0x3f: {  	[sflag:s21] =	ssyncset.done $0x0  }
0x40: {  	[sflag:s21] =	ssyncadd.s32 $0xFFFFE000  }
0x41: {  	[spmem:s13] =	stream.linear.scatter [tilespmem:s20], [sflag:$0x2], $0x2000, $0x38;
	[tilespmem:$0x1A100] =	vst v63  }
0x42: {  	_ =	swait.ge [sflag:s21], $0x2000  }
0x43: {  	[sflag:s21] =	ssyncset.done $0x0  }
0x44: {  	[sflag:s21] =	ssyncadd.s32 $0xFFFFE000  }
0x45: {  	[spmem:s14] =	stream.linear.scatter [tilespmem:s20], [sflag:$0x2], $0x2000, $0x38;
	[tilespmem:$0x1A100] =	vst v63  }
0x46: {  	_ =	swait.ge [sflag:s21], $0x2000  }
0x47: {  	[sflag:s21] =	ssyncset.done $0x0  }
0x48: {  	[sflag:s21] =	ssyncadd.s32 $0xFFFFE000  }
0x49: {  	[spmem:s15] =	stream.linear.scatter [tilespmem:s20], [sflag:$0x2], $0x2000, $0x38;
	[tilespmem:$0x1A100] =	vst v63  }
0x4a: {  	_ =	swait.ge [sflag:s21], $0x2000  }
0x4b: {  	[sflag:s21] =	ssyncset.done $0x0  }
0x4c: {  	[sflag:s21] =	ssyncadd.s32 $0xFFFFE000  }
0x4d: {  	[bflag:$0x0] =	sbarrier.arrive $0xFFFF  }
0x4e: {  	[tilespmem:s3], [sflag:$0x2] =	stream.linear.gather [hbm4b:s19+s3], $0x80, $0x38;
	[tilespmem:$0x1A100] =	vst v63  }
0x4f: {  	_ =	swait.ge [sflag:s21], $0x80  }
0x50: {  	[sflag:s21] =	ssyncset.done $0x0  }
0x51: {  	[sflag:s21] =	ssyncadd.s32 $0xFFFFFF80  }
0x52: {  	[tilespmem:s22], [sflag:$0x2] =	stream.linear.gather [hbm4b:s18+s3], $0x80, $0x38;
	[tilespmem:$0x1A100] =	vst v63  }
0x53: {  	_ =	swait.ge [sflag:s21], $0x80  }
0x54: {  	[sflag:s21] =	ssyncset.done $0x0  }
0x55: {  	[sflag:s21] =	ssyncadd.s32 $0xFFFFFF80  }
0x56: {  	[tilespmem:s23], [sflag:$0x1] =	stream.indirect.gather [hbm4b:s4+s22], $0x80, s3, s22, $0xb8;
	[tilespmem:$0x1A100] =	vst v63  }
0x57: {  	p0 =	sne.s32 s5, $0x1;
	_ =	swait.ge [sflag:s24], $0x4000  }
.Ltmp1:
0x58: {  	[sflag:s24] =	ssyncset.done $0x0;
	(pc) =	sbr.rel @!p0 .LBB2_5-.Ltmp1, $4  }
0x59: {  	[sflag:s24] =	ssyncadd.s32 $0xFFFFC000  }
0x5a: {  	[spmem:s2] =	stream.indirect.scatter.add.f32 [tilespmem:s23], [sflag:$0x2], $0x80, s22, s22, $0xb8;
	[tilespmem:$0x1A100] =	vst v63  }
0x5b: {  	s26 =	sadd.s32 $0xFFFFFFFF, s5;
	_ =	swait.ge [sflag:s21], $0x4000  }
0x5c: {  	s28 =	smov.u32 s18;
	s29 =	smov.u32 s19;
	[sflag:s21] =	ssyncset.done $0x0  }
.LBB2_4:
0x5d: {  	[sflag:s21] =	ssyncadd.s32 $0xFFFFC000;
	s28 =	sadd.s32 $0x10, s28;
	s29 =	sadd.s32 $0x10, s29  }
0x5e: {  	[tilespmem:s3], [sflag:$0x2] =	stream.linear.gather [hbm4b:s29+s3], $0x80, $0x38;
	[tilespmem:$0x1A100] =	vst v63  }
0x5f: {  	p0 =	sne.s32 s26, $0x1;
	s26 =	sadd.s32 $0xFFFFFFFF, s26;
	_ =	swait.ge [sflag:s21], $0x80  }
0x60: {  	[sflag:s21] =	ssyncset.done $0x0  }
0x61: {  	[sflag:s21] =	ssyncadd.s32 $0xFFFFFF80  }
0x62: {  	[tilespmem:s22], [sflag:$0x2] =	stream.linear.gather [hbm4b:s28+s3], $0x80, $0x38;
	[tilespmem:$0x1A100] =	vst v63  }
0x63: {  	_ =	swait.ge [sflag:s21], $0x80  }
0x64: {  	[sflag:s21] =	ssyncset.done $0x0  }
0x65: {  	[sflag:s21] =	ssyncadd.s32 $0xFFFFFF80  }
0x66: {  	[tilespmem:s23], [sflag:$0x1] =	stream.indirect.gather [hbm4b:s4+s22], $0x80, s3, s22, $0xb8;
	[tilespmem:$0x1A100] =	vst v63  }
0x67: {  	_ =	swait.ge [sflag:s24], $0x4000  }
.Ltmp2:
0x68: {  	[sflag:s24] =	ssyncset.done $0x0;
	(pc) =	sbr.rel @p0 .LBB2_4-.Ltmp2, $4  }
0x69: {  	[sflag:s24] =	ssyncadd.s32 $0xFFFFC000  }
0x6a: {  	[spmem:s2] =	stream.indirect.scatter.add.f32 [tilespmem:s23], [sflag:$0x2], $0x80, s22, s22, $0xb8;
	[tilespmem:$0x1A100] =	vst v63  }
0x6b: {  	_ =	swait.ge [sflag:s21], $0x4000  }
0x6c: {  	[sflag:s21] =	ssyncset.done $0x0  }
.LBB2_5:
0x6d: {  	[sflag:s21] =	ssyncadd.s32 $0xFFFFC000;
	s25 =	sadd.s32 $0x1, s25  }
0x6e: {  	s26 =	sshll.u32 s1, $0x6;
	s28 =	sshrl.u32 s6, $0x3;
	p0 =	sne.s32 s25, s17  }
.Ltmp3:
0x6f: {  	[bflag:$0x0] =	sbarrier.arrive $0xFFFF;
	s26 =	sor.u32 $0x1C02, s26;
	(pc) =	sbr.rel @p0 .LBB2_1-.Ltmp3, $4  }
0x70: {  	[hbm:s16], [sflag:s26] =	dma.local [spmem:s28], $0x2800  }
0x71: {  	_ =	swait.ge [sflag:s21], $0x2800  }
0x72: {  	[sflag:s21] =	ssyncset.done $0x0  }
0x73: {  	[sflag:s21] =	ssyncadd.s32 $0xFFFFD800  }
0x74: {  	_ =	sfence.sel $0x180000  }
0x75: {  	[bflag:$0x0] =	sbarrier.arrive $0xFFFF  }
0x76: {  	p0 =	sne.s32 s1, $0x0;
	_ =	strace $0x90000050  }
0x77: {  	s0 =	sadd.s32 @!p0 $0x100000, s0;
	[bflag:$0x2] =	sbarrier.arrive $0xFFFF  }
0x78: {  	[sflag:s0] =	ssyncadd.tile.s32 @!p0 $0x1;
	_ =	shalt  }
.Lfunc_end2:
_tile_overlayer_lowered:
.L_overlay_start_2:
0x79: {  	(tag) =	ssettag $0x2  }
0x7a: {  	s0 =	rddreg [dreg:$0x0];
	s2 =	stileid.u32  }
0x7b: {  	s1 =	rddreg [dreg:$0x1];
	p0 =	sne.s32 s2, $0x0  }
0x7c: {  	s3 =	rddreg [dreg:$0x2];
	[bflag:$0x3] =	sbarrier.arrive $0xFFFF;
	s2 =	simm.s32 @!p0 $0x1C02  }
0x7d: {  	[timem:s3], [sflag:s2] =	dma.local @!p0 [hbm:s0], s1  }
0x7e: {  	s0 =	simm.s32 @!p0 $0x2  }
0x7f: {  	_ =	swait.ge @!p0 [sflag:s0], s1  }
0x80: {  	s1 =	ssub.s32 @!p0 $0x0, s1;
	[sflag:s0] =	ssyncset.done @!p0 $0x0  }
0x81: {  	[sflag:s0] =	ssyncadd.s32 @!p0 s1  }
0x82: {  	[bflag:$0x3] =	sbarrier.arrive $0xFFFF  }
0x83: {  	_ =	shalt  }

</sc_bundles>
